<compile_context>
chip_gen: v7x
topology: tpu7x:2x2x1
jax: 0.10.2.dev20260603
libtpu: 0.0.44.dev20260713+nightly
codegen_flags: <defaults>
</compile_context>

<pallas_src>
import jax
import jax.numpy as jnp
from jax import lax
from jax.experimental import pallas as pl
from jax.experimental.pallas import tpu as pltpu
from jax.experimental.pallas import tpu_sc as plsc

N = 10000
E = 320000
D = 128
G = 64
NCLS = 10

NC = 2
NS = 16
NW = NC * NS

P = 10240
EW = E // NW
K = 80
NCH = EW // K
NCHT = E // K
RT = P // NS
RC = RT // K

BLK = 512
NBLK = P // BLK


def _deg_body(ei, zvec, out, dstbuf, degbuf):
    cid = lax.axis_index("c")
    sid = lax.axis_index("s")
    wid = cid * NS + sid
    pltpu.sync_copy(ei.at[pl.ds(E + wid * EW, EW)], dstbuf)
    pltpu.sync_copy(zvec, degbuf)
    ones = jnp.ones((16,), jnp.float32)

    def step(i, carry):
        idx = dstbuf[pl.ds(pl.multiple_of(i * 16, 16), 16)]
        plsc.addupdate_scatter(degbuf, [idx], ones)
        return carry

    lax.fori_loop(0, EW // 16, step, 0)
    pltpu.sync_copy(degbuf, out.at[wid])


def _deg_call(ei, zvec):
    mesh = plsc.VectorSubcoreMesh(core_axis_name="c", subcore_axis_name="s", num_cores=NC, num_subcores=NS)
    return pl.kernel(
        _deg_body,
        out_type=jax.ShapeDtypeStruct((NW, P), jnp.float32),
        mesh=mesh,
        scratch_types=[
            pltpu.VMEM((EW,), jnp.int32),
            pltpu.VMEM((P,), jnp.float32),
        ],
        compiler_params=pltpu.CompilerParams(needs_layout_passes=False),
    )(ei, zvec)


NB = 3


def _agg_body(g, ei, zmat, out, srcbuf, acc, r0, r1, r2, d0, d1, d2,
              gs0, gs1, gs2, ss0, ss1, ss2, is0, is1, is2):
    cid = lax.axis_index("c")
    sid = lax.axis_index("s")
    wid = cid * NS + sid
    coff = wid * NCH
    rows = [r0, r1, r2]
    didx = [d0, d1, d2]
    gsem = [gs0, gs1, gs2]
    ssem = [ss0, ss1, ss2]
    isem = [is0, is1, is2]

    def wait_gather(c, b):
        pltpu.make_async_copy(
            g.at[srcbuf.at[pl.ds(c * K, K)]], rows[b], gsem[b]
        ).wait()

    def issue_scatter(c, b):
        pltpu.make_async_copy(ei.at[pl.ds(E + (coff + c) * K, K)], didx[b], isem[b]).wait()
        pltpu.async_copy(rows[b], acc.at[didx[b]], ssem[b], add=True)

    def drain_scatter(c, b):
        pltpu.make_async_copy(rows[b], acc.at[didx[b]], ssem[b]).wait()

    def refill(c, b):
        pltpu.async_copy(ei.at[pl.ds(E + (coff + c) * K, K)], didx[b], isem[b])
        pltpu.async_copy(g.at[srcbuf.at[pl.ds(c * K, K)]], rows[b], gsem[b])

    pltpu.sync_copy(zmat, r0)
    for k in range(RC):
        pltpu.sync_copy(r0, acc.at[pl.ds(sid * RT + k * K, K)])
    pltpu.sync_copy(ei.at[pl.ds(wid * EW, EW)], srcbuf)
    plsc.subcore_barrier()

    for b in range(NB):
        pltpu.async_copy(ei.at[pl.ds(E + (coff + b) * K, K)], didx[b], isem[b])
        pltpu.async_copy(g.at[srcbuf.at[pl.ds(b * K, K)]], rows[b], gsem[b])

    wait_gather(0, 0)
    issue_scatter(0, 0)

    def step(t, carry):
        for cc in range(NB):
            c = 1 + t * NB + cc
            b = (1 + cc) % NB
            bp = cc % NB
            wait_gather(c, b)
            issue_scatter(c, b)
            drain_scatter(c - 1, bp)

            @pl.when(c + 2 < NCH)
            def _():
                refill(c + 2, bp)

        return carry

    lax.fori_loop(0, (NCH - 2) // NB, step, 0)

    wait_gather(NCH - 1, (NCH - 1) % NB)
    issue_scatter(NCH - 1, (NCH - 1) % NB)
    drain_scatter(NCH - 2, (NCH - 2) % NB)
    drain_scatter(NCH - 1, (NCH - 1) % NB)

    plsc.subcore_barrier()
    for k in range(RC):
        base = sid * RT + k * K
        pltpu.sync_copy(acc.at[pl.ds(base, K)], r0)
        pltpu.sync_copy(r0, out.at[cid, pl.ds(base, K)])


def _agg_call(g, ei, zmat):
    mesh = plsc.VectorSubcoreMesh(core_axis_name="c", subcore_axis_name="s", num_cores=NC, num_subcores=NS)
    return pl.kernel(
        _agg_body,
        out_type=jax.ShapeDtypeStruct((NC, P, D), jnp.float32),
        mesh=mesh,
        scratch_types=[
            pltpu.VMEM((EW,), jnp.int32),
            pltpu.VMEM_SHARED((P, D), jnp.float32),
        ]
        + [pltpu.VMEM((K, D), jnp.float32)] * NB
        + [pltpu.VMEM((K,), jnp.int32)] * NB
        + [pltpu.SemaphoreType.DMA] * (3 * NB),
    )(g, ei, zmat)


def _dv_from_deg(degp_blk):
    ones = jnp.ones((NW, 1), jnp.float32)
    deg = lax.dot_general(
        degp_blk, ones, (((0,), (0,)), ((), ())),
        preferred_element_type=jnp.float32,
    )
    return lax.rsqrt(deg + 1.0)


def _mm_scale_body(x_ref, w_ref, degp_ref, g_ref):
    dv = _dv_from_deg(degp_ref[...])
    g_ref[...] = jnp.dot(x_ref[...], w_ref[...], preferred_element_type=jnp.float32) * dv


def _mm_scale_call(x, w, degp):
    return pl.pallas_call(
        _mm_scale_body,
        grid=(NBLK,),
        in_specs=[
            pl.BlockSpec((BLK, D), lambda i: (i, 0)),
            pl.BlockSpec((D, D), lambda i: (0, 0)),
            pl.BlockSpec((NW, BLK), lambda i: (0, i)),
        ],
        out_specs=pl.BlockSpec((BLK, D), lambda i: (i, 0)),
        out_shape=jax.ShapeDtypeStruct((P, D), jnp.float32),
    )(x, w, degp)


def _comb_mm_body(pp_ref, g_ref, degp_ref, b_ref, w_ref, o_ref):
    dv = _dv_from_deg(degp_ref[...])
    h = dv * (pp_ref[0] + pp_ref[1] + g_ref[...]) + b_ref[...]
    h = jnp.maximum(h, 0.0)
    o_ref[...] = jnp.dot(h, w_ref[...], preferred_element_type=jnp.float32) * dv


def _comb_mm_call(pp, g, degp, b, w):
    return pl.pallas_call(
        _comb_mm_body,
        grid=(NBLK,),
        in_specs=[
            pl.BlockSpec((NC, BLK, D), lambda i: (0, i, 0)),
            pl.BlockSpec((BLK, D), lambda i: (i, 0)),
            pl.BlockSpec((NW, BLK), lambda i: (0, i)),
            pl.BlockSpec((1, D), lambda i: (0, 0)),
            pl.BlockSpec((D, D), lambda i: (0, 0)),
        ],
        out_specs=pl.BlockSpec((BLK, D), lambda i: (i, 0)),
        out_shape=jax.ShapeDtypeStruct((P, D), jnp.float32),
    )(pp, g, degp, b, w)


def _final_body(qq_ref, g_ref, degp_ref, b_ref, bat_ref, wf_ref, bf_ref,
                o_ref, sums):
    i = pl.program_id(0)

    @pl.when(i == 0)
    def _():
        sums[...] = jnp.zeros_like(sums)

    dv = _dv_from_deg(degp_ref[...])
    h = dv * (qq_ref[0] + qq_ref[1] + g_ref[...]) + b_ref[...]
    h = jnp.maximum(h, 0.0)
    hx = jnp.concatenate([h, jnp.ones((BLK, D), jnp.float32)], axis=1)
    bt = jnp.broadcast_to(bat_ref[...], (G, BLK))
    rows = lax.broadcasted_iota(jnp.int32, (G, BLK), 0)
    oht = (bt == rows).astype(jnp.float32)
    sums[...] += jnp.dot(oht, hx, preferred_element_type=jnp.float32)

    @pl.when(i == NBLK - 1)
    def _():
        s = sums[...]
        pooled = s[:, :D] / jnp.maximum(s[:, D:], 1.0)
        logits = (
            jnp.dot(pooled, wf_ref[...], preferred_element_type=jnp.float32)
            + bf_ref[...]
        )
        m = jnp.max(logits, axis=1, keepdims=True)
        e = jnp.exp(logits - m)
        o_ref[...] = (e / jnp.sum(e, axis=1, keepdims=True))[:, :NCLS]


def _final_call(qq, g, degp, b, bat, wf, bf):
    return pl.pallas_call(
        _final_body,
        grid=(NBLK,),
        in_specs=[
            pl.BlockSpec((NC, BLK, D), lambda i: (0, i, 0)),
            pl.BlockSpec((BLK, D), lambda i: (i, 0)),
            pl.BlockSpec((NW, BLK), lambda i: (0, i)),
            pl.BlockSpec((1, D), lambda i: (0, 0)),
            pl.BlockSpec((1, BLK), lambda i: (0, i)),
            pl.BlockSpec((D, D), lambda i: (0, 0)),
            pl.BlockSpec((1, D), lambda i: (0, 0)),
        ],
        out_specs=pl.BlockSpec((G, NCLS), lambda i: (0, 0)),
        out_shape=jax.ShapeDtypeStruct((G, NCLS), jnp.float32),
        scratch_shapes=[pltpu.VMEM((G, 2 * D), jnp.float32)],
    )(qq, g, degp, b, bat, wf, bf)


def kernel(x, edge_index, batch, W1, b1, W2, b2, Wf, bf):
    ei = edge_index.astype(jnp.int32).reshape(2 * E)
    x_p = jnp.pad(x, ((0, P - N), (0, 0)))
    bat1 = jnp.concatenate(
        [batch.astype(jnp.int32), jnp.full((P - N,), G, jnp.int32)]
    ).reshape(1, P)
    zmat = jnp.zeros((K, D), jnp.float32)
    zvec = jnp.zeros((P,), jnp.float32)
    b1r = b1.reshape(1, D)
    b2r = b2.reshape(1, D)
    wfp = jnp.pad(Wf, ((0, 0), (0, D - NCLS)))
    bfp = jnp.concatenate([bf, jnp.full((D - NCLS,), -1e30, jnp.float32)]).reshape(1, D)

    degp = _deg_call(ei, zvec)
    g1 = _mm_scale_call(x_p, W1, degp)
    agg1 = _agg_call(g1, ei, zmat)
    g2 = _comb_mm_call(agg1, g1, degp, b1r, W2)
    agg2 = _agg_call(g2, ei, zmat)
    return _final_call(agg2, g2, degp, b2r, bat1, wfp, bfp)

# --- scband reference (transcript-rebuilt; emitter-appended) ---
"""Pipeline reference for scband-gcn-71116068488094 (READ-ONLY COPY).

The authoritative reference and input builder live on the scoring server;
editing this copy changes nothing except your own understanding.
"""

import jax, jax.numpy as jnp
import numpy as np

N_NODES = 10000
N_EDGES = 320000
D_NODE = 128
D_HID = [128, 128]
N_CLASSES = 10
N_GRAPHS = 64


def setup_inputs(seed: int = 0) -> dict:
    key = jax.random.key(seed)
    ks = jax.random.split(key, 10)
    x = jax.random.normal(ks[0], (N_NODES, D_NODE), dtype=jnp.float32)
    edge_index = jax.random.randint(ks[1], (2, N_EDGES), 0, N_NODES, dtype=jnp.int64 if jax.config.jax_enable_x64 else jnp.int32)
    batch = jnp.sort(jax.random.randint(ks[2], (N_NODES,), 0, N_GRAPHS, dtype=jnp.int64 if jax.config.jax_enable_x64 else jnp.int32))
    # GCNConv params (glorot for weight, zeros for bias, like PyG defaults)
    def glorot(k, shape):
        lim = jnp.sqrt(6.0 / (shape[0] + shape[1]))
        return jax.random.uniform(k, shape, dtype=jnp.float32, minval=-lim, maxval=lim)
    W1 = glorot(ks[3], (D_NODE, D_HID[0]))
    b1 = jnp.zeros((D_HID[0],), dtype=jnp.float32)
    W2 = glorot(ks[4], (D_HID[0], D_HID[1]))
    b2 = jnp.zeros((D_HID[1],), dtype=jnp.float32)
    # FFN linear
    lim = 1.0 / np.sqrt(D_HID[1])
    Wf = jax.random.uniform(ks[5], (D_HID[1], N_CLASSES), dtype=jnp.float32, minval=-lim, maxval=lim)
    bf = jax.random.uniform(ks[6], (N_CLASSES,), dtype=jnp.float32, minval=-lim, maxval=lim)
    return {"x": x, "edge_index": edge_index, "batch": batch,
            "W1": W1, "b1": b1, "W2": W2, "b2": b2, "Wf": Wf, "bf": bf}


def _gcn_conv(x, src, dst, W, b, n_nodes):
    # PyG GCNConv: linear transform, add self-loops, symmetric normalization, sum-aggregate, add bias
    h = x @ W
    loop = jnp.arange(n_nodes, dtype=src.dtype)
    s = jnp.concatenate([src, loop])
    d = jnp.concatenate([dst, loop])
    deg = jnp.zeros((n_nodes,), dtype=h.dtype).at[d].add(1.0)
    dinv = jnp.where(deg > 0, deg ** -0.5, 0.0)
    norm = dinv[s] * dinv[d]
    msg = h[s] * norm[:, None]
    out = jnp.zeros_like(h).at[d].add(msg)
    return out + b


def reference(x, edge_index, batch, W1, b1, W2, b2, Wf, bf):
    src = edge_index[0]
    dst = edge_index[1]
    h = _gcn_conv(x, src, dst, W1, b1, N_NODES)
    h = jax.nn.relu(h)
    h = _gcn_conv(h, src, dst, W2, b2, N_NODES)
    h = jax.nn.relu(h)
    # global mean pool over batch ids
    sums = jax.ops.segment_sum(h, batch, num_segments=N_GRAPHS)
    counts = jax.ops.segment_sum(jnp.ones((h.shape[0],), dtype=h.dtype), batch, num_segments=N_GRAPHS)
    pooled = sums / jnp.maximum(counts, 1.0)[:, None]
    # ffn: dropout (eval mode = identity) -> linear -> softmax
    logits = pooled @ Wf + bf
    return jax.nn.softmax(logits, axis=1)

if __name__ == "__main__":
    import jax
    _d = setup_inputs()
    print(jax.jit(kernel)(*tuple(_d.values())))

</pallas_src>

<mosaic_0001>
#map = affine_map<(d0, d1) -> (0)>
#map1 = affine_map<(d0, d1) -> (0, 0)>
module attributes {stable_mosaic.version = 14 : i64} {
  func.func @_deg_body(%arg0: i32, %arg1: i32, %arg2: memref<640000xi32, #tpu.memory_space<hbm>>, %arg3: memref<10240xf32, #tpu.memory_space<hbm>>, %arg4: memref<32x10240xf32, #tpu.memory_space<hbm>>, %arg5: memref<10000xi32, #tpu.memory_space<vmem>>, %arg6: memref<10240xf32, #tpu.memory_space<vmem>>) attributes {dimension_semantics = [#tpu.dimension_semantics<core_parallel>, #tpu.dimension_semantics<subcore_parallel>], iteration_bounds = array<i64: 2, 16>, scalar_prefetch = 0 : i64, scratch_operands = 2 : i64, tpu.core_type = #tpu.core_type<sc_vector_subcore>, window_params = [{transform_indices = #map}, {transform_indices = #map}, {transform_indices = #map1}]} {
    %mul3A = arith.constant 16 : i32
    %mul3A_0 = arith.muli %arg0, %mul3A : i32
    %add3A = arith.addi %mul3A_0, %arg1 : i32
    %mul3A_1 = arith.constant 10000 : i32
    %mul3A_2 = arith.muli %add3A, %mul3A_1 : i32
    %add3A_3 = arith.constant 320000 : i32
    %add3A_4 = arith.addi %add3A_3, %mul3A_2 : i32
    "tpu.region"() ({
      %run_scoped3A = tpu.sem_alloc : memref<!tpu.dma_semaphore, #tpu.memory_space<semaphore_mem>>
      %dma_start3A = tpu.memref_slice %arg2[%add3A_4] : memref<640000xi32, #tpu.memory_space<hbm>> -> memref<10000xi32, #tpu.memory_space<hbm>>
      %dma_start3A_11 = tpu.memref_slice %arg2[%add3A_4] : memref<640000xi32, #tpu.memory_space<hbm>> -> memref<10000xi32, #tpu.memory_space<hbm>>
      tpu.enqueue_dma source(%dma_start3A_11 : memref<10000xi32, #tpu.memory_space<hbm>>) target(%arg5 : memref<10000xi32, #tpu.memory_space<vmem>>) target_semaphore(%run_scoped3A : memref<!tpu.dma_semaphore, #tpu.memory_space<semaphore_mem>>)
      %dma_wait3A = tpu.memref_slice %arg2[%add3A_4] : memref<640000xi32, #tpu.memory_space<hbm>> -> memref<10000xi32, #tpu.memory_space<hbm>>
      %dma_wait3A_12 = tpu.memref_slice %arg2[%add3A_4] : memref<640000xi32, #tpu.memory_space<hbm>> -> memref<10000xi32, #tpu.memory_space<hbm>>
      tpu.wait_dma2 semaphore(%run_scoped3A : memref<!tpu.dma_semaphore, #tpu.memory_space<semaphore_mem>>) src(%dma_wait3A_12 : memref<10000xi32, #tpu.memory_space<hbm>>) dst(%arg5 : memref<10000xi32, #tpu.memory_space<vmem>>)
      tpu.yield
    }) : () -> ()
    "tpu.region"() ({
      %run_scoped3A = tpu.sem_alloc : memref<!tpu.dma_semaphore, #tpu.memory_space<semaphore_mem>>
      tpu.enqueue_dma source(%arg3 : memref<10240xf32, #tpu.memory_space<hbm>>) target(%arg6 : memref<10240xf32, #tpu.memory_space<vmem>>) target_semaphore(%run_scoped3A : memref<!tpu.dma_semaphore, #tpu.memory_space<semaphore_mem>>)
      tpu.wait_dma2 semaphore(%run_scoped3A : memref<!tpu.dma_semaphore, #tpu.memory_space<semaphore_mem>>) src(%arg3 : memref<10240xf32, #tpu.memory_space<hbm>>) dst(%arg6 : memref<10240xf32, #tpu.memory_space<vmem>>)
      tpu.yield
    }) : () -> ()
    %broadcast_in_dim3A = arith.constant 1.000000e+00 : f32
    %broadcast_in_dim3A_5 = vector.broadcast %broadcast_in_dim3A : f32 to vector<16xf32>
    %scan3A = arith.constant 0 : i32
    %scan3A_6 = arith.constant 0 : i32
    %scan3A_7 = arith.constant 625 : i32
    %scan3A_8 = arith.addi %scan3A_6, %scan3A_7 : i32
    %scan3A_9 = arith.constant 1 : i32
    scf.for %scan3A_11 = %scan3A_6 to %scan3A_8 step %scan3A_9  : i32 {
      %mul3A_12 = arith.constant 16 : i32
      %mul3A_13 = arith.muli %scan3A_11, %mul3A_12 : i32
      %multiple_of3A = tpu.assume_multiple %mul3A_13, 16 : i32
      %get3A = arith.index_cast %multiple_of3A : i32 to index
      %get3A_14 = tpu.vector_load %arg5[%get3A] {strides = array<i32>} : memref<10000xi32, #tpu.memory_space<vmem>>, vector<16xi32>,
      tpu.vector_store_idx %arg6[%get3A_14], %broadcast_in_dim3A_5 {add = true} : memref<10240xf32, #tpu.memory_space<vmem>>[vector<16xi32>], vector<16xf32>,
    }
    %scan3A_10 = arith.constant 625 : i32
    "tpu.region"() ({
      %run_scoped3A = tpu.sem_alloc : memref<!tpu.dma_semaphore, #tpu.memory_space<semaphore_mem>>
      %dma_start3A = arith.constant 0 : i32
      %dma_start3A_11 = tpu.memref_slice %arg4[%add3A, %dma_start3A] : memref<32x10240xf32, #tpu.memory_space<hbm>> -> memref<1x10240xf32, #tpu.memory_space<hbm>>
      %dma_start3A_12 = tpu.memref_squeeze %dma_start3A_11 : memref<1x10240xf32, #tpu.memory_space<hbm>> -> memref<10240xf32, #tpu.memory_space<hbm>>
      %dma_start3A_13 = arith.constant 0 : i32
      %dma_start3A_14 = tpu.memref_slice %arg4[%add3A, %dma_start3A_13] : memref<32x10240xf32, #tpu.memory_space<hbm>> -> memref<1x10240xf32, #tpu.memory_space<hbm>>
      %dma_start3A_15 = tpu.memref_squeeze %dma_start3A_14 : memref<1x10240xf32, #tpu.memory_space<hbm>> -> memref<10240xf32, #tpu.memory_space<hbm>>
      tpu.enqueue_dma source(%arg6 : memref<10240xf32, #tpu.memory_space<vmem>>) target(%dma_start3A_15 : memref<10240xf32, #tpu.memory_space<hbm>>) target_semaphore(%run_scoped3A : memref<!tpu.dma_semaphore, #tpu.memory_space<semaphore_mem>>)
      %dma_wait3A = arith.constant 0 : i32
      %dma_wait3A_16 = tpu.memref_slice %arg4[%add3A, %dma_wait3A] : memref<32x10240xf32, #tpu.memory_space<hbm>> -> memref<1x10240xf32, #tpu.memory_space<hbm>>
      %dma_wait3A_17 = tpu.memref_squeeze %dma_wait3A_16 : memref<1x10240xf32, #tpu.memory_space<hbm>> -> memref<10240xf32, #tpu.memory_space<hbm>>
      %dma_wait3A_18 = arith.constant 0 : i32
      %dma_wait3A_19 = tpu.memref_slice %arg4[%add3A, %dma_wait3A_18] : memref<32x10240xf32, #tpu.memory_space<hbm>> -> memref<1x10240xf32, #tpu.memory_space<hbm>>
      %dma_wait3A_20 = tpu.memref_squeeze %dma_wait3A_19 : memref<1x10240xf32, #tpu.memory_space<hbm>> -> memref<10240xf32, #tpu.memory_space<hbm>>
      tpu.wait_dma2 semaphore(%run_scoped3A : memref<!tpu.dma_semaphore, #tpu.memory_space<semaphore_mem>>) src(%arg6 : memref<10240xf32, #tpu.memory_space<vmem>>) dst(%dma_wait3A_20 : memref<10240xf32, #tpu.memory_space<hbm>>)
      tpu.yield
    }) : () -> ()
    return
  }
}

#map = affine_map<(d0, d1) -> (0, 0)>
#map1 = affine_map<(d0, d1) -> (0)>
#map2 = affine_map<(d0, d1) -> (0, 0, 0)>
module attributes {stable_mosaic.version = 14 : i64} {
  func.func @_agg_body(%arg0: i32, %arg1: i32, %arg2: memref<10240x128xf32, #tpu.memory_space<hbm>>, %arg3: memref<640000xi32, #tpu.memory_space<hbm>>, %arg4: memref<80x128xf32, #tpu.memory_space<hbm>>, %arg5: memref<2x10240x128xf32, #tpu.memory_space<hbm>>, %arg6: memref<10000xi32, #tpu.memory_space<vmem>>, %arg7: memref<10240x128xf32, #tpu.memory_space<vmem_shared>>, %arg8: memref<80x128xf32, #tpu.memory_space<vmem>>, %arg9: memref<80x128xf32, #tpu.memory_space<vmem>>, %arg10: memref<80x128xf32, #tpu.memory_space<vmem>>, %arg11: memref<80xi32, #tpu.memory_space<vmem>>, %arg12: memref<80xi32, #tpu.memory_space<vmem>>, %arg13: memref<80xi32, #tpu.memory_space<vmem>>, %arg14: memref<!tpu.dma_semaphore, #tpu.memory_space<semaphore_mem>>, %arg15: memref<!tpu.dma_semaphore, #tpu.memory_space<semaphore_mem>>, %arg16: memref<!tpu.dma_semaphore, #tpu.memory_space<semaphore_mem>>, %arg17: memref<!tpu.dma_semaphore, #tpu.memory_space<semaphore_mem>>, %arg18: memref<!tpu.dma_semaphore, #tpu.memory_space<semaphore_mem>>, %arg19: memref<!tpu.dma_semaphore, #tpu.memory_space<semaphore_mem>>, %arg20: memref<!tpu.dma_semaphore, #tpu.memory_space<semaphore_mem>>, %arg21: memref<!tpu.dma_semaphore, #tpu.memory_space<semaphore_mem>>, %arg22: memref<!tpu.dma_semaphore, #tpu.memory_space<semaphore_mem>>) attributes {dimension_semantics = [#tpu.dimension_semantics<core_parallel>, #tpu.dimension_semantics<subcore_parallel>], iteration_bounds = array<i64: 2, 16>, scalar_prefetch = 0 : i64, scratch_operands = 17 : i64, tpu.core_type = #tpu.core_type<sc_vector_subcore>, window_params = [{transform_indices = #map}, {transform_indices = #map1}, {transform_indices = #map}, {transform_indices = #map2}]} {
    %mul3A = arith.constant 16 : i32
    %mul3A_0 = arith.muli %arg0, %mul3A : i32
    %add3A = arith.addi %mul3A_0, %arg1 : i32
    %mul3A_1 = arith.constant 125 : i32
    %mul3A_2 = arith.muli %add3A, %mul3A_1 : i32
    "tpu.region"() ({
      %run_scoped3A = tpu.sem_alloc : memref<!tpu.dma_semaphore, #tpu.memory_space<semaphore_mem>>
      tpu.enqueue_dma source(%arg4 : memref<80x128xf32, #tpu.memory_space<hbm>>) target(%arg8 : memref<80x128xf32, #tpu.memory_space<vmem>>) target_semaphore(%run_scoped3A : memref<!tpu.dma_semaphore, #tpu.memory_space<semaphore_mem>>)
      tpu.wait_dma2 semaphore(%run_scoped3A : memref<!tpu.dma_semaphore, #tpu.memory_space<semaphore_mem>>) src(%arg4 : memref<80x128xf32, #tpu.memory_space<hbm>>) dst(%arg8 : memref<80x128xf32, #tpu.memory_space<vmem>>)
      tpu.yield
    }) : () -> ()
    %mul3A_3 = arith.constant 640 : i32
    %mul3A_4 = arith.muli %arg1, %mul3A_3 : i32
    %add3A_5 = arith.constant 0 : i32
    %add3A_6 = arith.addi %mul3A_4, %add3A_5 : i32
    "tpu.region"() ({
      %run_scoped3A = tpu.sem_alloc : memref<!tpu.dma_semaphore, #tpu.memory_space<semaphore_mem>>
      %dma_start3A_150 = arith.constant 0 : i32
      %dma_start3A_151 = tpu.memref_slice %arg7[%add3A_6, %dma_start3A_150] : memref<10240x128xf32, #tpu.memory_space<vmem_shared>> -> memref<80x128xf32, #tpu.memory_space<vmem_shared>>
      %dma_start3A_152 = arith.constant 0 : i32
      %dma_start3A_153 = tpu.memref_slice %arg7[%add3A_6, %dma_start3A_152] : memref<10240x128xf32, #tpu.memory_space<vmem_shared>> -> memref<80x128xf32, #tpu.memory_space<vmem_shared>>
      tpu.enqueue_dma source(%arg8 : memref<80x128xf32, #tpu.memory_space<vmem>>) target(%dma_start3A_153 : memref<80x128xf32, #tpu.memory_space<vmem_shared>>) target_semaphore(%run_scoped3A : memref<!tpu.dma_semaphore, #tpu.memory_space<semaphore_mem>>)
      %dma_wait3A_154 = arith.constant 0 : i32
      %dma_wait3A_155 = tpu.memref_slice %arg7[%add3A_6, %dma_wait3A_154] : memref<10240x128xf32, #tpu.memory_space<vmem_shared>> -> memref<80x128xf32, #tpu.memory_space<vmem_shared>>
      %dma_wait3A_156 = arith.constant 0 : i32
      %dma_wait3A_157 = tpu.memref_slice %arg7[%add3A_6, %dma_wait3A_156] : memref<10240x128xf32, #tpu.memory_space<vmem_shared>> -> memref<80x128xf32, #tpu.memory_space<vmem_shared>>
      tpu.wait_dma2 semaphore(%run_scoped3A : memref<!tpu.dma_semaphore, #tpu.memory_space<semaphore_mem>>) src(%arg8 : memref<80x128xf32, #tpu.memory_space<vmem>>) dst(%dma_wait3A_157 : memref<80x128xf32, #tpu.memory_space<vmem_shared>>)
      tpu.yield
    }) : () -> ()
    %mul3A_7 = arith.constant 640 : i32
    %mul3A_8 = arith.muli %arg1, %mul3A_7 : i32
    %add3A_9 = arith.constant 80 : i32
    %add3A_10 = arith.addi %mul3A_8, %add3A_9 : i32
    "tpu.region"() ({
      %run_scoped3A = tpu.sem_alloc : memref<!tpu.dma_semaphore, #tpu.memory_space<semaphore_mem>>
      %dma_start3A_150 = arith.constant 0 : i32
      %dma_start3A_151 = tpu.memref_slice %arg7[%add3A_10, %dma_start3A_150] : memref<10240x128xf32, #tpu.memory_space<vmem_shared>> -> memref<80x128xf32, #tpu.memory_space<vmem_shared>>
      %dma_start3A_152 = arith.constant 0 : i32
      %dma_start3A_153 = tpu.memref_slice %arg7[%add3A_10, %dma_start3A_152] : memref<10240x128xf32, #tpu.memory_space<vmem_shared>> -> memref<80x128xf32, #tpu.memory_space<vmem_shared>>
      tpu.enqueue_dma source(%arg8 : memref<80x128xf32, #tpu.memory_space<vmem>>) target(%dma_start3A_153 : memref<80x128xf32, #tpu.memory_space<vmem_shared>>) target_semaphore(%run_scoped3A : memref<!tpu.dma_semaphore, #tpu.memory_space<semaphore_mem>>)
      %dma_wait3A_154 = arith.constant 0 : i32
      %dma_wait3A_155 = tpu.memref_slice %arg7[%add3A_10, %dma_wait3A_154] : memref<10240x128xf32, #tpu.memory_space<vmem_shared>> -> memref<80x128xf32, #tpu.memory_space<vmem_shared>>
      %dma_wait3A_156 = arith.constant 0 : i32
      %dma_wait3A_157 = tpu.memref_slice %arg7[%add3A_10, %dma_wait3A_156] : memref<10240x128xf32, #tpu.memory_space<vmem_shared>> -> memref<80x128xf32, #tpu.memory_space<vmem_shared>>
      tpu.wait_dma2 semaphore(%run_scoped3A : memref<!tpu.dma_semaphore, #tpu.memory_space<semaphore_mem>>) src(%arg8 : memref<80x128xf32, #tpu.memory_space<vmem>>) dst(%dma_wait3A_157 : memref<80x128xf32, #tpu.memory_space<vmem_shared>>)
      tpu.yield
    }) : () -> ()
    %mul3A_11 = arith.constant 640 : i32
    %mul3A_12 = arith.muli %arg1, %mul3A_11 : i32
    %add3A_13 = arith.constant 160 : i32
    %add3A_14 = arith.addi %mul3A_12, %add3A_13 : i32
    "tpu.region"() ({
      %run_scoped3A = tpu.sem_alloc : memref<!tpu.dma_semaphore, #tpu.memory_space<semaphore_mem>>
      %dma_start3A_150 = arith.constant 0 : i32
      %dma_start3A_151 = tpu.memref_slice %arg7[%add3A_14, %dma_start3A_150] : memref<10240x128xf32, #tpu.memory_space<vmem_shared>> -> memref<80x128xf32, #tpu.memory_space<vmem_shared>>
      %dma_start3A_152 = arith.constant 0 : i32
      %dma_start3A_153 = tpu.memref_slice %arg7[%add3A_14, %dma_start3A_152] : memref<10240x128xf32, #tpu.memory_space<vmem_shared>> -> memref<80x128xf32, #tpu.memory_space<vmem_shared>>
      tpu.enqueue_dma source(%arg8 : memref<80x128xf32, #tpu.memory_space<vmem>>) target(%dma_start3A_153 : memref<80x128xf32, #tpu.memory_space<vmem_shared>>) target_semaphore(%run_scoped3A : memref<!tpu.dma_semaphore, #tpu.memory_space<semaphore_mem>>)
      %dma_wait3A_154 = arith.constant 0 : i32
      %dma_wait3A_155 = tpu.memref_slice %arg7[%add3A_14, %dma_wait3A_154] : memref<10240x128xf32, #tpu.memory_space<vmem_shared>> -> memref<80x128xf32, #tpu.memory_space<vmem_shared>>
      %dma_wait3A_156 = arith.constant 0 : i32
      %dma_wait3A_157 = tpu.memref_slice %arg7[%add3A_14, %dma_wait3A_156] : memref<10240x128xf32, #tpu.memory_space<vmem_shared>> -> memref<80x128xf32, #tpu.memory_space<vmem_shared>>
      tpu.wait_dma2 semaphore(%run_scoped3A : memref<!tpu.dma_semaphore, #tpu.memory_space<semaphore_mem>>) src(%arg8 : memref<80x128xf32, #tpu.memory_space<vmem>>) dst(%dma_wait3A_157 : memref<80x128xf32, #tpu.memory_space<vmem_shared>>)
      tpu.yield
    }) : () -> ()
    %mul3A_15 = arith.constant 640 : i32
    %mul3A_16 = arith.muli %arg1, %mul3A_15 : i32
    %add3A_17 = arith.constant 240 : i32
    %add3A_18 = arith.addi %mul3A_16, %add3A_17 : i32
    "tpu.region"() ({
      %run_scoped3A = tpu.sem_alloc : memref<!tpu.dma_semaphore, #tpu.memory_space<semaphore_mem>>
      %dma_start3A_150 = arith.constant 0 : i32
      %dma_start3A_151 = tpu.memref_slice %arg7[%add3A_18, %dma_start3A_150] : memref<10240x128xf32, #tpu.memory_space<vmem_shared>> -> memref<80x128xf32, #tpu.memory_space<vmem_shared>>
      %dma_start3A_152 = arith.constant 0 : i32
      %dma_start3A_153 = tpu.memref_slice %arg7[%add3A_18, %dma_start3A_152] : memref<10240x128xf32, #tpu.memory_space<vmem_shared>> -> memref<80x128xf32, #tpu.memory_space<vmem_shared>>
      tpu.enqueue_dma source(%arg8 : memref<80x128xf32, #tpu.memory_space<vmem>>) target(%dma_start3A_153 : memref<80x128xf32, #tpu.memory_space<vmem_shared>>) target_semaphore(%run_scoped3A : memref<!tpu.dma_semaphore, #tpu.memory_space<semaphore_mem>>)
      %dma_wait3A_154 = arith.constant 0 : i32
      %dma_wait3A_155 = tpu.memref_slice %arg7[%add3A_18, %dma_wait3A_154] : memref<10240x128xf32, #tpu.memory_space<vmem_shared>> -> memref<80x128xf32, #tpu.memory_space<vmem_shared>>
      %dma_wait3A_156 = arith.constant 0 : i32
      %dma_wait3A_157 = tpu.memref_slice %arg7[%add3A_18, %dma_wait3A_156] : memref<10240x128xf32, #tpu.memory_space<vmem_shared>> -> memref<80x128xf32, #tpu.memory_space<vmem_shared>>
      tpu.wait_dma2 semaphore(%run_scoped3A : memref<!tpu.dma_semaphore, #tpu.memory_space<semaphore_mem>>) src(%arg8 : memref<80x128xf32, #tpu.memory_space<vmem>>) dst(%dma_wait3A_157 : memref<80x128xf32, #tpu.memory_space<vmem_shared>>)
      tpu.yield
    }) : () -> ()
    %mul3A_19 = arith.constant 640 : i32
    %mul3A_20 = arith.muli %arg1, %mul3A_19 : i32
    %add3A_21 = arith.constant 320 : i32
    %add3A_22 = arith.addi %mul3A_20, %add3A_21 : i32
    "tpu.region"() ({
      %run_scoped3A = tpu.sem_alloc : memref<!tpu.dma_semaphore, #tpu.memory_space<semaphore_mem>>
      %dma_start3A_150 = arith.constant 0 : i32
      %dma_start3A_151 = tpu.memref_slice %arg7[%add3A_22, %dma_start3A_150] : memref<10240x128xf32, #tpu.memory_space<vmem_shared>> -> memref<80x128xf32, #tpu.memory_space<vmem_shared>>
      %dma_start3A_152 = arith.constant 0 : i32
      %dma_start3A_153 = tpu.memref_slice %arg7[%add3A_22, %dma_start3A_152] : memref<10240x128xf32, #tpu.memory_space<vmem_shared>> -> memref<80x128xf32, #tpu.memory_space<vmem_shared>>
      tpu.enqueue_dma source(%arg8 : memref<80x128xf32, #tpu.memory_space<vmem>>) target(%dma_start3A_153 : memref<80x128xf32, #tpu.memory_space<vmem_shared>>) target_semaphore(%run_scoped3A : memref<!tpu.dma_semaphore, #tpu.memory_space<semaphore_mem>>)
      %dma_wait3A_154 = arith.constant 0 : i32
      %dma_wait3A_155 = tpu.memref_slice %arg7[%add3A_22, %dma_wait3A_154] : memref<10240x128xf32, #tpu.memory_space<vmem_shared>> -> memref<80x128xf32, #tpu.memory_space<vmem_shared>>
      %dma_wait3A_156 = arith.constant 0 : i32
      %dma_wait3A_157 = tpu.memref_slice %arg7[%add3A_22, %dma_wait3A_156] : memref<10240x128xf32, #tpu.memory_space<vmem_shared>> -> memref<80x128xf32, #tpu.memory_space<vmem_shared>>
      tpu.wait_dma2 semaphore(%run_scoped3A : memref<!tpu.dma_semaphore, #tpu.memory_space<semaphore_mem>>) src(%arg8 : memref<80x128xf32, #tpu.memory_space<vmem>>) dst(%dma_wait3A_157 : memref<80x128xf32, #tpu.memory_space<vmem_shared>>)
      tpu.yield
    }) : () -> ()
    %mul3A_23 = arith.constant 640 : i32
    %mul3A_24 = arith.muli %arg1, %mul3A_23 : i32
    %add3A_25 = arith.constant 400 : i32
    %add3A_26 = arith.addi %mul3A_24, %add3A_25 : i32
    "tpu.region"() ({
      %run_scoped3A = tpu.sem_alloc : memref<!tpu.dma_semaphore, #tpu.memory_space<semaphore_mem>>
      %dma_start3A_150 = arith.constant 0 : i32
      %dma_start3A_151 = tpu.memref_slice %arg7[%add3A_26, %dma_start3A_150] : memref<10240x128xf32, #tpu.memory_space<vmem_shared>> -> memref<80x128xf32, #tpu.memory_space<vmem_shared>>
      %dma_start3A_152 = arith.constant 0 : i32
      %dma_start3A_153 = tpu.memref_slice %arg7[%add3A_26, %dma_start3A_152] : memref<10240x128xf32, #tpu.memory_space<vmem_shared>> -> memref<80x128xf32, #tpu.memory_space<vmem_shared>>
      tpu.enqueue_dma source(%arg8 : memref<80x128xf32, #tpu.memory_space<vmem>>) target(%dma_start3A_153 : memref<80x128xf32, #tpu.memory_space<vmem_shared>>) target_semaphore(%run_scoped3A : memref<!tpu.dma_semaphore, #tpu.memory_space<semaphore_mem>>)
      %dma_wait3A_154 = arith.constant 0 : i32
      %dma_wait3A_155 = tpu.memref_slice %arg7[%add3A_26, %dma_wait3A_154] : memref<10240x128xf32, #tpu.memory_space<vmem_shared>> -> memref<80x128xf32, #tpu.memory_space<vmem_shared>>
      %dma_wait3A_156 = arith.constant 0 : i32
      %dma_wait3A_157 = tpu.memref_slice %arg7[%add3A_26, %dma_wait3A_156] : memref<10240x128xf32, #tpu.memory_space<vmem_shared>> -> memref<80x128xf32, #tpu.memory_space<vmem_shared>>
      tpu.wait_dma2 semaphore(%run_scoped3A : memref<!tpu.dma_semaphore, #tpu.memory_space<semaphore_mem>>) src(%arg8 : memref<80x128xf32, #tpu.memory_space<vmem>>) dst(%dma_wait3A_157 : memref<80x128xf32, #tpu.memory_space<vmem_shared>>)
      tpu.yield
    }) : () -> ()
    %mul3A_27 = arith.constant 640 : i32
    %mul3A_28 = arith.muli %arg1, %mul3A_27 : i32
    %add3A_29 = arith.constant 480 : i32
    %add3A_30 = arith.addi %mul3A_28, %add3A_29 : i32
    "tpu.region"() ({
      %run_scoped3A = tpu.sem_alloc : memref<!tpu.dma_semaphore, #tpu.memory_space<semaphore_mem>>
      %dma_start3A_150 = arith.constant 0 : i32
      %dma_start3A_151 = tpu.memref_slice %arg7[%add3A_30, %dma_start3A_150] : memref<10240x128xf32, #tpu.memory_space<vmem_shared>> -> memref<80x128xf32, #tpu.memory_space<vmem_shared>>
      %dma_start3A_152 = arith.constant 0 : i32
      %dma_start3A_153 = tpu.memref_slice %arg7[%add3A_30, %dma_start3A_152] : memref<10240x128xf32, #tpu.memory_space<vmem_shared>> -> memref<80x128xf32, #tpu.memory_space<vmem_shared>>
      tpu.enqueue_dma source(%arg8 : memref<80x128xf32, #tpu.memory_space<vmem>>) target(%dma_start3A_153 : memref<80x128xf32, #tpu.memory_space<vmem_shared>>) target_semaphore(%run_scoped3A : memref<!tpu.dma_semaphore, #tpu.memory_space<semaphore_mem>>)
      %dma_wait3A_154 = arith.constant 0 : i32
      %dma_wait3A_155 = tpu.memref_slice %arg7[%add3A_30, %dma_wait3A_154] : memref<10240x128xf32, #tpu.memory_space<vmem_shared>> -> memref<80x128xf32, #tpu.memory_space<vmem_shared>>
      %dma_wait3A_156 = arith.constant 0 : i32
      %dma_wait3A_157 = tpu.memref_slice %arg7[%add3A_30, %dma_wait3A_156] : memref<10240x128xf32, #tpu.memory_space<vmem_shared>> -> memref<80x128xf32, #tpu.memory_space<vmem_shared>>
      tpu.wait_dma2 semaphore(%run_scoped3A : memref<!tpu.dma_semaphore, #tpu.memory_space<semaphore_mem>>) src(%arg8 : memref<80x128xf32, #tpu.memory_space<vmem>>) dst(%dma_wait3A_157 : memref<80x128xf32, #tpu.memory_space<vmem_shared>>)
      tpu.yield
    }) : () -> ()
    %mul3A_31 = arith.constant 640 : i32
    %mul3A_32 = arith.muli %arg1, %mul3A_31 : i32
    %add3A_33 = arith.constant 560 : i32
    %add3A_34 = arith.addi %mul3A_32, %add3A_33 : i32
    "tpu.region"() ({
      %run_scoped3A = tpu.sem_alloc : memref<!tpu.dma_semaphore, #tpu.memory_space<semaphore_mem>>
      %dma_start3A_150 = arith.constant 0 : i32
      %dma_start3A_151 = tpu.memref_slice %arg7[%add3A_34, %dma_start3A_150] : memref<10240x128xf32, #tpu.memory_space<vmem_shared>> -> memref<80x128xf32, #tpu.memory_space<vmem_shared>>
      %dma_start3A_152 = arith.constant 0 : i32
      %dma_start3A_153 = tpu.memref_slice %arg7[%add3A_34, %dma_start3A_152] : memref<10240x128xf32, #tpu.memory_space<vmem_shared>> -> memref<80x128xf32, #tpu.memory_space<vmem_shared>>
      tpu.enqueue_dma source(%arg8 : memref<80x128xf32, #tpu.memory_space<vmem>>) target(%dma_start3A_153 : memref<80x128xf32, #tpu.memory_space<vmem_shared>>) target_semaphore(%run_scoped3A : memref<!tpu.dma_semaphore, #tpu.memory_space<semaphore_mem>>)
      %dma_wait3A_154 = arith.constant 0 : i32
      %dma_wait3A_155 = tpu.memref_slice %arg7[%add3A_34, %dma_wait3A_154] : memref<10240x128xf32, #tpu.memory_space<vmem_shared>> -> memref<80x128xf32, #tpu.memory_space<vmem_shared>>
      %dma_wait3A_156 = arith.constant 0 : i32
      %dma_wait3A_157 = tpu.memref_slice %arg7[%add3A_34, %dma_wait3A_156] : memref<10240x128xf32, #tpu.memory_space<vmem_shared>> -> memref<80x128xf32, #tpu.memory_space<vmem_shared>>
      tpu.wait_dma2 semaphore(%run_scoped3A : memref<!tpu.dma_semaphore, #tpu.memory_space<semaphore_mem>>) src(%arg8 : memref<80x128xf32, #tpu.memory_space<vmem>>) dst(%dma_wait3A_157 : memref<80x128xf32, #tpu.memory_space<vmem_shared>>)
      tpu.yield
    }) : () -> ()
    %mul3A_35 = arith.constant 10000 : i32
    %mul3A_36 = arith.muli %add3A, %mul3A_35 : i32
    "tpu.region"() ({
      %run_scoped3A = tpu.sem_alloc : memref<!tpu.dma_semaphore, #tpu.memory_space<semaphore_mem>>
      %dma_start3A_150 = tpu.memref_slice %arg3[%mul3A_36] : memref<640000xi32, #tpu.memory_space<hbm>> -> memref<10000xi32, #tpu.memory_space<hbm>>
      %dma_start3A_151 = tpu.memref_slice %arg3[%mul3A_36] : memref<640000xi32, #tpu.memory_space<hbm>> -> memref<10000xi32, #tpu.memory_space<hbm>>
      tpu.enqueue_dma source(%dma_start3A_151 : memref<10000xi32, #tpu.memory_space<hbm>>) target(%arg6 : memref<10000xi32, #tpu.memory_space<vmem>>) target_semaphore(%run_scoped3A : memref<!tpu.dma_semaphore, #tpu.memory_space<semaphore_mem>>)
      %dma_wait3A_152 = tpu.memref_slice %arg3[%mul3A_36] : memref<640000xi32, #tpu.memory_space<hbm>> -> memref<10000xi32, #tpu.memory_space<hbm>>
      %dma_wait3A_153 = tpu.memref_slice %arg3[%mul3A_36] : memref<640000xi32, #tpu.memory_space<hbm>> -> memref<10000xi32, #tpu.memory_space<hbm>>
      tpu.wait_dma2 semaphore(%run_scoped3A : memref<!tpu.dma_semaphore, #tpu.memory_space<semaphore_mem>>) src(%dma_wait3A_153 : memref<10000xi32, #tpu.memory_space<hbm>>) dst(%arg6 : memref<10000xi32, #tpu.memory_space<vmem>>)
      tpu.yield
    }) : () -> ()
    %barrier3A = arith.constant 0 : index
    tpu.barrier barrier_id(%barrier3A)
    %add3A_37 = arith.constant 0 : i32
    %add3A_38 = arith.addi %mul3A_2, %add3A_37 : i32
    %mul3A_39 = arith.constant 80 : i32
    %mul3A_40 = arith.muli %add3A_38, %mul3A_39 : i32
    %add3A_41 = arith.constant 320000 : i32
    %add3A_42 = arith.addi %add3A_41, %mul3A_40 : i32
    %dma_start3A = tpu.memref_slice %arg3[%add3A_42] : memref<640000xi32, #tpu.memory_space<hbm>> -> memref<80xi32, #tpu.memory_space<hbm>>
    %dma_start3A_43 = tpu.memref_slice %arg3[%add3A_42] : memref<640000xi32, #tpu.memory_space<hbm>> -> memref<80xi32, #tpu.memory_space<hbm>>
    tpu.enqueue_dma source(%dma_start3A_43 : memref<80xi32, #tpu.memory_space<hbm>>) target(%arg11 : memref<80xi32, #tpu.memory_space<vmem>>) target_semaphore(%arg20 : memref<!tpu.dma_semaphore, #tpu.memory_space<semaphore_mem>>)
    %dma_start3A_44 = arith.constant 0 : i32
    %dma_start3A_45 = tpu.memref_slice %arg6[%dma_start3A_44] : memref<10000xi32, #tpu.memory_space<vmem>> -> memref<80xi32, #tpu.memory_space<vmem>>
    %dma_start3A_46 = arith.constant 0 : i32
    %dma_start3A_47 = arith.constant 0 : i32
    %dma_start3A_48 = tpu.memref_slice %arg2[%dma_start3A_46, %dma_start3A_47] : memref<10240x128xf32, #tpu.memory_space<hbm>> -> memref<10240x128xf32, #tpu.memory_space<hbm>>
    tpu.enqueue_indirect_dma source(%dma_start3A_48 : memref<10240x128xf32, #tpu.memory_space<hbm>>) target(%arg8 : memref<80x128xf32, #tpu.memory_space<vmem>>) offsets(%dma_start3A_45 : memref<80xi32, #tpu.memory_space<vmem>>) semaphore(%arg14 : memref<!tpu.dma_semaphore, #tpu.memory_space<semaphore_mem>>)
    %add3A_49 = arith.constant 1 : i32
    %add3A_50 = arith.addi %mul3A_2, %add3A_49 : i32
    %mul3A_51 = arith.constant 80 : i32
    %mul3A_52 = arith.muli %add3A_50, %mul3A_51 : i32
    %add3A_53 = arith.constant 320000 : i32
    %add3A_54 = arith.addi %add3A_53, %mul3A_52 : i32
    %dma_start3A_55 = tpu.memref_slice %arg3[%add3A_54] : memref<640000xi32, #tpu.memory_space<hbm>> -> memref<80xi32, #tpu.memory_space<hbm>>
    %dma_start3A_56 = tpu.memref_slice %arg3[%add3A_54] : memref<640000xi32, #tpu.memory_space<hbm>> -> memref<80xi32, #tpu.memory_space<hbm>>
    tpu.enqueue_dma source(%dma_start3A_56 : memref<80xi32, #tpu.memory_space<hbm>>) target(%arg12 : memref<80xi32, #tpu.memory_space<vmem>>) target_semaphore(%arg21 : memref<!tpu.dma_semaphore, #tpu.memory_space<semaphore_mem>>)
    %dma_start3A_57 = arith.constant 80 : i32
    %dma_start3A_58 = tpu.memref_slice %arg6[%dma_start3A_57] : memref<10000xi32, #tpu.memory_space<vmem>> -> memref<80xi32, #tpu.memory_space<vmem>>
    %dma_start3A_59 = arith.constant 0 : i32
    %dma_start3A_60 = arith.constant 0 : i32
    %dma_start3A_61 = tpu.memref_slice %arg2[%dma_start3A_59, %dma_start3A_60] : memref<10240x128xf32, #tpu.memory_space<hbm>> -> memref<10240x128xf32, #tpu.memory_space<hbm>>
    tpu.enqueue_indirect_dma source(%dma_start3A_61 : memref<10240x128xf32, #tpu.memory_space<hbm>>) target(%arg9 : memref<80x128xf32, #tpu.memory_space<vmem>>) offsets(%dma_start3A_58 : memref<80xi32, #tpu.memory_space<vmem>>) semaphore(%arg15 : memref<!tpu.dma_semaphore, #tpu.memory_space<semaphore_mem>>)
    %add3A_62 = arith.constant 2 : i32
    %add3A_63 = arith.addi %mul3A_2, %add3A_62 : i32
    %mul3A_64 = arith.constant 80 : i32
    %mul3A_65 = arith.muli %add3A_63, %mul3A_64 : i32
    %add3A_66 = arith.constant 320000 : i32
    %add3A_67 = arith.addi %add3A_66, %mul3A_65 : i32
    %dma_start3A_68 = tpu.memref_slice %arg3[%add3A_67] : memref<640000xi32, #tpu.memory_space<hbm>> -> memref<80xi32, #tpu.memory_space<hbm>>
    %dma_start3A_69 = tpu.memref_slice %arg3[%add3A_67] : memref<640000xi32, #tpu.memory_space<hbm>> -> memref<80xi32, #tpu.memory_space<hbm>>
    tpu.enqueue_dma source(%dma_start3A_69 : memref<80xi32, #tpu.memory_space<hbm>>) target(%arg13 : memref<80xi32, #tpu.memory_space<vmem>>) target_semaphore(%arg22 : memref<!tpu.dma_semaphore, #tpu.memory_space<semaphore_mem>>)
    %dma_start3A_70 = arith.constant 160 : i32
    %dma_start3A_71 = tpu.memref_slice %arg6[%dma_start3A_70] : memref<10000xi32, #tpu.memory_space<vmem>> -> memref<80xi32, #tpu.memory_space<vmem>>
    %dma_start3A_72 = arith.constant 0 : i32
    %dma_start3A_73 = arith.constant 0 : i32
    %dma_start3A_74 = tpu.memref_slice %arg2[%dma_start3A_72, %dma_start3A_73] : memref<10240x128xf32, #tpu.memory_space<hbm>> -> memref<10240x128xf32, #tpu.memory_space<hbm>>
    tpu.enqueue_indirect_dma source(%dma_start3A_74 : memref<10240x128xf32, #tpu.memory_space<hbm>>) target(%arg10 : memref<80x128xf32, #tpu.memory_space<vmem>>) offsets(%dma_start3A_71 : memref<80xi32, #tpu.memory_space<vmem>>) semaphore(%arg16 : memref<!tpu.dma_semaphore, #tpu.memory_space<semaphore_mem>>)
    %dma_wait3A = arith.constant 0 : i32
    %dma_wait3A_75 = tpu.memref_slice %arg6[%dma_wait3A] : memref<10000xi32, #tpu.memory_space<vmem>> -> memref<80xi32, #tpu.memory_space<vmem>>
    %dma_wait3A_76 = arith.constant 0 : i32
    %dma_wait3A_77 = arith.constant 0 : i32
    %dma_wait3A_78 = tpu.memref_slice %arg2[%dma_wait3A_76, %dma_wait3A_77] : memref<10240x128xf32, #tpu.memory_space<hbm>> -> memref<10240x128xf32, #tpu.memory_space<hbm>>
    tpu.wait_indirect_dma semaphore(%arg14 : memref<!tpu.dma_semaphore, #tpu.memory_space<semaphore_mem>>) src(%dma_wait3A_78 : memref<10240x128xf32, #tpu.memory_space<hbm>>) dst(%arg8 : memref<80x128xf32, #tpu.memory_space<vmem>>)
    %add3A_79 = arith.constant 0 : i32
    %add3A_80 = arith.addi %mul3A_2, %add3A_79 : i32
    %mul3A_81 = arith.constant 80 : i32
    %mul3A_82 = arith.muli %add3A_80, %mul3A_81 : i32
    %add3A_83 = arith.constant 320000 : i32
    %add3A_84 = arith.addi %add3A_83, %mul3A_82 : i32
    %dma_wait3A_85 = tpu.memref_slice %arg3[%add3A_84] : memref<640000xi32, #tpu.memory_space<hbm>> -> memref<80xi32, #tpu.memory_space<hbm>>
    %dma_wait3A_86 = tpu.memref_slice %arg3[%add3A_84] : memref<640000xi32, #tpu.memory_space<hbm>> -> memref<80xi32, #tpu.memory_space<hbm>>
    tpu.wait_dma2 semaphore(%arg20 : memref<!tpu.dma_semaphore, #tpu.memory_space<semaphore_mem>>) src(%dma_wait3A_86 : memref<80xi32, #tpu.memory_space<hbm>>) dst(%arg11 : memref<80xi32, #tpu.memory_space<vmem>>)
    %dma_start3A_87 = arith.constant 0 : i32
    %dma_start3A_88 = arith.constant 0 : i32
    %dma_start3A_89 = tpu.memref_slice %arg7[%dma_start3A_87, %dma_start3A_88] : memref<10240x128xf32, #tpu.memory_space<vmem_shared>> -> memref<10240x128xf32, #tpu.memory_space<vmem_shared>>
    tpu.enqueue_indirect_dma source(%arg8 : memref<80x128xf32, #tpu.memory_space<vmem>>) target(%dma_start3A_89 : memref<10240x128xf32, #tpu.memory_space<vmem_shared>>) offsets(%arg11 : memref<80xi32, #tpu.memory_space<vmem>>) semaphore(%arg17 : memref<!tpu.dma_semaphore, #tpu.memory_space<semaphore_mem>>) {add = true}
    %scan3A = arith.constant 0 : i32
    %scan3A_90 = arith.constant 0 : i32
    %scan3A_91 = arith.constant 41 : i32
    %scan3A_92 = arith.addi %scan3A_90, %scan3A_91 : i32
    %scan3A_93 = arith.constant 1 : i32
    scf.for %scan3A_150 = %scan3A_90 to %scan3A_92 step %scan3A_93  : i32 {
      %mul3A_151 = arith.constant 3 : i32
      %mul3A_152 = arith.muli %scan3A_150, %mul3A_151 : i32
      %add3A_153 = arith.constant 1 : i32
      %add3A_154 = arith.addi %add3A_153, %mul3A_152 : i32
      %add3A_155 = arith.constant 0 : i32
      %add3A_156 = arith.addi %add3A_154, %add3A_155 : i32
      %mul3A_157 = arith.constant 80 : i32
      %mul3A_158 = arith.muli %add3A_156, %mul3A_157 : i32
      %dma_wait3A_159 = tpu.memref_slice %arg6[%mul3A_158] : memref<10000xi32, #tpu.memory_space<vmem>> -> memref<80xi32, #tpu.memory_space<vmem>>
      %dma_wait3A_160 = arith.constant 0 : i32
      %dma_wait3A_161 = arith.constant 0 : i32
      %dma_wait3A_162 = tpu.memref_slice %arg2[%dma_wait3A_160, %dma_wait3A_161] : memref<10240x128xf32, #tpu.memory_space<hbm>> -> memref<10240x128xf32, #tpu.memory_space<hbm>>
      tpu.wait_indirect_dma semaphore(%arg15 : memref<!tpu.dma_semaphore, #tpu.memory_space<semaphore_mem>>) src(%dma_wait3A_162 : memref<10240x128xf32, #tpu.memory_space<hbm>>) dst(%arg9 : memref<80x128xf32, #tpu.memory_space<vmem>>)
      %add3A_163 = arith.addi %mul3A_2, %add3A_156 : i32
      %mul3A_164 = arith.constant 80 : i32
      %mul3A_165 = arith.muli %add3A_163, %mul3A_164 : i32
      %add3A_166 = arith.constant 320000 : i32
      %add3A_167 = arith.addi %add3A_166, %mul3A_165 : i32
      %dma_wait3A_168 = tpu.memref_slice %arg3[%add3A_167] : memref<640000xi32, #tpu.memory_space<hbm>> -> memref<80xi32, #tpu.memory_space<hbm>>
      %dma_wait3A_169 = tpu.memref_slice %arg3[%add3A_167] : memref<640000xi32, #tpu.memory_space<hbm>> -> memref<80xi32, #tpu.memory_space<hbm>>
      tpu.wait_dma2 semaphore(%arg21 : memref<!tpu.dma_semaphore, #tpu.memory_space<semaphore_mem>>) src(%dma_wait3A_169 : memref<80xi32, #tpu.memory_space<hbm>>) dst(%arg12 : memref<80xi32, #tpu.memory_space<vmem>>)
      %dma_start3A_170 = arith.constant 0 : i32
      %dma_start3A_171 = arith.constant 0 : i32
      %dma_start3A_172 = tpu.memref_slice %arg7[%dma_start3A_170, %dma_start3A_171] : memref<10240x128xf32, #tpu.memory_space<vmem_shared>> -> memref<10240x128xf32, #tpu.memory_space<vmem_shared>>
      tpu.enqueue_indirect_dma source(%arg9 : memref<80x128xf32, #tpu.memory_space<vmem>>) target(%dma_start3A_172 : memref<10240x128xf32, #tpu.memory_space<vmem_shared>>) offsets(%arg12 : memref<80xi32, #tpu.memory_space<vmem>>) semaphore(%arg18 : memref<!tpu.dma_semaphore, #tpu.memory_space<semaphore_mem>>) {add = true}
      %sub3A = arith.constant 1 : i32
      %sub3A_173 = arith.subi %add3A_156, %sub3A : i32
      %dma_wait3A_174 = arith.constant 0 : i32
      %dma_wait3A_175 = arith.constant 0 : i32
      %dma_wait3A_176 = tpu.memref_slice %arg7[%dma_wait3A_174, %dma_wait3A_175] : memref<10240x128xf32, #tpu.memory_space<vmem_shared>> -> memref<10240x128xf32, #tpu.memory_space<vmem_shared>>
      tpu.wait_indirect_dma semaphore(%arg17 : memref<!tpu.dma_semaphore, #tpu.memory_space<semaphore_mem>>) src(%arg8 : memref<80x128xf32, #tpu.memory_space<vmem>>) dst(%dma_wait3A_176 : memref<10240x128xf32, #tpu.memory_space<vmem_shared>>)
      %add3A_177 = arith.constant 2 : i32
      %add3A_178 = arith.addi %add3A_156, %add3A_177 : i32
      %lt3A = arith.constant 125 : i32
      %lt3A_179 = arith.cmpi slt, %add3A_178, %lt3A : i32
      %convert_element_type3A = arith.extui %lt3A_179 : i1 to i32
      %cond3A = arith.constant 0 : i32
      %cond3A_180 = arith.cmpi ne, %convert_element_type3A, %cond3A : i32
      scf.if %cond3A_180 {
        %add3A_249 = arith.constant 2 : i32
        %add3A_250 = arith.addi %add3A_156, %add3A_249 : i32
        %add3A_251 = arith.addi %mul3A_2, %add3A_250 : i32
        %mul3A_252 = arith.constant 80 : i32
        %mul3A_253 = arith.muli %add3A_251, %mul3A_252 : i32
        %add3A_254 = arith.constant 320000 : i32
        %add3A_255 = arith.addi %add3A_254, %mul3A_253 : i32
        %dma_start3A_256 = tpu.memref_slice %arg3[%add3A_255] : memref<640000xi32, #tpu.memory_space<hbm>> -> memref<80xi32, #tpu.memory_space<hbm>>
        %dma_start3A_257 = tpu.memref_slice %arg3[%add3A_255] : memref<640000xi32, #tpu.memory_space<hbm>> -> memref<80xi32, #tpu.memory_space<hbm>>
        tpu.enqueue_dma source(%dma_start3A_257 : memref<80xi32, #tpu.memory_space<hbm>>) target(%arg11 : memref<80xi32, #tpu.memory_space<vmem>>) target_semaphore(%arg20 : memref<!tpu.dma_semaphore, #tpu.memory_space<semaphore_mem>>)
        %mul3A_258 = arith.constant 80 : i32
        %mul3A_259 = arith.muli %add3A_250, %mul3A_258 : i32
        %dma_start3A_260 = tpu.memref_slice %arg6[%mul3A_259] : memref<10000xi32, #tpu.memory_space<vmem>> -> memref<80xi32, #tpu.memory_space<vmem>>
        %dma_start3A_261 = arith.constant 0 : i32
        %dma_start3A_262 = arith.constant 0 : i32
        %dma_start3A_263 = tpu.memref_slice %arg2[%dma_start3A_261, %dma_start3A_262] : memref<10240x128xf32, #tpu.memory_space<hbm>> -> memref<10240x128xf32, #tpu.memory_space<hbm>>
        tpu.enqueue_indirect_dma source(%dma_start3A_263 : memref<10240x128xf32, #tpu.memory_space<hbm>>) target(%arg8 : memref<80x128xf32, #tpu.memory_space<vmem>>) offsets(%dma_start3A_260 : memref<80xi32, #tpu.memory_space<vmem>>) semaphore(%arg14 : memref<!tpu.dma_semaphore, #tpu.memory_space<semaphore_mem>>)
      } else {
      }
      %mul3A_181 = arith.constant 3 : i32
      %mul3A_182 = arith.muli %scan3A_150, %mul3A_181 : i32
      %add3A_183 = arith.constant 1 : i32
      %add3A_184 = arith.addi %add3A_183, %mul3A_182 : i32
      %add3A_185 = arith.constant 1 : i32
      %add3A_186 = arith.addi %add3A_184, %add3A_185 : i32
      %mul3A_187 = arith.constant 80 : i32
      %mul3A_188 = arith.muli %add3A_186, %mul3A_187 : i32
      %dma_wait3A_189 = tpu.memref_slice %arg6[%mul3A_188] : memref<10000xi32, #tpu.memory_space<vmem>> -> memref<80xi32, #tpu.memory_space<vmem>>
      %dma_wait3A_190 = arith.constant 0 : i32
      %dma_wait3A_191 = arith.constant 0 : i32
      %dma_wait3A_192 = tpu.memref_slice %arg2[%dma_wait3A_190, %dma_wait3A_191] : memref<10240x128xf32, #tpu.memory_space<hbm>> -> memref<10240x128xf32, #tpu.memory_space<hbm>>
      tpu.wait_indirect_dma semaphore(%arg16 : memref<!tpu.dma_semaphore, #tpu.memory_space<semaphore_mem>>) src(%dma_wait3A_192 : memref<10240x128xf32, #tpu.memory_space<hbm>>) dst(%arg10 : memref<80x128xf32, #tpu.memory_space<vmem>>)
      %add3A_193 = arith.addi %mul3A_2, %add3A_186 : i32
      %mul3A_194 = arith.constant 80 : i32
      %mul3A_195 = arith.muli %add3A_193, %mul3A_194 : i32
      %add3A_196 = arith.constant 320000 : i32
      %add3A_197 = arith.addi %add3A_196, %mul3A_195 : i32
      %dma_wait3A_198 = tpu.memref_slice %arg3[%add3A_197] : memref<640000xi32, #tpu.memory_space<hbm>> -> memref<80xi32, #tpu.memory_space<hbm>>
      %dma_wait3A_199 = tpu.memref_slice %arg3[%add3A_197] : memref<640000xi32, #tpu.memory_space<hbm>> -> memref<80xi32, #tpu.memory_space<hbm>>
      tpu.wait_dma2 semaphore(%arg22 : memref<!tpu.dma_semaphore, #tpu.memory_space<semaphore_mem>>) src(%dma_wait3A_199 : memref<80xi32, #tpu.memory_space<hbm>>) dst(%arg13 : memref<80xi32, #tpu.memory_space<vmem>>)
      %dma_start3A_200 = arith.constant 0 : i32
      %dma_start3A_201 = arith.constant 0 : i32
      %dma_start3A_202 = tpu.memref_slice %arg7[%dma_start3A_200, %dma_start3A_201] : memref<10240x128xf32, #tpu.memory_space<vmem_shared>> -> memref<10240x128xf32, #tpu.memory_space<vmem_shared>>
      tpu.enqueue_indirect_dma source(%arg10 : memref<80x128xf32, #tpu.memory_space<vmem>>) target(%dma_start3A_202 : memref<10240x128xf32, #tpu.memory_space<vmem_shared>>) offsets(%arg13 : memref<80xi32, #tpu.memory_space<vmem>>) semaphore(%arg19 : memref<!tpu.dma_semaphore, #tpu.memory_space<semaphore_mem>>) {add = true}
      %sub3A_203 = arith.constant 1 : i32
      %sub3A_204 = arith.subi %add3A_186, %sub3A_203 : i32
      %dma_wait3A_205 = arith.constant 0 : i32
      %dma_wait3A_206 = arith.constant 0 : i32
      %dma_wait3A_207 = tpu.memref_slice %arg7[%dma_wait3A_205, %dma_wait3A_206] : memref<10240x128xf32, #tpu.memory_space<vmem_shared>> -> memref<10240x128xf32, #tpu.memory_space<vmem_shared>>
      tpu.wait_indirect_dma semaphore(%arg18 : memref<!tpu.dma_semaphore, #tpu.memory_space<semaphore_mem>>) src(%arg9 : memref<80x128xf32, #tpu.memory_space<vmem>>) dst(%dma_wait3A_207 : memref<10240x128xf32, #tpu.memory_space<vmem_shared>>)
      %add3A_208 = arith.constant 2 : i32
      %add3A_209 = arith.addi %add3A_186, %add3A_208 : i32
      %lt3A_210 = arith.constant 125 : i32
      %lt3A_211 = arith.cmpi slt, %add3A_209, %lt3A_210 : i32
      %convert_element_type3A_212 = arith.extui %lt3A_211 : i1 to i32
      %cond3A_213 = arith.constant 0 : i32
      %cond3A_214 = arith.cmpi ne, %convert_element_type3A_212, %cond3A_213 : i32
      scf.if %cond3A_214 {
        %add3A_249 = arith.constant 2 : i32
        %add3A_250 = arith.addi %add3A_186, %add3A_249 : i32
        %add3A_251 = arith.addi %mul3A_2, %add3A_250 : i32
        %mul3A_252 = arith.constant 80 : i32
        %mul3A_253 = arith.muli %add3A_251, %mul3A_252 : i32
        %add3A_254 = arith.constant 320000 : i32
        %add3A_255 = arith.addi %add3A_254, %mul3A_253 : i32
        %dma_start3A_256 = tpu.memref_slice %arg3[%add3A_255] : memref<640000xi32, #tpu.memory_space<hbm>> -> memref<80xi32, #tpu.memory_space<hbm>>
        %dma_start3A_257 = tpu.memref_slice %arg3[%add3A_255] : memref<640000xi32, #tpu.memory_space<hbm>> -> memref<80xi32, #tpu.memory_space<hbm>>
        tpu.enqueue_dma source(%dma_start3A_257 : memref<80xi32, #tpu.memory_space<hbm>>) target(%arg12 : memref<80xi32, #tpu.memory_space<vmem>>) target_semaphore(%arg21 : memref<!tpu.dma_semaphore, #tpu.memory_space<semaphore_mem>>)
        %mul3A_258 = arith.constant 80 : i32
        %mul3A_259 = arith.muli %add3A_250, %mul3A_258 : i32
        %dma_start3A_260 = tpu.memref_slice %arg6[%mul3A_259] : memref<10000xi32, #tpu.memory_space<vmem>> -> memref<80xi32, #tpu.memory_space<vmem>>
        %dma_start3A_261 = arith.constant 0 : i32
        %dma_start3A_262 = arith.constant 0 : i32
        %dma_start3A_263 = tpu.memref_slice %arg2[%dma_start3A_261, %dma_start3A_262] : memref<10240x128xf32, #tpu.memory_space<hbm>> -> memref<10240x128xf32, #tpu.memory_space<hbm>>
        tpu.enqueue_indirect_dma source(%dma_start3A_263 : memref<10240x128xf32, #tpu.memory_space<hbm>>) target(%arg9 : memref<80x128xf32, #tpu.memory_space<vmem>>) offsets(%dma_start3A_260 : memref<80xi32, #tpu.memory_space<vmem>>) semaphore(%arg15 : memref<!tpu.dma_semaphore, #tpu.memory_space<semaphore_mem>>)
      } else {
      }
      %mul3A_215 = arith.constant 3 : i32
      %mul3A_216 = arith.muli %scan3A_150, %mul3A_215 : i32
      %add3A_217 = arith.constant 1 : i32
      %add3A_218 = arith.addi %add3A_217, %mul3A_216 : i32
      %add3A_219 = arith.constant 2 : i32
      %add3A_220 = arith.addi %add3A_218, %add3A_219 : i32
      %mul3A_221 = arith.constant 80 : i32
      %mul3A_222 = arith.muli %add3A_220, %mul3A_221 : i32
      %dma_wait3A_223 = tpu.memref_slice %arg6[%mul3A_222] : memref<10000xi32, #tpu.memory_space<vmem>> -> memref<80xi32, #tpu.memory_space<vmem>>
      %dma_wait3A_224 = arith.constant 0 : i32
      %dma_wait3A_225 = arith.constant 0 : i32
      %dma_wait3A_226 = tpu.memref_slice %arg2[%dma_wait3A_224, %dma_wait3A_225] : memref<10240x128xf32, #tpu.memory_space<hbm>> -> memref<10240x128xf32, #tpu.memory_space<hbm>>
      tpu.wait_indirect_dma semaphore(%arg14 : memref<!tpu.dma_semaphore, #tpu.memory_space<semaphore_mem>>) src(%dma_wait3A_226 : memref<10240x128xf32, #tpu.memory_space<hbm>>) dst(%arg8 : memref<80x128xf32, #tpu.memory_space<vmem>>)
      %add3A_227 = arith.addi %mul3A_2, %add3A_220 : i32
      %mul3A_228 = arith.constant 80 : i32
      %mul3A_229 = arith.muli %add3A_227, %mul3A_228 : i32
      %add3A_230 = arith.constant 320000 : i32
      %add3A_231 = arith.addi %add3A_230, %mul3A_229 : i32
      %dma_wait3A_232 = tpu.memref_slice %arg3[%add3A_231] : memref<640000xi32, #tpu.memory_space<hbm>> -> memref<80xi32, #tpu.memory_space<hbm>>
      %dma_wait3A_233 = tpu.memref_slice %arg3[%add3A_231] : memref<640000xi32, #tpu.memory_space<hbm>> -> memref<80xi32, #tpu.memory_space<hbm>>
      tpu.wait_dma2 semaphore(%arg20 : memref<!tpu.dma_semaphore, #tpu.memory_space<semaphore_mem>>) src(%dma_wait3A_233 : memref<80xi32, #tpu.memory_space<hbm>>) dst(%arg11 : memref<80xi32, #tpu.memory_space<vmem>>)
      %dma_start3A_234 = arith.constant 0 : i32
      %dma_start3A_235 = arith.constant 0 : i32
      %dma_start3A_236 = tpu.memref_slice %arg7[%dma_start3A_234, %dma_start3A_235] : memref<10240x128xf32, #tpu.memory_space<vmem_shared>> -> memref<10240x128xf32, #tpu.memory_space<vmem_shared>>
      tpu.enqueue_indirect_dma source(%arg8 : memref<80x128xf32, #tpu.memory_space<vmem>>) target(%dma_start3A_236 : memref<10240x128xf32, #tpu.memory_space<vmem_shared>>) offsets(%arg11 : memref<80xi32, #tpu.memory_space<vmem>>) semaphore(%arg17 : memref<!tpu.dma_semaphore, #tpu.memory_space<semaphore_mem>>) {add = true}
      %sub3A_237 = arith.constant 1 : i32
      %sub3A_238 = arith.subi %add3A_220, %sub3A_237 : i32
      %dma_wait3A_239 = arith.constant 0 : i32
      %dma_wait3A_240 = arith.constant 0 : i32
      %dma_wait3A_241 = tpu.memref_slice %arg7[%dma_wait3A_239, %dma_wait3A_240] : memref<10240x128xf32, #tpu.memory_space<vmem_shared>> -> memref<10240x128xf32, #tpu.memory_space<vmem_shared>>
      tpu.wait_indirect_dma semaphore(%arg19 : memref<!tpu.dma_semaphore, #tpu.memory_space<semaphore_mem>>) src(%arg10 : memref<80x128xf32, #tpu.memory_space<vmem>>) dst(%dma_wait3A_241 : memref<10240x128xf32, #tpu.memory_space<vmem_shared>>)
      %add3A_242 = arith.constant 2 : i32
      %add3A_243 = arith.addi %add3A_220, %add3A_242 : i32
      %lt3A_244 = arith.constant 125 : i32
      %lt3A_245 = arith.cmpi slt, %add3A_243, %lt3A_244 : i32
      %convert_element_type3A_246 = arith.extui %lt3A_245 : i1 to i32
      %cond3A_247 = arith.constant 0 : i32
      %cond3A_248 = arith.cmpi ne, %convert_element_type3A_246, %cond3A_247 : i32
      scf.if %cond3A_248 {
        %add3A_249 = arith.constant 2 : i32
        %add3A_250 = arith.addi %add3A_220, %add3A_249 : i32
        %add3A_251 = arith.addi %mul3A_2, %add3A_250 : i32
        %mul3A_252 = arith.constant 80 : i32
        %mul3A_253 = arith.muli %add3A_251, %mul3A_252 : i32
        %add3A_254 = arith.constant 320000 : i32
        %add3A_255 = arith.addi %add3A_254, %mul3A_253 : i32
        %dma_start3A_256 = tpu.memref_slice %arg3[%add3A_255] : memref<640000xi32, #tpu.memory_space<hbm>> -> memref<80xi32, #tpu.memory_space<hbm>>
        %dma_start3A_257 = tpu.memref_slice %arg3[%add3A_255] : memref<640000xi32, #tpu.memory_space<hbm>> -> memref<80xi32, #tpu.memory_space<hbm>>
        tpu.enqueue_dma source(%dma_start3A_257 : memref<80xi32, #tpu.memory_space<hbm>>) target(%arg13 : memref<80xi32, #tpu.memory_space<vmem>>) target_semaphore(%arg22 : memref<!tpu.dma_semaphore, #tpu.memory_space<semaphore_mem>>)
        %mul3A_258 = arith.constant 80 : i32
        %mul3A_259 = arith.muli %add3A_250, %mul3A_258 : i32
        %dma_start3A_260 = tpu.memref_slice %arg6[%mul3A_259] : memref<10000xi32, #tpu.memory_space<vmem>> -> memref<80xi32, #tpu.memory_space<vmem>>
        %dma_start3A_261 = arith.constant 0 : i32
        %dma_start3A_262 = arith.constant 0 : i32
        %dma_start3A_263 = tpu.memref_slice %arg2[%dma_start3A_261, %dma_start3A_262] : memref<10240x128xf32, #tpu.memory_space<hbm>> -> memref<10240x128xf32, #tpu.memory_space<hbm>>
        tpu.enqueue_indirect_dma source(%dma_start3A_263 : memref<10240x128xf32, #tpu.memory_space<hbm>>) target(%arg10 : memref<80x128xf32, #tpu.memory_space<vmem>>) offsets(%dma_start3A_260 : memref<80xi32, #tpu.memory_space<vmem>>) semaphore(%arg16 : memref<!tpu.dma_semaphore, #tpu.memory_space<semaphore_mem>>)
      } else {
      }
    }
    %scan3A_94 = arith.constant 41 : i32
    %dma_wait3A_95 = arith.constant 9920 : i32
    %dma_wait3A_96 = tpu.memref_slice %arg6[%dma_wait3A_95] : memref<10000xi32, #tpu.memory_space<vmem>> -> memref<80xi32, #tpu.memory_space<vmem>>
    %dma_wait3A_97 = arith.constant 0 : i32
    %dma_wait3A_98 = arith.constant 0 : i32
    %dma_wait3A_99 = tpu.memref_slice %arg2[%dma_wait3A_97, %dma_wait3A_98] : memref<10240x128xf32, #tpu.memory_space<hbm>> -> memref<10240x128xf32, #tpu.memory_space<hbm>>
    tpu.wait_indirect_dma semaphore(%arg15 : memref<!tpu.dma_semaphore, #tpu.memory_space<semaphore_mem>>) src(%dma_wait3A_99 : memref<10240x128xf32, #tpu.memory_space<hbm>>) dst(%arg9 : memref<80x128xf32, #tpu.memory_space<vmem>>)
    %add3A_100 = arith.constant 124 : i32
    %add3A_101 = arith.addi %mul3A_2, %add3A_100 : i32
    %mul3A_102 = arith.constant 80 : i32
    %mul3A_103 = arith.muli %add3A_101, %mul3A_102 : i32
    %add3A_104 = arith.constant 320000 : i32
    %add3A_105 = arith.addi %add3A_104, %mul3A_103 : i32
    %dma_wait3A_106 = tpu.memref_slice %arg3[%add3A_105] : memref<640000xi32, #tpu.memory_space<hbm>> -> memref<80xi32, #tpu.memory_space<hbm>>
    %dma_wait3A_107 = tpu.memref_slice %arg3[%add3A_105] : memref<640000xi32, #tpu.memory_space<hbm>> -> memref<80xi32, #tpu.memory_space<hbm>>
    tpu.wait_dma2 semaphore(%arg21 : memref<!tpu.dma_semaphore, #tpu.memory_space<semaphore_mem>>) src(%dma_wait3A_107 : memref<80xi32, #tpu.memory_space<hbm>>) dst(%arg12 : memref<80xi32, #tpu.memory_space<vmem>>)
    %dma_start3A_108 = arith.constant 0 : i32
    %dma_start3A_109 = arith.constant 0 : i32
    %dma_start3A_110 = tpu.memref_slice %arg7[%dma_start3A_108, %dma_start3A_109] : memref<10240x128xf32, #tpu.memory_space<vmem_shared>> -> memref<10240x128xf32, #tpu.memory_space<vmem_shared>>
    tpu.enqueue_indirect_dma source(%arg9 : memref<80x128xf32, #tpu.memory_space<vmem>>) target(%dma_start3A_110 : memref<10240x128xf32, #tpu.memory_space<vmem_shared>>) offsets(%arg12 : memref<80xi32, #tpu.memory_space<vmem>>) semaphore(%arg18 : memref<!tpu.dma_semaphore, #tpu.memory_space<semaphore_mem>>) {add = true}
    %dma_wait3A_111 = arith.constant 0 : i32
    %dma_wait3A_112 = arith.constant 0 : i32
    %dma_wait3A_113 = tpu.memref_slice %arg7[%dma_wait3A_111, %dma_wait3A_112] : memref<10240x128xf32, #tpu.memory_space<vmem_shared>> -> memref<10240x128xf32, #tpu.memory_space<vmem_shared>>
    tpu.wait_indirect_dma semaphore(%arg17 : memref<!tpu.dma_semaphore, #tpu.memory_space<semaphore_mem>>) src(%arg8 : memref<80x128xf32, #tpu.memory_space<vmem>>) dst(%dma_wait3A_113 : memref<10240x128xf32, #tpu.memory_space<vmem_shared>>)
    %dma_wait3A_114 = arith.constant 0 : i32
    %dma_wait3A_115 = arith.constant 0 : i32
    %dma_wait3A_116 = tpu.memref_slice %arg7[%dma_wait3A_114, %dma_wait3A_115] : memref<10240x128xf32, #tpu.memory_space<vmem_shared>> -> memref<10240x128xf32, #tpu.memory_space<vmem_shared>>
    tpu.wait_indirect_dma semaphore(%arg18 : memref<!tpu.dma_semaphore, #tpu.memory_space<semaphore_mem>>) src(%arg9 : memref<80x128xf32, #tpu.memory_space<vmem>>) dst(%dma_wait3A_116 : memref<10240x128xf32, #tpu.memory_space<vmem_shared>>)
    %barrier3A_117 = arith.constant 0 : index
    tpu.barrier barrier_id(%barrier3A_117)
    %mul3A_118 = arith.constant 640 : i32
    %mul3A_119 = arith.muli %arg1, %mul3A_118 : i32
    %add3A_120 = arith.constant 0 : i32
    %add3A_121 = arith.addi %mul3A_119, %add3A_120 : i32
    "tpu.region"() ({
      %run_scoped3A = tpu.sem_alloc : memref<!tpu.dma_semaphore, #tpu.memory_space<semaphore_mem>>
      %dma_start3A_150 = arith.constant 0 : i32
      %dma_start3A_151 = tpu.memref_slice %arg7[%add3A_121, %dma_start3A_150] : memref<10240x128xf32, #tpu.memory_space<vmem_shared>> -> memref<80x128xf32, #tpu.memory_space<vmem_shared>>
      %dma_start3A_152 = arith.constant 0 : i32
      %dma_start3A_153 = tpu.memref_slice %arg7[%add3A_121, %dma_start3A_152] : memref<10240x128xf32, #tpu.memory_space<vmem_shared>> -> memref<80x128xf32, #tpu.memory_space<vmem_shared>>
      tpu.enqueue_dma source(%dma_start3A_153 : memref<80x128xf32, #tpu.memory_space<vmem_shared>>) target(%arg8 : memref<80x128xf32, #tpu.memory_space<vmem>>) target_semaphore(%run_scoped3A : memref<!tpu.dma_semaphore, #tpu.memory_space<semaphore_mem>>)
      %dma_wait3A_154 = arith.constant 0 : i32
      %dma_wait3A_155 = tpu.memref_slice %arg7[%add3A_121, %dma_wait3A_154] : memref<10240x128xf32, #tpu.memory_space<vmem_shared>> -> memref<80x128xf32, #tpu.memory_space<vmem_shared>>
      %dma_wait3A_156 = arith.constant 0 : i32
      %dma_wait3A_157 = tpu.memref_slice %arg7[%add3A_121, %dma_wait3A_156] : memref<10240x128xf32, #tpu.memory_space<vmem_shared>> -> memref<80x128xf32, #tpu.memory_space<vmem_shared>>
      tpu.wait_dma2 semaphore(%run_scoped3A : memref<!tpu.dma_semaphore, #tpu.memory_space<semaphore_mem>>) src(%dma_wait3A_157 : memref<80x128xf32, #tpu.memory_space<vmem_shared>>) dst(%arg8 : memref<80x128xf32, #tpu.memory_space<vmem>>)
      tpu.yield
    }) : () -> ()
    "tpu.region"() ({
      %run_scoped3A = tpu.sem_alloc : memref<!tpu.dma_semaphore, #tpu.memory_space<semaphore_mem>>
      %dma_start3A_150 = arith.constant 0 : i32
      %dma_start3A_151 = tpu.memref_slice %arg5[%arg0, %add3A_121, %dma_start3A_150] : memref<2x10240x128xf32, #tpu.memory_space<hbm>> -> memref<1x80x128xf32, #tpu.memory_space<hbm>>
      %dma_start3A_152 = tpu.memref_squeeze %dma_start3A_151 : memref<1x80x128xf32, #tpu.memory_space<hbm>> -> memref<80x128xf32, #tpu.memory_space<hbm>>
      %dma_start3A_153 = arith.constant 0 : i32
      %dma_start3A_154 = tpu.memref_slice %arg5[%arg0, %add3A_121, %dma_start3A_153] : memref<2x10240x128xf32, #tpu.memory_space<hbm>> -> memref<1x80x128xf32, #tpu.memory_space<hbm>>
      %dma_start3A_155 = tpu.memref_squeeze %dma_start3A_154 : memref<1x80x128xf32, #tpu.memory_space<hbm>> -> memref<80x128xf32, #tpu.memory_space<hbm>>
      tpu.enqueue_dma source(%arg8 : memref<80x128xf32, #tpu.memory_space<vmem>>) target(%dma_start3A_155 : memref<80x128xf32, #tpu.memory_space<hbm>>) target_semaphore(%run_scoped3A : memref<!tpu.dma_semaphore, #tpu.memory_space<semaphore_mem>>)
      %dma_wait3A_156 = arith.constant 0 : i32
      %dma_wait3A_157 = tpu.memref_slice %arg5[%arg0, %add3A_121, %dma_wait3A_156] : memref<2x10240x128xf32, #tpu.memory_space<hbm>> -> memref<1x80x128xf32, #tpu.memory_space<hbm>>
      %dma_wait3A_158 = tpu.memref_squeeze %dma_wait3A_157 : memref<1x80x128xf32, #tpu.memory_space<hbm>> -> memref<80x128xf32, #tpu.memory_space<hbm>>
      %dma_wait3A_159 = arith.constant 0 : i32
      %dma_wait3A_160 = tpu.memref_slice %arg5[%arg0, %add3A_121, %dma_wait3A_159] : memref<2x10240x128xf32, #tpu.memory_space<hbm>> -> memref<1x80x128xf32, #tpu.memory_space<hbm>>
      %dma_wait3A_161 = tpu.memref_squeeze %dma_wait3A_160 : memref<1x80x128xf32, #tpu.memory_space<hbm>> -> memref<80x128xf32, #tpu.memory_space<hbm>>
      tpu.wait_dma2 semaphore(%run_scoped3A : memref<!tpu.dma_semaphore, #tpu.memory_space<semaphore_mem>>) src(%arg8 : memref<80x128xf32, #tpu.memory_space<vmem>>) dst(%dma_wait3A_161 : memref<80x128xf32, #tpu.memory_space<hbm>>)
      tpu.yield
    }) : () -> ()
    %mul3A_122 = arith.constant 640 : i32
    %mul3A_123 = arith.muli %arg1, %mul3A_122 : i32
    %add3A_124 = arith.constant 80 : i32
    %add3A_125 = arith.addi %mul3A_123, %add3A_124 : i32
    "tpu.region"() ({
      %run_scoped3A = tpu.sem_alloc : memref<!tpu.dma_semaphore, #tpu.memory_space<semaphore_mem>>
      %dma_start3A_150 = arith.constant 0 : i32
      %dma_start3A_151 = tpu.memref_slice %arg7[%add3A_125, %dma_start3A_150] : memref<10240x128xf32, #tpu.memory_space<vmem_shared>> -> memref<80x128xf32, #tpu.memory_space<vmem_shared>>
      %dma_start3A_152 = arith.constant 0 : i32
      %dma_start3A_153 = tpu.memref_slice %arg7[%add3A_125, %dma_start3A_152] : memref<10240x128xf32, #tpu.memory_space<vmem_shared>> -> memref<80x128xf32, #tpu.memory_space<vmem_shared>>
      tpu.enqueue_dma source(%dma_start3A_153 : memref<80x128xf32, #tpu.memory_space<vmem_shared>>) target(%arg8 : memref<80x128xf32, #tpu.memory_space<vmem>>) target_semaphore(%run_scoped3A : memref<!tpu.dma_semaphore, #tpu.memory_space<semaphore_mem>>)
      %dma_wait3A_154 = arith.constant 0 : i32
      %dma_wait3A_155 = tpu.memref_slice %arg7[%add3A_125, %dma_wait3A_154] : memref<10240x128xf32, #tpu.memory_space<vmem_shared>> -> memref<80x128xf32, #tpu.memory_space<vmem_shared>>
      %dma_wait3A_156 = arith.constant 0 : i32
      %dma_wait3A_157 = tpu.memref_slice %arg7[%add3A_125, %dma_wait3A_156] : memref<10240x128xf32, #tpu.memory_space<vmem_shared>> -> memref<80x128xf32, #tpu.memory_space<vmem_shared>>
      tpu.wait_dma2 semaphore(%run_scoped3A : memref<!tpu.dma_semaphore, #tpu.memory_space<semaphore_mem>>) src(%dma_wait3A_157 : memref<80x128xf32, #tpu.memory_space<vmem_shared>>) dst(%arg8 : memref<80x128xf32, #tpu.memory_space<vmem>>)
      tpu.yield
    }) : () -> ()
    "tpu.region"() ({
      %run_scoped3A = tpu.sem_alloc : memref<!tpu.dma_semaphore, #tpu.memory_space<semaphore_mem>>
      %dma_start3A_150 = arith.constant 0 : i32
      %dma_start3A_151 = tpu.memref_slice %arg5[%arg0, %add3A_125, %dma_start3A_150] : memref<2x10240x128xf32, #tpu.memory_space<hbm>> -> memref<1x80x128xf32, #tpu.memory_space<hbm>>
      %dma_start3A_152 = tpu.memref_squeeze %dma_start3A_151 : memref<1x80x128xf32, #tpu.memory_space<hbm>> -> memref<80x128xf32, #tpu.memory_space<hbm>>
      %dma_start3A_153 = arith.constant 0 : i32
      %dma_start3A_154 = tpu.memref_slice %arg5[%arg0, %add3A_125, %dma_start3A_153] : memref<2x10240x128xf32, #tpu.memory_space<hbm>> -> memref<1x80x128xf32, #tpu.memory_space<hbm>>
      %dma_start3A_155 = tpu.memref_squeeze %dma_start3A_154 : memref<1x80x128xf32, #tpu.memory_space<hbm>> -> memref<80x128xf32, #tpu.memory_space<hbm>>
      tpu.enqueue_dma source(%arg8 : memref<80x128xf32, #tpu.memory_space<vmem>>) target(%dma_start3A_155 : memref<80x128xf32, #tpu.memory_space<hbm>>) target_semaphore(%run_scoped3A : memref<!tpu.dma_semaphore, #tpu.memory_space<semaphore_mem>>)
      %dma_wait3A_156 = arith.constant 0 : i32
      %dma_wait3A_157 = tpu.memref_slice %arg5[%arg0, %add3A_125, %dma_wait3A_156] : memref<2x10240x128xf32, #tpu.memory_space<hbm>> -> memref<1x80x128xf32, #tpu.memory_space<hbm>>
      %dma_wait3A_158 = tpu.memref_squeeze %dma_wait3A_157 : memref<1x80x128xf32, #tpu.memory_space<hbm>> -> memref<80x128xf32, #tpu.memory_space<hbm>>
      %dma_wait3A_159 = arith.constant 0 : i32
      %dma_wait3A_160 = tpu.memref_slice %arg5[%arg0, %add3A_125, %dma_wait3A_159] : memref<2x10240x128xf32, #tpu.memory_space<hbm>> -> memref<1x80x128xf32, #tpu.memory_space<hbm>>
      %dma_wait3A_161 = tpu.memref_squeeze %dma_wait3A_160 : memref<1x80x128xf32, #tpu.memory_space<hbm>> -> memref<80x128xf32, #tpu.memory_space<hbm>>
      tpu.wait_dma2 semaphore(%run_scoped3A : memref<!tpu.dma_semaphore, #tpu.memory_space<semaphore_mem>>) src(%arg8 : memref<80x128xf32, #tpu.memory_space<vmem>>) dst(%dma_wait3A_161 : memref<80x128xf32, #tpu.memory_space<hbm>>)
      tpu.yield
    }) : () -> ()
    %mul3A_126 = arith.constant 640 : i32
    %mul3A_127 = arith.muli %arg1, %mul3A_126 : i32
    %add3A_128 = arith.constant 160 : i32
    %add3A_129 = arith.addi %mul3A_127, %add3A_128 : i32
    "tpu.region"() ({
      %run_scoped3A = tpu.sem_alloc : memref<!tpu.dma_semaphore, #tpu.memory_space<semaphore_mem>>
      %dma_start3A_150 = arith.constant 0 : i32
      %dma_start3A_151 = tpu.memref_slice %arg7[%add3A_129, %dma_start3A_150] : memref<10240x128xf32, #tpu.memory_space<vmem_shared>> -> memref<80x128xf32, #tpu.memory_space<vmem_shared>>
      %dma_start3A_152 = arith.constant 0 : i32
      %dma_start3A_153 = tpu.memref_slice %arg7[%add3A_129, %dma_start3A_152] : memref<10240x128xf32, #tpu.memory_space<vmem_shared>> -> memref<80x128xf32, #tpu.memory_space<vmem_shared>>
      tpu.enqueue_dma source(%dma_start3A_153 : memref<80x128xf32, #tpu.memory_space<vmem_shared>>) target(%arg8 : memref<80x128xf32, #tpu.memory_space<vmem>>) target_semaphore(%run_scoped3A : memref<!tpu.dma_semaphore, #tpu.memory_space<semaphore_mem>>)
      %dma_wait3A_154 = arith.constant 0 : i32
      %dma_wait3A_155 = tpu.memref_slice %arg7[%add3A_129, %dma_wait3A_154] : memref<10240x128xf32, #tpu.memory_space<vmem_shared>> -> memref<80x128xf32, #tpu.memory_space<vmem_shared>>
      %dma_wait3A_156 = arith.constant 0 : i32
      %dma_wait3A_157 = tpu.memref_slice %arg7[%add3A_129, %dma_wait3A_156] : memref<10240x128xf32, #tpu.memory_space<vmem_shared>> -> memref<80x128xf32, #tpu.memory_space<vmem_shared>>
      tpu.wait_dma2 semaphore(%run_scoped3A : memref<!tpu.dma_semaphore, #tpu.memory_space<semaphore_mem>>) src(%dma_wait3A_157 : memref<80x128xf32, #tpu.memory_space<vmem_shared>>) dst(%arg8 : memref<80x128xf32, #tpu.memory_space<vmem>>)
      tpu.yield
    }) : () -> ()
    "tpu.region"() ({
      %run_scoped3A = tpu.sem_alloc : memref<!tpu.dma_semaphore, #tpu.memory_space<semaphore_mem>>
      %dma_start3A_150 = arith.constant 0 : i32
      %dma_start3A_151 = tpu.memref_slice %arg5[%arg0, %add3A_129, %dma_start3A_150] : memref<2x10240x128xf32, #tpu.memory_space<hbm>> -> memref<1x80x128xf32, #tpu.memory_space<hbm>>
      %dma_start3A_152 = tpu.memref_squeeze %dma_start3A_151 : memref<1x80x128xf32, #tpu.memory_space<hbm>> -> memref<80x128xf32, #tpu.memory_space<hbm>>
      %dma_start3A_153 = arith.constant 0 : i32
      %dma_start3A_154 = tpu.memref_slice %arg5[%arg0, %add3A_129, %dma_start3A_153] : memref<2x10240x128xf32, #tpu.memory_space<hbm>> -> memref<1x80x128xf32, #tpu.memory_space<hbm>>
      %dma_start3A_155 = tpu.memref_squeeze %dma_start3A_154 : memref<1x80x128xf32, #tpu.memory_space<hbm>> -> memref<80x128xf32, #tpu.memory_space<hbm>>
      tpu.enqueue_dma source(%arg8 : memref<80x128xf32, #tpu.memory_space<vmem>>) target(%dma_start3A_155 : memref<80x128xf32, #tpu.memory_space<hbm>>) target_semaphore(%run_scoped3A : memref<!tpu.dma_semaphore, #tpu.memory_space<semaphore_mem>>)
      %dma_wait3A_156 = arith.constant 0 : i32
      %dma_wait3A_157 = tpu.memref_slice %arg5[%arg0, %add3A_129, %dma_wait3A_156] : memref<2x10240x128xf32, #tpu.memory_space<hbm>> -> memref<1x80x128xf32, #tpu.memory_space<hbm>>
      %dma_wait3A_158 = tpu.memref_squeeze %dma_wait3A_157 : memref<1x80x128xf32, #tpu.memory_space<hbm>> -> memref<80x128xf32, #tpu.memory_space<hbm>>
      %dma_wait3A_159 = arith.constant 0 : i32
      %dma_wait3A_160 = tpu.memref_slice %arg5[%arg0, %add3A_129, %dma_wait3A_159] : memref<2x10240x128xf32, #tpu.memory_space<hbm>> -> memref<1x80x128xf32, #tpu.memory_space<hbm>>
      %dma_wait3A_161 = tpu.memref_squeeze %dma_wait3A_160 : memref<1x80x128xf32, #tpu.memory_space<hbm>> -> memref<80x128xf32, #tpu.memory_space<hbm>>
      tpu.wait_dma2 semaphore(%run_scoped3A : memref<!tpu.dma_semaphore, #tpu.memory_space<semaphore_mem>>) src(%arg8 : memref<80x128xf32, #tpu.memory_space<vmem>>) dst(%dma_wait3A_161 : memref<80x128xf32, #tpu.memory_space<hbm>>)
      tpu.yield
    }) : () -> ()
    %mul3A_130 = arith.constant 640 : i32
    %mul3A_131 = arith.muli %arg1, %mul3A_130 : i32
    %add3A_132 = arith.constant 240 : i32
    %add3A_133 = arith.addi %mul3A_131, %add3A_132 : i32
    "tpu.region"() ({
      %run_scoped3A = tpu.sem_alloc : memref<!tpu.dma_semaphore, #tpu.memory_space<semaphore_mem>>
      %dma_start3A_150 = arith.constant 0 : i32
      %dma_start3A_151 = tpu.memref_slice %arg7[%add3A_133, %dma_start3A_150] : memref<10240x128xf32, #tpu.memory_space<vmem_shared>> -> memref<80x128xf32, #tpu.memory_space<vmem_shared>>
      %dma_start3A_152 = arith.constant 0 : i32
      %dma_start3A_153 = tpu.memref_slice %arg7[%add3A_133, %dma_start3A_152] : memref<10240x128xf32, #tpu.memory_space<vmem_shared>> -> memref<80x128xf32, #tpu.memory_space<vmem_shared>>
      tpu.enqueue_dma source(%dma_start3A_153 : memref<80x128xf32, #tpu.memory_space<vmem_shared>>) target(%arg8 : memref<80x128xf32, #tpu.memory_space<vmem>>) target_semaphore(%run_scoped3A : memref<!tpu.dma_semaphore, #tpu.memory_space<semaphore_mem>>)
      %dma_wait3A_154 = arith.constant 0 : i32
      %dma_wait3A_155 = tpu.memref_slice %arg7[%add3A_133, %dma_wait3A_154] : memref<10240x128xf32, #tpu.memory_space<vmem_shared>> -> memref<80x128xf32, #tpu.memory_space<vmem_shared>>
      %dma_wait3A_156 = arith.constant 0 : i32
      %dma_wait3A_157 = tpu.memref_slice %arg7[%add3A_133, %dma_wait3A_156] : memref<10240x128xf32, #tpu.memory_space<vmem_shared>> -> memref<80x128xf32, #tpu.memory_space<vmem_shared>>
      tpu.wait_dma2 semaphore(%run_scoped3A : memref<!tpu.dma_semaphore, #tpu.memory_space<semaphore_mem>>) src(%dma_wait3A_157 : memref<80x128xf32, #tpu.memory_space<vmem_shared>>) dst(%arg8 : memref<80x128xf32, #tpu.memory_space<vmem>>)
      tpu.yield
    }) : () -> ()
    "tpu.region"() ({
      %run_scoped3A = tpu.sem_alloc : memref<!tpu.dma_semaphore, #tpu.memory_space<semaphore_mem>>
      %dma_start3A_150 = arith.constant 0 : i32
      %dma_start3A_151 = tpu.memref_slice %arg5[%arg0, %add3A_133, %dma_start3A_150] : memref<2x10240x128xf32, #tpu.memory_space<hbm>> -> memref<1x80x128xf32, #tpu.memory_space<hbm>>
      %dma_start3A_152 = tpu.memref_squeeze %dma_start3A_151 : memref<1x80x128xf32, #tpu.memory_space<hbm>> -> memref<80x128xf32, #tpu.memory_space<hbm>>
      %dma_start3A_153 = arith.constant 0 : i32
      %dma_start3A_154 = tpu.memref_slice %arg5[%arg0, %add3A_133, %dma_start3A_153] : memref<2x10240x128xf32, #tpu.memory_space<hbm>> -> memref<1x80x128xf32, #tpu.memory_space<hbm>>
      %dma_start3A_155 = tpu.memref_squeeze %dma_start3A_154 : memref<1x80x128xf32, #tpu.memory_space<hbm>> -> memref<80x128xf32, #tpu.memory_space<hbm>>
      tpu.enqueue_dma source(%arg8 : memref<80x128xf32, #tpu.memory_space<vmem>>) target(%dma_start3A_155 : memref<80x128xf32, #tpu.memory_space<hbm>>) target_semaphore(%run_scoped3A : memref<!tpu.dma_semaphore, #tpu.memory_space<semaphore_mem>>)
      %dma_wait3A_156 = arith.constant 0 : i32
      %dma_wait3A_157 = tpu.memref_slice %arg5[%arg0, %add3A_133, %dma_wait3A_156] : memref<2x10240x128xf32, #tpu.memory_space<hbm>> -> memref<1x80x128xf32, #tpu.memory_space<hbm>>
      %dma_wait3A_158 = tpu.memref_squeeze %dma_wait3A_157 : memref<1x80x128xf32, #tpu.memory_space<hbm>> -> memref<80x128xf32, #tpu.memory_space<hbm>>
      %dma_wait3A_159 = arith.constant 0 : i32
      %dma_wait3A_160 = tpu.memref_slice %arg5[%arg0, %add3A_133, %dma_wait3A_159] : memref<2x10240x128xf32, #tpu.memory_space<hbm>> -> memref<1x80x128xf32, #tpu.memory_space<hbm>>
      %dma_wait3A_161 = tpu.memref_squeeze %dma_wait3A_160 : memref<1x80x128xf32, #tpu.memory_space<hbm>> -> memref<80x128xf32, #tpu.memory_space<hbm>>
      tpu.wait_dma2 semaphore(%run_scoped3A : memref<!tpu.dma_semaphore, #tpu.memory_space<semaphore_mem>>) src(%arg8 : memref<80x128xf32, #tpu.memory_space<vmem>>) dst(%dma_wait3A_161 : memref<80x128xf32, #tpu.memory_space<hbm>>)
      tpu.yield
    }) : () -> ()
    %mul3A_134 = arith.constant 640 : i32
    %mul3A_135 = arith.muli %arg1, %mul3A_134 : i32
    %add3A_136 = arith.constant 320 : i32
    %add3A_137 = arith.addi %mul3A_135, %add3A_136 : i32
    "tpu.region"() ({
      %run_scoped3A = tpu.sem_alloc : memref<!tpu.dma_semaphore, #tpu.memory_space<semaphore_mem>>
      %dma_start3A_150 = arith.constant 0 : i32
      %dma_start3A_151 = tpu.memref_slice %arg7[%add3A_137, %dma_start3A_150] : memref<10240x128xf32, #tpu.memory_space<vmem_shared>> -> memref<80x128xf32, #tpu.memory_space<vmem_shared>>
      %dma_start3A_152 = arith.constant 0 : i32
      %dma_start3A_153 = tpu.memref_slice %arg7[%add3A_137, %dma_start3A_152] : memref<10240x128xf32, #tpu.memory_space<vmem_shared>> -> memref<80x128xf32, #tpu.memory_space<vmem_shared>>
      tpu.enqueue_dma source(%dma_start3A_153 : memref<80x128xf32, #tpu.memory_space<vmem_shared>>) target(%arg8 : memref<80x128xf32, #tpu.memory_space<vmem>>) target_semaphore(%run_scoped3A : memref<!tpu.dma_semaphore, #tpu.memory_space<semaphore_mem>>)
      %dma_wait3A_154 = arith.constant 0 : i32
      %dma_wait3A_155 = tpu.memref_slice %arg7[%add3A_137, %dma_wait3A_154] : memref<10240x128xf32, #tpu.memory_space<vmem_shared>> -> memref<80x128xf32, #tpu.memory_space<vmem_shared>>
      %dma_wait3A_156 = arith.constant 0 : i32
      %dma_wait3A_157 = tpu.memref_slice %arg7[%add3A_137, %dma_wait3A_156] : memref<10240x128xf32, #tpu.memory_space<vmem_shared>> -> memref<80x128xf32, #tpu.memory_space<vmem_shared>>
      tpu.wait_dma2 semaphore(%run_scoped3A : memref<!tpu.dma_semaphore, #tpu.memory_space<semaphore_mem>>) src(%dma_wait3A_157 : memref<80x128xf32, #tpu.memory_space<vmem_shared>>) dst(%arg8 : memref<80x128xf32, #tpu.memory_space<vmem>>)
      tpu.yield
    }) : () -> ()
    "tpu.region"() ({
      %run_scoped3A = tpu.sem_alloc : memref<!tpu.dma_semaphore, #tpu.memory_space<semaphore_mem>>
      %dma_start3A_150 = arith.constant 0 : i32
      %dma_start3A_151 = tpu.memref_slice %arg5[%arg0, %add3A_137, %dma_start3A_150] : memref<2x10240x128xf32, #tpu.memory_space<hbm>> -> memref<1x80x128xf32, #tpu.memory_space<hbm>>
      %dma_start3A_152 = tpu.memref_squeeze %dma_start3A_151 : memref<1x80x128xf32, #tpu.memory_space<hbm>> -> memref<80x128xf32, #tpu.memory_space<hbm>>
      %dma_start3A_153 = arith.constant 0 : i32
      %dma_start3A_154 = tpu.memref_slice %arg5[%arg0, %add3A_137, %dma_start3A_153] : memref<2x10240x128xf32, #tpu.memory_space<hbm>> -> memref<1x80x128xf32, #tpu.memory_space<hbm>>
      %dma_start3A_155 = tpu.memref_squeeze %dma_start3A_154 : memref<1x80x128xf32, #tpu.memory_space<hbm>> -> memref<80x128xf32, #tpu.memory_space<hbm>>
      tpu.enqueue_dma source(%arg8 : memref<80x128xf32, #tpu.memory_space<vmem>>) target(%dma_start3A_155 : memref<80x128xf32, #tpu.memory_space<hbm>>) target_semaphore(%run_scoped3A : memref<!tpu.dma_semaphore, #tpu.memory_space<semaphore_mem>>)
      %dma_wait3A_156 = arith.constant 0 : i32
      %dma_wait3A_157 = tpu.memref_slice %arg5[%arg0, %add3A_137, %dma_wait3A_156] : memref<2x10240x128xf32, #tpu.memory_space<hbm>> -> memref<1x80x128xf32, #tpu.memory_space<hbm>>
      %dma_wait3A_158 = tpu.memref_squeeze %dma_wait3A_157 : memref<1x80x128xf32, #tpu.memory_space<hbm>> -> memref<80x128xf32, #tpu.memory_space<hbm>>
      %dma_wait3A_159 = arith.constant 0 : i32
      %dma_wait3A_160 = tpu.memref_slice %arg5[%arg0, %add3A_137, %dma_wait3A_159] : memref<2x10240x128xf32, #tpu.memory_space<hbm>> -> memref<1x80x128xf32, #tpu.memory_space<hbm>>
      %dma_wait3A_161 = tpu.memref_squeeze %dma_wait3A_160 : memref<1x80x128xf32, #tpu.memory_space<hbm>> -> memref<80x128xf32, #tpu.memory_space<hbm>>
      tpu.wait_dma2 semaphore(%run_scoped3A : memref<!tpu.dma_semaphore, #tpu.memory_space<semaphore_mem>>) src(%arg8 : memref<80x128xf32, #tpu.memory_space<vmem>>) dst(%dma_wait3A_161 : memref<80x128xf32, #tpu.memory_space<hbm>>)
      tpu.yield
    }) : () -> ()
    %mul3A_138 = arith.constant 640 : i32
    %mul3A_139 = arith.muli %arg1, %mul3A_138 : i32
    %add3A_140 = arith.constant 400 : i32
    %add3A_141 = arith.addi %mul3A_139, %add3A_140 : i32
    "tpu.region"() ({
      %run_scoped3A = tpu.sem_alloc : memref<!tpu.dma_semaphore, #tpu.memory_space<semaphore_mem>>
      %dma_start3A_150 = arith.constant 0 : i32
      %dma_start3A_151 = tpu.memref_slice %arg7[%add3A_141, %dma_start3A_150] : memref<10240x128xf32, #tpu.memory_space<vmem_shared>> -> memref<80x128xf32, #tpu.memory_space<vmem_shared>>
      %dma_start3A_152 = arith.constant 0 : i32
      %dma_start3A_153 = tpu.memref_slice %arg7[%add3A_141, %dma_start3A_152] : memref<10240x128xf32, #tpu.memory_space<vmem_shared>> -> memref<80x128xf32, #tpu.memory_space<vmem_shared>>
      tpu.enqueue_dma source(%dma_start3A_153 : memref<80x128xf32, #tpu.memory_space<vmem_shared>>) target(%arg8 : memref<80x128xf32, #tpu.memory_space<vmem>>) target_semaphore(%run_scoped3A : memref<!tpu.dma_semaphore, #tpu.memory_space<semaphore_mem>>)
      %dma_wait3A_154 = arith.constant 0 : i32
      %dma_wait3A_155 = tpu.memref_slice %arg7[%add3A_141, %dma_wait3A_154] : memref<10240x128xf32, #tpu.memory_space<vmem_shared>> -> memref<80x128xf32, #tpu.memory_space<vmem_shared>>
      %dma_wait3A_156 = arith.constant 0 : i32
      %dma_wait3A_157 = tpu.memref_slice %arg7[%add3A_141, %dma_wait3A_156] : memref<10240x128xf32, #tpu.memory_space<vmem_shared>> -> memref<80x128xf32, #tpu.memory_space<vmem_shared>>
      tpu.wait_dma2 semaphore(%run_scoped3A : memref<!tpu.dma_semaphore, #tpu.memory_space<semaphore_mem>>) src(%dma_wait3A_157 : memref<80x128xf32, #tpu.memory_space<vmem_shared>>) dst(%arg8 : memref<80x128xf32, #tpu.memory_space<vmem>>)
      tpu.yield
    }) : () -> ()
    "tpu.region"() ({
      %run_scoped3A = tpu.sem_alloc : memref<!tpu.dma_semaphore, #tpu.memory_space<semaphore_mem>>
      %dma_start3A_150 = arith.constant 0 : i32
      %dma_start3A_151 = tpu.memref_slice %arg5[%arg0, %add3A_141, %dma_start3A_150] : memref<2x10240x128xf32, #tpu.memory_space<hbm>> -> memref<1x80x128xf32, #tpu.memory_space<hbm>>
      %dma_start3A_152 = tpu.memref_squeeze %dma_start3A_151 : memref<1x80x128xf32, #tpu.memory_space<hbm>> -> memref<80x128xf32, #tpu.memory_space<hbm>>
      %dma_start3A_153 = arith.constant 0 : i32
      %dma_start3A_154 = tpu.memref_slice %arg5[%arg0, %add3A_141, %dma_start3A_153] : memref<2x10240x128xf32, #tpu.memory_space<hbm>> -> memref<1x80x128xf32, #tpu.memory_space<hbm>>
      %dma_start3A_155 = tpu.memref_squeeze %dma_start3A_154 : memref<1x80x128xf32, #tpu.memory_space<hbm>> -> memref<80x128xf32, #tpu.memory_space<hbm>>
      tpu.enqueue_dma source(%arg8 : memref<80x128xf32, #tpu.memory_space<vmem>>) target(%dma_start3A_155 : memref<80x128xf32, #tpu.memory_space<hbm>>) target_semaphore(%run_scoped3A : memref<!tpu.dma_semaphore, #tpu.memory_space<semaphore_mem>>)
      %dma_wait3A_156 = arith.constant 0 : i32
      %dma_wait3A_157 = tpu.memref_slice %arg5[%arg0, %add3A_141, %dma_wait3A_156] : memref<2x10240x128xf32, #tpu.memory_space<hbm>> -> memref<1x80x128xf32, #tpu.memory_space<hbm>>
      %dma_wait3A_158 = tpu.memref_squeeze %dma_wait3A_157 : memref<1x80x128xf32, #tpu.memory_space<hbm>> -> memref<80x128xf32, #tpu.memory_space<hbm>>
      %dma_wait3A_159 = arith.constant 0 : i32
      %dma_wait3A_160 = tpu.memref_slice %arg5[%arg0, %add3A_141, %dma_wait3A_159] : memref<2x10240x128xf32, #tpu.memory_space<hbm>> -> memref<1x80x128xf32, #tpu.memory_space<hbm>>
      %dma_wait3A_161 = tpu.memref_squeeze %dma_wait3A_160 : memref<1x80x128xf32, #tpu.memory_space<hbm>> -> memref<80x128xf32, #tpu.memory_space<hbm>>
      tpu.wait_dma2 semaphore(%run_scoped3A : memref<!tpu.dma_semaphore, #tpu.memory_space<semaphore_mem>>) src(%arg8 : memref<80x128xf32, #tpu.memory_space<vmem>>) dst(%dma_wait3A_161 : memref<80x128xf32, #tpu.memory_space<hbm>>)
      tpu.yield
    }) : () -> ()
    %mul3A_142 = arith.constant 640 : i32
    %mul3A_143 = arith.muli %arg1, %mul3A_142 : i32
    %add3A_144 = arith.constant 480 : i32
    %add3A_145 = arith.addi %mul3A_143, %add3A_144 : i32
    "tpu.region"() ({
      %run_scoped3A = tpu.sem_alloc : memref<!tpu.dma_semaphore, #tpu.memory_space<semaphore_mem>>
      %dma_start3A_150 = arith.constant 0 : i32
      %dma_start3A_151 = tpu.memref_slice %arg7[%add3A_145, %dma_start3A_150] : memref<10240x128xf32, #tpu.memory_space<vmem_shared>> -> memref<80x128xf32, #tpu.memory_space<vmem_shared>>
      %dma_start3A_152 = arith.constant 0 : i32
      %dma_start3A_153 = tpu.memref_slice %arg7[%add3A_145, %dma_start3A_152] : memref<10240x128xf32, #tpu.memory_space<vmem_shared>> -> memref<80x128xf32, #tpu.memory_space<vmem_shared>>
      tpu.enqueue_dma source(%dma_start3A_153 : memref<80x128xf32, #tpu.memory_space<vmem_shared>>) target(%arg8 : memref<80x128xf32, #tpu.memory_space<vmem>>) target_semaphore(%run_scoped3A : memref<!tpu.dma_semaphore, #tpu.memory_space<semaphore_mem>>)
      %dma_wait3A_154 = arith.constant 0 : i32
      %dma_wait3A_155 = tpu.memref_slice %arg7[%add3A_145, %dma_wait3A_154] : memref<10240x128xf32, #tpu.memory_space<vmem_shared>> -> memref<80x128xf32, #tpu.memory_space<vmem_shared>>
      %dma_wait3A_156 = arith.constant 0 : i32
      %dma_wait3A_157 = tpu.memref_slice %arg7[%add3A_145, %dma_wait3A_156] : memref<10240x128xf32, #tpu.memory_space<vmem_shared>> -> memref<80x128xf32, #tpu.memory_space<vmem_shared>>
      tpu.wait_dma2 semaphore(%run_scoped3A : memref<!tpu.dma_semaphore, #tpu.memory_space<semaphore_mem>>) src(%dma_wait3A_157 : memref<80x128xf32, #tpu.memory_space<vmem_shared>>) dst(%arg8 : memref<80x128xf32, #tpu.memory_space<vmem>>)
      tpu.yield
    }) : () -> ()
    "tpu.region"() ({
      %run_scoped3A = tpu.sem_alloc : memref<!tpu.dma_semaphore, #tpu.memory_space<semaphore_mem>>
      %dma_start3A_150 = arith.constant 0 : i32
      %dma_start3A_151 = tpu.memref_slice %arg5[%arg0, %add3A_145, %dma_start3A_150] : memref<2x10240x128xf32, #tpu.memory_space<hbm>> -> memref<1x80x128xf32, #tpu.memory_space<hbm>>
      %dma_start3A_152 = tpu.memref_squeeze %dma_start3A_151 : memref<1x80x128xf32, #tpu.memory_space<hbm>> -> memref<80x128xf32, #tpu.memory_space<hbm>>
      %dma_start3A_153 = arith.constant 0 : i32
      %dma_start3A_154 = tpu.memref_slice %arg5[%arg0, %add3A_145, %dma_start3A_153] : memref<2x10240x128xf32, #tpu.memory_space<hbm>> -> memref<1x80x128xf32, #tpu.memory_space<hbm>>
      %dma_start3A_155 = tpu.memref_squeeze %dma_start3A_154 : memref<1x80x128xf32, #tpu.memory_space<hbm>> -> memref<80x128xf32, #tpu.memory_space<hbm>>
      tpu.enqueue_dma source(%arg8 : memref<80x128xf32, #tpu.memory_space<vmem>>) target(%dma_start3A_155 : memref<80x128xf32, #tpu.memory_space<hbm>>) target_semaphore(%run_scoped3A : memref<!tpu.dma_semaphore, #tpu.memory_space<semaphore_mem>>)
      %dma_wait3A_156 = arith.constant 0 : i32
      %dma_wait3A_157 = tpu.memref_slice %arg5[%arg0, %add3A_145, %dma_wait3A_156] : memref<2x10240x128xf32, #tpu.memory_space<hbm>> -> memref<1x80x128xf32, #tpu.memory_space<hbm>>
      %dma_wait3A_158 = tpu.memref_squeeze %dma_wait3A_157 : memref<1x80x128xf32, #tpu.memory_space<hbm>> -> memref<80x128xf32, #tpu.memory_space<hbm>>
      %dma_wait3A_159 = arith.constant 0 : i32
      %dma_wait3A_160 = tpu.memref_slice %arg5[%arg0, %add3A_145, %dma_wait3A_159] : memref<2x10240x128xf32, #tpu.memory_space<hbm>> -> memref<1x80x128xf32, #tpu.memory_space<hbm>>
      %dma_wait3A_161 = tpu.memref_squeeze %dma_wait3A_160 : memref<1x80x128xf32, #tpu.memory_space<hbm>> -> memref<80x128xf32, #tpu.memory_space<hbm>>
      tpu.wait_dma2 semaphore(%run_scoped3A : memref<!tpu.dma_semaphore, #tpu.memory_space<semaphore_mem>>) src(%arg8 : memref<80x128xf32, #tpu.memory_space<vmem>>) dst(%dma_wait3A_161 : memref<80x128xf32, #tpu.memory_space<hbm>>)
      tpu.yield
    }) : () -> ()
    %mul3A_146 = arith.constant 640 : i32
    %mul3A_147 = arith.muli %arg1, %mul3A_146 : i32
    %add3A_148 = arith.constant 560 : i32
    %add3A_149 = arith.addi %mul3A_147, %add3A_148 : i32
    "tpu.region"() ({
      %run_scoped3A = tpu.sem_alloc : memref<!tpu.dma_semaphore, #tpu.memory_space<semaphore_mem>>
      %dma_start3A_150 = arith.constant 0 : i32
      %dma_start3A_151 = tpu.memref_slice %arg7[%add3A_149, %dma_start3A_150] : memref<10240x128xf32, #tpu.memory_space<vmem_shared>> -> memref<80x128xf32, #tpu.memory_space<vmem_shared>>
      %dma_start3A_152 = arith.constant 0 : i32
      %dma_start3A_153 = tpu.memref_slice %arg7[%add3A_149, %dma_start3A_152] : memref<10240x128xf32, #tpu.memory_space<vmem_shared>> -> memref<80x128xf32, #tpu.memory_space<vmem_shared>>
      tpu.enqueue_dma source(%dma_start3A_153 : memref<80x128xf32, #tpu.memory_space<vmem_shared>>) target(%arg8 : memref<80x128xf32, #tpu.memory_space<vmem>>) target_semaphore(%run_scoped3A : memref<!tpu.dma_semaphore, #tpu.memory_space<semaphore_mem>>)
      %dma_wait3A_154 = arith.constant 0 : i32
      %dma_wait3A_155 = tpu.memref_slice %arg7[%add3A_149, %dma_wait3A_154] : memref<10240x128xf32, #tpu.memory_space<vmem_shared>> -> memref<80x128xf32, #tpu.memory_space<vmem_shared>>
      %dma_wait3A_156 = arith.constant 0 : i32
      %dma_wait3A_157 = tpu.memref_slice %arg7[%add3A_149, %dma_wait3A_156] : memref<10240x128xf32, #tpu.memory_space<vmem_shared>> -> memref<80x128xf32, #tpu.memory_space<vmem_shared>>
      tpu.wait_dma2 semaphore(%run_scoped3A : memref<!tpu.dma_semaphore, #tpu.memory_space<semaphore_mem>>) src(%dma_wait3A_157 : memref<80x128xf32, #tpu.memory_space<vmem_shared>>) dst(%arg8 : memref<80x128xf32, #tpu.memory_space<vmem>>)
      tpu.yield
    }) : () -> ()
    "tpu.region"() ({
      %run_scoped3A = tpu.sem_alloc : memref<!tpu.dma_semaphore, #tpu.memory_space<semaphore_mem>>
      %dma_start3A_150 = arith.constant 0 : i32
      %dma_start3A_151 = tpu.memref_slice %arg5[%arg0, %add3A_149, %dma_start3A_150] : memref<2x10240x128xf32, #tpu.memory_space<hbm>> -> memref<1x80x128xf32, #tpu.memory_space<hbm>>
      %dma_start3A_152 = tpu.memref_squeeze %dma_start3A_151 : memref<1x80x128xf32, #tpu.memory_space<hbm>> -> memref<80x128xf32, #tpu.memory_space<hbm>>
      %dma_start3A_153 = arith.constant 0 : i32
      %dma_start3A_154 = tpu.memref_slice %arg5[%arg0, %add3A_149, %dma_start3A_153] : memref<2x10240x128xf32, #tpu.memory_space<hbm>> -> memref<1x80x128xf32, #tpu.memory_space<hbm>>
      %dma_start3A_155 = tpu.memref_squeeze %dma_start3A_154 : memref<1x80x128xf32, #tpu.memory_space<hbm>> -> memref<80x128xf32, #tpu.memory_space<hbm>>
      tpu.enqueue_dma source(%arg8 : memref<80x128xf32, #tpu.memory_space<vmem>>) target(%dma_start3A_155 : memref<80x128xf32, #tpu.memory_space<hbm>>) target_semaphore(%run_scoped3A : memref<!tpu.dma_semaphore, #tpu.memory_space<semaphore_mem>>)
      %dma_wait3A_156 = arith.constant 0 : i32
      %dma_wait3A_157 = tpu.memref_slice %arg5[%arg0, %add3A_149, %dma_wait3A_156] : memref<2x10240x128xf32, #tpu.memory_space<hbm>> -> memref<1x80x128xf32, #tpu.memory_space<hbm>>
      %dma_wait3A_158 = tpu.memref_squeeze %dma_wait3A_157 : memref<1x80x128xf32, #tpu.memory_space<hbm>> -> memref<80x128xf32, #tpu.memory_space<hbm>>
      %dma_wait3A_159 = arith.constant 0 : i32
      %dma_wait3A_160 = tpu.memref_slice %arg5[%arg0, %add3A_149, %dma_wait3A_159] : memref<2x10240x128xf32, #tpu.memory_space<hbm>> -> memref<1x80x128xf32, #tpu.memory_space<hbm>>
      %dma_wait3A_161 = tpu.memref_squeeze %dma_wait3A_160 : memref<1x80x128xf32, #tpu.memory_space<hbm>> -> memref<80x128xf32, #tpu.memory_space<hbm>>
      tpu.wait_dma2 semaphore(%run_scoped3A : memref<!tpu.dma_semaphore, #tpu.memory_space<semaphore_mem>>) src(%arg8 : memref<80x128xf32, #tpu.memory_space<vmem>>) dst(%dma_wait3A_161 : memref<80x128xf32, #tpu.memory_space<hbm>>)
      tpu.yield
    }) : () -> ()
    return
  }
}

#map = affine_map<(d0, d1) -> (0, 0)>
#map1 = affine_map<(d0, d1) -> (0)>
#map2 = affine_map<(d0, d1) -> (0, 0, 0)>
module attributes {stable_mosaic.version = 14 : i64} {
  func.func @_agg_body(%arg0: i32, %arg1: i32, %arg2: memref<10240x128xf32, #tpu.memory_space<hbm>>, %arg3: memref<640000xi32, #tpu.memory_space<hbm>>, %arg4: memref<80x128xf32, #tpu.memory_space<hbm>>, %arg5: memref<2x10240x128xf32, #tpu.memory_space<hbm>>, %arg6: memref<10000xi32, #tpu.memory_space<vmem>>, %arg7: memref<10240x128xf32, #tpu.memory_space<vmem_shared>>, %arg8: memref<80x128xf32, #tpu.memory_space<vmem>>, %arg9: memref<80x128xf32, #tpu.memory_space<vmem>>, %arg10: memref<80x128xf32, #tpu.memory_space<vmem>>, %arg11: memref<80xi32, #tpu.memory_space<vmem>>, %arg12: memref<80xi32, #tpu.memory_space<vmem>>, %arg13: memref<80xi32, #tpu.memory_space<vmem>>, %arg14: memref<!tpu.dma_semaphore, #tpu.memory_space<semaphore_mem>>, %arg15: memref<!tpu.dma_semaphore, #tpu.memory_space<semaphore_mem>>, %arg16: memref<!tpu.dma_semaphore, #tpu.memory_space<semaphore_mem>>, %arg17: memref<!tpu.dma_semaphore, #tpu.memory_space<semaphore_mem>>, %arg18: memref<!tpu.dma_semaphore, #tpu.memory_space<semaphore_mem>>, %arg19: memref<!tpu.dma_semaphore, #tpu.memory_space<semaphore_mem>>, %arg20: memref<!tpu.dma_semaphore, #tpu.memory_space<semaphore_mem>>, %arg21: memref<!tpu.dma_semaphore, #tpu.memory_space<semaphore_mem>>, %arg22: memref<!tpu.dma_semaphore, #tpu.memory_space<semaphore_mem>>) attributes {dimension_semantics = [#tpu.dimension_semantics<core_parallel>, #tpu.dimension_semantics<subcore_parallel>], iteration_bounds = array<i64: 2, 16>, scalar_prefetch = 0 : i64, scratch_operands = 17 : i64, tpu.core_type = #tpu.core_type<sc_vector_subcore>, window_params = [{transform_indices = #map}, {transform_indices = #map1}, {transform_indices = #map}, {transform_indices = #map2}]} {
    %mul3A = arith.constant 16 : i32
    %mul3A_0 = arith.muli %arg0, %mul3A : i32
    %add3A = arith.addi %mul3A_0, %arg1 : i32
    %mul3A_1 = arith.constant 125 : i32
    %mul3A_2 = arith.muli %add3A, %mul3A_1 : i32
    "tpu.region"() ({
      %run_scoped3A = tpu.sem_alloc : memref<!tpu.dma_semaphore, #tpu.memory_space<semaphore_mem>>
      tpu.enqueue_dma source(%arg4 : memref<80x128xf32, #tpu.memory_space<hbm>>) target(%arg8 : memref<80x128xf32, #tpu.memory_space<vmem>>) target_semaphore(%run_scoped3A : memref<!tpu.dma_semaphore, #tpu.memory_space<semaphore_mem>>)
      tpu.wait_dma2 semaphore(%run_scoped3A : memref<!tpu.dma_semaphore, #tpu.memory_space<semaphore_mem>>) src(%arg4 : memref<80x128xf32, #tpu.memory_space<hbm>>) dst(%arg8 : memref<80x128xf32, #tpu.memory_space<vmem>>)
      tpu.yield
    }) : () -> ()
    %mul3A_3 = arith.constant 640 : i32
    %mul3A_4 = arith.muli %arg1, %mul3A_3 : i32
    %add3A_5 = arith.constant 0 : i32
    %add3A_6 = arith.addi %mul3A_4, %add3A_5 : i32
    "tpu.region"() ({
      %run_scoped3A = tpu.sem_alloc : memref<!tpu.dma_semaphore, #tpu.memory_space<semaphore_mem>>
      %dma_start3A_150 = arith.constant 0 : i32
      %dma_start3A_151 = tpu.memref_slice %arg7[%add3A_6, %dma_start3A_150] : memref<10240x128xf32, #tpu.memory_space<vmem_shared>> -> memref<80x128xf32, #tpu.memory_space<vmem_shared>>
      %dma_start3A_152 = arith.constant 0 : i32
      %dma_start3A_153 = tpu.memref_slice %arg7[%add3A_6, %dma_start3A_152] : memref<10240x128xf32, #tpu.memory_space<vmem_shared>> -> memref<80x128xf32, #tpu.memory_space<vmem_shared>>
      tpu.enqueue_dma source(%arg8 : memref<80x128xf32, #tpu.memory_space<vmem>>) target(%dma_start3A_153 : memref<80x128xf32, #tpu.memory_space<vmem_shared>>) target_semaphore(%run_scoped3A : memref<!tpu.dma_semaphore, #tpu.memory_space<semaphore_mem>>)
      %dma_wait3A_154 = arith.constant 0 : i32
      %dma_wait3A_155 = tpu.memref_slice %arg7[%add3A_6, %dma_wait3A_154] : memref<10240x128xf32, #tpu.memory_space<vmem_shared>> -> memref<80x128xf32, #tpu.memory_space<vmem_shared>>
      %dma_wait3A_156 = arith.constant 0 : i32
      %dma_wait3A_157 = tpu.memref_slice %arg7[%add3A_6, %dma_wait3A_156] : memref<10240x128xf32, #tpu.memory_space<vmem_shared>> -> memref<80x128xf32, #tpu.memory_space<vmem_shared>>
      tpu.wait_dma2 semaphore(%run_scoped3A : memref<!tpu.dma_semaphore, #tpu.memory_space<semaphore_mem>>) src(%arg8 : memref<80x128xf32, #tpu.memory_space<vmem>>) dst(%dma_wait3A_157 : memref<80x128xf32, #tpu.memory_space<vmem_shared>>)
      tpu.yield
    }) : () -> ()
    %mul3A_7 = arith.constant 640 : i32
    %mul3A_8 = arith.muli %arg1, %mul3A_7 : i32
    %add3A_9 = arith.constant 80 : i32
    %add3A_10 = arith.addi %mul3A_8, %add3A_9 : i32
    "tpu.region"() ({
      %run_scoped3A = tpu.sem_alloc : memref<!tpu.dma_semaphore, #tpu.memory_space<semaphore_mem>>
      %dma_start3A_150 = arith.constant 0 : i32
      %dma_start3A_151 = tpu.memref_slice %arg7[%add3A_10, %dma_start3A_150] : memref<10240x128xf32, #tpu.memory_space<vmem_shared>> -> memref<80x128xf32, #tpu.memory_space<vmem_shared>>
      %dma_start3A_152 = arith.constant 0 : i32
      %dma_start3A_153 = tpu.memref_slice %arg7[%add3A_10, %dma_start3A_152] : memref<10240x128xf32, #tpu.memory_space<vmem_shared>> -> memref<80x128xf32, #tpu.memory_space<vmem_shared>>
      tpu.enqueue_dma source(%arg8 : memref<80x128xf32, #tpu.memory_space<vmem>>) target(%dma_start3A_153 : memref<80x128xf32, #tpu.memory_space<vmem_shared>>) target_semaphore(%run_scoped3A : memref<!tpu.dma_semaphore, #tpu.memory_space<semaphore_mem>>)
      %dma_wait3A_154 = arith.constant 0 : i32
      %dma_wait3A_155 = tpu.memref_slice %arg7[%add3A_10, %dma_wait3A_154] : memref<10240x128xf32, #tpu.memory_space<vmem_shared>> -> memref<80x128xf32, #tpu.memory_space<vmem_shared>>
      %dma_wait3A_156 = arith.constant 0 : i32
      %dma_wait3A_157 = tpu.memref_slice %arg7[%add3A_10, %dma_wait3A_156] : memref<10240x128xf32, #tpu.memory_space<vmem_shared>> -> memref<80x128xf32, #tpu.memory_space<vmem_shared>>
      tpu.wait_dma2 semaphore(%run_scoped3A : memref<!tpu.dma_semaphore, #tpu.memory_space<semaphore_mem>>) src(%arg8 : memref<80x128xf32, #tpu.memory_space<vmem>>) dst(%dma_wait3A_157 : memref<80x128xf32, #tpu.memory_space<vmem_shared>>)
      tpu.yield
    }) : () -> ()
    %mul3A_11 = arith.constant 640 : i32
    %mul3A_12 = arith.muli %arg1, %mul3A_11 : i32
    %add3A_13 = arith.constant 160 : i32
    %add3A_14 = arith.addi %mul3A_12, %add3A_13 : i32
    "tpu.region"() ({
      %run_scoped3A = tpu.sem_alloc : memref<!tpu.dma_semaphore, #tpu.memory_space<semaphore_mem>>
      %dma_start3A_150 = arith.constant 0 : i32
      %dma_start3A_151 = tpu.memref_slice %arg7[%add3A_14, %dma_start3A_150] : memref<10240x128xf32, #tpu.memory_space<vmem_shared>> -> memref<80x128xf32, #tpu.memory_space<vmem_shared>>
      %dma_start3A_152 = arith.constant 0 : i32
      %dma_start3A_153 = tpu.memref_slice %arg7[%add3A_14, %dma_start3A_152] : memref<10240x128xf32, #tpu.memory_space<vmem_shared>> -> memref<80x128xf32, #tpu.memory_space<vmem_shared>>
      tpu.enqueue_dma source(%arg8 : memref<80x128xf32, #tpu.memory_space<vmem>>) target(%dma_start3A_153 : memref<80x128xf32, #tpu.memory_space<vmem_shared>>) target_semaphore(%run_scoped3A : memref<!tpu.dma_semaphore, #tpu.memory_space<semaphore_mem>>)
      %dma_wait3A_154 = arith.constant 0 : i32
      %dma_wait3A_155 = tpu.memref_slice %arg7[%add3A_14, %dma_wait3A_154] : memref<10240x128xf32, #tpu.memory_space<vmem_shared>> -> memref<80x128xf32, #tpu.memory_space<vmem_shared>>
      %dma_wait3A_156 = arith.constant 0 : i32
      %dma_wait3A_157 = tpu.memref_slice %arg7[%add3A_14, %dma_wait3A_156] : memref<10240x128xf32, #tpu.memory_space<vmem_shared>> -> memref<80x128xf32, #tpu.memory_space<vmem_shared>>
      tpu.wait_dma2 semaphore(%run_scoped3A : memref<!tpu.dma_semaphore, #tpu.memory_space<semaphore_mem>>) src(%arg8 : memref<80x128xf32, #tpu.memory_space<vmem>>) dst(%dma_wait3A_157 : memref<80x128xf32, #tpu.memory_space<vmem_shared>>)
      tpu.yield
    }) : () -> ()
    %mul3A_15 = arith.constant 640 : i32
    %mul3A_16 = arith.muli %arg1, %mul3A_15 : i32
    %add3A_17 = arith.constant 240 : i32
    %add3A_18 = arith.addi %mul3A_16, %add3A_17 : i32
    "tpu.region"() ({
      %run_scoped3A = tpu.sem_alloc : memref<!tpu.dma_semaphore, #tpu.memory_space<semaphore_mem>>
      %dma_start3A_150 = arith.constant 0 : i32
      %dma_start3A_151 = tpu.memref_slice %arg7[%add3A_18, %dma_start3A_150] : memref<10240x128xf32, #tpu.memory_space<vmem_shared>> -> memref<80x128xf32, #tpu.memory_space<vmem_shared>>
      %dma_start3A_152 = arith.constant 0 : i32
      %dma_start3A_153 = tpu.memref_slice %arg7[%add3A_18, %dma_start3A_152] : memref<10240x128xf32, #tpu.memory_space<vmem_shared>> -> memref<80x128xf32, #tpu.memory_space<vmem_shared>>
      tpu.enqueue_dma source(%arg8 : memref<80x128xf32, #tpu.memory_space<vmem>>) target(%dma_start3A_153 : memref<80x128xf32, #tpu.memory_space<vmem_shared>>) target_semaphore(%run_scoped3A : memref<!tpu.dma_semaphore, #tpu.memory_space<semaphore_mem>>)
      %dma_wait3A_154 = arith.constant 0 : i32
      %dma_wait3A_155 = tpu.memref_slice %arg7[%add3A_18, %dma_wait3A_154] : memref<10240x128xf32, #tpu.memory_space<vmem_shared>> -> memref<80x128xf32, #tpu.memory_space<vmem_shared>>
      %dma_wait3A_156 = arith.constant 0 : i32
      %dma_wait3A_157 = tpu.memref_slice %arg7[%add3A_18, %dma_wait3A_156] : memref<10240x128xf32, #tpu.memory_space<vmem_shared>> -> memref<80x128xf32, #tpu.memory_space<vmem_shared>>
      tpu.wait_dma2 semaphore(%run_scoped3A : memref<!tpu.dma_semaphore, #tpu.memory_space<semaphore_mem>>) src(%arg8 : memref<80x128xf32, #tpu.memory_space<vmem>>) dst(%dma_wait3A_157 : memref<80x128xf32, #tpu.memory_space<vmem_shared>>)
      tpu.yield
    }) : () -> ()
    %mul3A_19 = arith.constant 640 : i32
    %mul3A_20 = arith.muli %arg1, %mul3A_19 : i32
    %add3A_21 = arith.constant 320 : i32
    %add3A_22 = arith.addi %mul3A_20, %add3A_21 : i32
    "tpu.region"() ({
      %run_scoped3A = tpu.sem_alloc : memref<!tpu.dma_semaphore, #tpu.memory_space<semaphore_mem>>
      %dma_start3A_150 = arith.constant 0 : i32
      %dma_start3A_151 = tpu.memref_slice %arg7[%add3A_22, %dma_start3A_150] : memref<10240x128xf32, #tpu.memory_space<vmem_shared>> -> memref<80x128xf32, #tpu.memory_space<vmem_shared>>
      %dma_start3A_152 = arith.constant 0 : i32
      %dma_start3A_153 = tpu.memref_slice %arg7[%add3A_22, %dma_start3A_152] : memref<10240x128xf32, #tpu.memory_space<vmem_shared>> -> memref<80x128xf32, #tpu.memory_space<vmem_shared>>
      tpu.enqueue_dma source(%arg8 : memref<80x128xf32, #tpu.memory_space<vmem>>) target(%dma_start3A_153 : memref<80x128xf32, #tpu.memory_space<vmem_shared>>) target_semaphore(%run_scoped3A : memref<!tpu.dma_semaphore, #tpu.memory_space<semaphore_mem>>)
      %dma_wait3A_154 = arith.constant 0 : i32
      %dma_wait3A_155 = tpu.memref_slice %arg7[%add3A_22, %dma_wait3A_154] : memref<10240x128xf32, #tpu.memory_space<vmem_shared>> -> memref<80x128xf32, #tpu.memory_space<vmem_shared>>
      %dma_wait3A_156 = arith.constant 0 : i32
      %dma_wait3A_157 = tpu.memref_slice %arg7[%add3A_22, %dma_wait3A_156] : memref<10240x128xf32, #tpu.memory_space<vmem_shared>> -> memref<80x128xf32, #tpu.memory_space<vmem_shared>>
      tpu.wait_dma2 semaphore(%run_scoped3A : memref<!tpu.dma_semaphore, #tpu.memory_space<semaphore_mem>>) src(%arg8 : memref<80x128xf32, #tpu.memory_space<vmem>>) dst(%dma_wait3A_157 : memref<80x128xf32, #tpu.memory_space<vmem_shared>>)
      tpu.yield
    }) : () -> ()
    %mul3A_23 = arith.constant 640 : i32
    %mul3A_24 = arith.muli %arg1, %mul3A_23 : i32
    %add3A_25 = arith.constant 400 : i32
    %add3A_26 = arith.addi %mul3A_24, %add3A_25 : i32
    "tpu.region"() ({
      %run_scoped3A = tpu.sem_alloc : memref<!tpu.dma_semaphore, #tpu.memory_space<semaphore_mem>>
      %dma_start3A_150 = arith.constant 0 : i32
      %dma_start3A_151 = tpu.memref_slice %arg7[%add3A_26, %dma_start3A_150] : memref<10240x128xf32, #tpu.memory_space<vmem_shared>> -> memref<80x128xf32, #tpu.memory_space<vmem_shared>>
      %dma_start3A_152 = arith.constant 0 : i32
      %dma_start3A_153 = tpu.memref_slice %arg7[%add3A_26, %dma_start3A_152] : memref<10240x128xf32, #tpu.memory_space<vmem_shared>> -> memref<80x128xf32, #tpu.memory_space<vmem_shared>>
      tpu.enqueue_dma source(%arg8 : memref<80x128xf32, #tpu.memory_space<vmem>>) target(%dma_start3A_153 : memref<80x128xf32, #tpu.memory_space<vmem_shared>>) target_semaphore(%run_scoped3A : memref<!tpu.dma_semaphore, #tpu.memory_space<semaphore_mem>>)
      %dma_wait3A_154 = arith.constant 0 : i32
      %dma_wait3A_155 = tpu.memref_slice %arg7[%add3A_26, %dma_wait3A_154] : memref<10240x128xf32, #tpu.memory_space<vmem_shared>> -> memref<80x128xf32, #tpu.memory_space<vmem_shared>>
      %dma_wait3A_156 = arith.constant 0 : i32
      %dma_wait3A_157 = tpu.memref_slice %arg7[%add3A_26, %dma_wait3A_156] : memref<10240x128xf32, #tpu.memory_space<vmem_shared>> -> memref<80x128xf32, #tpu.memory_space<vmem_shared>>
      tpu.wait_dma2 semaphore(%run_scoped3A : memref<!tpu.dma_semaphore, #tpu.memory_space<semaphore_mem>>) src(%arg8 : memref<80x128xf32, #tpu.memory_space<vmem>>) dst(%dma_wait3A_157 : memref<80x128xf32, #tpu.memory_space<vmem_shared>>)
      tpu.yield
    }) : () -> ()
    %mul3A_27 = arith.constant 640 : i32
    %mul3A_28 = arith.muli %arg1, %mul3A_27 : i32
    %add3A_29 = arith.constant 480 : i32
    %add3A_30 = arith.addi %mul3A_28, %add3A_29 : i32
    "tpu.region"() ({
      %run_scoped3A = tpu.sem_alloc : memref<!tpu.dma_semaphore, #tpu.memory_space<semaphore_mem>>
      %dma_start3A_150 = arith.constant 0 : i32
      %dma_start3A_151 = tpu.memref_slice %arg7[%add3A_30, %dma_start3A_150] : memref<10240x128xf32, #tpu.memory_space<vmem_shared>> -> memref<80x128xf32, #tpu.memory_space<vmem_shared>>
      %dma_start3A_152 = arith.constant 0 : i32
      %dma_start3A_153 = tpu.memref_slice %arg7[%add3A_30, %dma_start3A_152] : memref<10240x128xf32, #tpu.memory_space<vmem_shared>> -> memref<80x128xf32, #tpu.memory_space<vmem_shared>>
      tpu.enqueue_dma source(%arg8 : memref<80x128xf32, #tpu.memory_space<vmem>>) target(%dma_start3A_153 : memref<80x128xf32, #tpu.memory_space<vmem_shared>>) target_semaphore(%run_scoped3A : memref<!tpu.dma_semaphore, #tpu.memory_space<semaphore_mem>>)
      %dma_wait3A_154 = arith.constant 0 : i32
      %dma_wait3A_155 = tpu.memref_slice %arg7[%add3A_30, %dma_wait3A_154] : memref<10240x128xf32, #tpu.memory_space<vmem_shared>> -> memref<80x128xf32, #tpu.memory_space<vmem_shared>>
      %dma_wait3A_156 = arith.constant 0 : i32
      %dma_wait3A_157 = tpu.memref_slice %arg7[%add3A_30, %dma_wait3A_156] : memref<10240x128xf32, #tpu.memory_space<vmem_shared>> -> memref<80x128xf32, #tpu.memory_space<vmem_shared>>
      tpu.wait_dma2 semaphore(%run_scoped3A : memref<!tpu.dma_semaphore, #tpu.memory_space<semaphore_mem>>) src(%arg8 : memref<80x128xf32, #tpu.memory_space<vmem>>) dst(%dma_wait3A_157 : memref<80x128xf32, #tpu.memory_space<vmem_shared>>)
      tpu.yield
    }) : () -> ()
    %mul3A_31 = arith.constant 640 : i32
    %mul3A_32 = arith.muli %arg1, %mul3A_31 : i32
    %add3A_33 = arith.constant 560 : i32
    %add3A_34 = arith.addi %mul3A_32, %add3A_33 : i32
    "tpu.region"() ({
      %run_scoped3A = tpu.sem_alloc : memref<!tpu.dma_semaphore, #tpu.memory_space<semaphore_mem>>
      %dma_start3A_150 = arith.constant 0 : i32
      %dma_start3A_151 = tpu.memref_slice %arg7[%add3A_34, %dma_start3A_150] : memref<10240x128xf32, #tpu.memory_space<vmem_shared>> -> memref<80x128xf32, #tpu.memory_space<vmem_shared>>
      %dma_start3A_152 = arith.constant 0 : i32
      %dma_start3A_153 = tpu.memref_slice %arg7[%add3A_34, %dma_start3A_152] : memref<10240x128xf32, #tpu.memory_space<vmem_shared>> -> memref<80x128xf32, #tpu.memory_space<vmem_shared>>
      tpu.enqueue_dma source(%arg8 : memref<80x128xf32, #tpu.memory_space<vmem>>) target(%dma_start3A_153 : memref<80x128xf32, #tpu.memory_space<vmem_shared>>) target_semaphore(%run_scoped3A : memref<!tpu.dma_semaphore, #tpu.memory_space<semaphore_mem>>)
      %dma_wait3A_154 = arith.constant 0 : i32
      %dma_wait3A_155 = tpu.memref_slice %arg7[%add3A_34, %dma_wait3A_154] : memref<10240x128xf32, #tpu.memory_space<vmem_shared>> -> memref<80x128xf32, #tpu.memory_space<vmem_shared>>
      %dma_wait3A_156 = arith.constant 0 : i32
      %dma_wait3A_157 = tpu.memref_slice %arg7[%add3A_34, %dma_wait3A_156] : memref<10240x128xf32, #tpu.memory_space<vmem_shared>> -> memref<80x128xf32, #tpu.memory_space<vmem_shared>>
      tpu.wait_dma2 semaphore(%run_scoped3A : memref<!tpu.dma_semaphore, #tpu.memory_space<semaphore_mem>>) src(%arg8 : memref<80x128xf32, #tpu.memory_space<vmem>>) dst(%dma_wait3A_157 : memref<80x128xf32, #tpu.memory_space<vmem_shared>>)
      tpu.yield
    }) : () -> ()
    %mul3A_35 = arith.constant 10000 : i32
    %mul3A_36 = arith.muli %add3A, %mul3A_35 : i32
    "tpu.region"() ({
      %run_scoped3A = tpu.sem_alloc : memref<!tpu.dma_semaphore, #tpu.memory_space<semaphore_mem>>
      %dma_start3A_150 = tpu.memref_slice %arg3[%mul3A_36] : memref<640000xi32, #tpu.memory_space<hbm>> -> memref<10000xi32, #tpu.memory_space<hbm>>
      %dma_start3A_151 = tpu.memref_slice %arg3[%mul3A_36] : memref<640000xi32, #tpu.memory_space<hbm>> -> memref<10000xi32, #tpu.memory_space<hbm>>
      tpu.enqueue_dma source(%dma_start3A_151 : memref<10000xi32, #tpu.memory_space<hbm>>) target(%arg6 : memref<10000xi32, #tpu.memory_space<vmem>>) target_semaphore(%run_scoped3A : memref<!tpu.dma_semaphore, #tpu.memory_space<semaphore_mem>>)
      %dma_wait3A_152 = tpu.memref_slice %arg3[%mul3A_36] : memref<640000xi32, #tpu.memory_space<hbm>> -> memref<10000xi32, #tpu.memory_space<hbm>>
      %dma_wait3A_153 = tpu.memref_slice %arg3[%mul3A_36] : memref<640000xi32, #tpu.memory_space<hbm>> -> memref<10000xi32, #tpu.memory_space<hbm>>
      tpu.wait_dma2 semaphore(%run_scoped3A : memref<!tpu.dma_semaphore, #tpu.memory_space<semaphore_mem>>) src(%dma_wait3A_153 : memref<10000xi32, #tpu.memory_space<hbm>>) dst(%arg6 : memref<10000xi32, #tpu.memory_space<vmem>>)
      tpu.yield
    }) : () -> ()
    %barrier3A = arith.constant 0 : index
    tpu.barrier barrier_id(%barrier3A)
    %add3A_37 = arith.constant 0 : i32
    %add3A_38 = arith.addi %mul3A_2, %add3A_37 : i32
    %mul3A_39 = arith.constant 80 : i32
    %mul3A_40 = arith.muli %add3A_38, %mul3A_39 : i32
    %add3A_41 = arith.constant 320000 : i32
    %add3A_42 = arith.addi %add3A_41, %mul3A_40 : i32
    %dma_start3A = tpu.memref_slice %arg3[%add3A_42] : memref<640000xi32, #tpu.memory_space<hbm>> -> memref<80xi32, #tpu.memory_space<hbm>>
    %dma_start3A_43 = tpu.memref_slice %arg3[%add3A_42] : memref<640000xi32, #tpu.memory_space<hbm>> -> memref<80xi32, #tpu.memory_space<hbm>>
    tpu.enqueue_dma source(%dma_start3A_43 : memref<80xi32, #tpu.memory_space<hbm>>) target(%arg11 : memref<80xi32, #tpu.memory_space<vmem>>) target_semaphore(%arg20 : memref<!tpu.dma_semaphore, #tpu.memory_space<semaphore_mem>>)
    %dma_start3A_44 = arith.constant 0 : i32
    %dma_start3A_45 = tpu.memref_slice %arg6[%dma_start3A_44] : memref<10000xi32, #tpu.memory_space<vmem>> -> memref<80xi32, #tpu.memory_space<vmem>>
    %dma_start3A_46 = arith.constant 0 : i32
    %dma_start3A_47 = arith.constant 0 : i32
    %dma_start3A_48 = tpu.memref_slice %arg2[%dma_start3A_46, %dma_start3A_47] : memref<10240x128xf32, #tpu.memory_space<hbm>> -> memref<10240x128xf32, #tpu.memory_space<hbm>>
    tpu.enqueue_indirect_dma source(%dma_start3A_48 : memref<10240x128xf32, #tpu.memory_space<hbm>>) target(%arg8 : memref<80x128xf32, #tpu.memory_space<vmem>>) offsets(%dma_start3A_45 : memref<80xi32, #tpu.memory_space<vmem>>) semaphore(%arg14 : memref<!tpu.dma_semaphore, #tpu.memory_space<semaphore_mem>>)
    %add3A_49 = arith.constant 1 : i32
    %add3A_50 = arith.addi %mul3A_2, %add3A_49 : i32
    %mul3A_51 = arith.constant 80 : i32
    %mul3A_52 = arith.muli %add3A_50, %mul3A_51 : i32
    %add3A_53 = arith.constant 320000 : i32
    %add3A_54 = arith.addi %add3A_53, %mul3A_52 : i32
    %dma_start3A_55 = tpu.memref_slice %arg3[%add3A_54] : memref<640000xi32, #tpu.memory_space<hbm>> -> memref<80xi32, #tpu.memory_space<hbm>>
    %dma_start3A_56 = tpu.memref_slice %arg3[%add3A_54] : memref<640000xi32, #tpu.memory_space<hbm>> -> memref<80xi32, #tpu.memory_space<hbm>>
    tpu.enqueue_dma source(%dma_start3A_56 : memref<80xi32, #tpu.memory_space<hbm>>) target(%arg12 : memref<80xi32, #tpu.memory_space<vmem>>) target_semaphore(%arg21 : memref<!tpu.dma_semaphore, #tpu.memory_space<semaphore_mem>>)
    %dma_start3A_57 = arith.constant 80 : i32
    %dma_start3A_58 = tpu.memref_slice %arg6[%dma_start3A_57] : memref<10000xi32, #tpu.memory_space<vmem>> -> memref<80xi32, #tpu.memory_space<vmem>>
    %dma_start3A_59 = arith.constant 0 : i32
    %dma_start3A_60 = arith.constant 0 : i32
    %dma_start3A_61 = tpu.memref_slice %arg2[%dma_start3A_59, %dma_start3A_60] : memref<10240x128xf32, #tpu.memory_space<hbm>> -> memref<10240x128xf32, #tpu.memory_space<hbm>>
    tpu.enqueue_indirect_dma source(%dma_start3A_61 : memref<10240x128xf32, #tpu.memory_space<hbm>>) target(%arg9 : memref<80x128xf32, #tpu.memory_space<vmem>>) offsets(%dma_start3A_58 : memref<80xi32, #tpu.memory_space<vmem>>) semaphore(%arg15 : memref<!tpu.dma_semaphore, #tpu.memory_space<semaphore_mem>>)
    %add3A_62 = arith.constant 2 : i32
    %add3A_63 = arith.addi %mul3A_2, %add3A_62 : i32
    %mul3A_64 = arith.constant 80 : i32
    %mul3A_65 = arith.muli %add3A_63, %mul3A_64 : i32
    %add3A_66 = arith.constant 320000 : i32
    %add3A_67 = arith.addi %add3A_66, %mul3A_65 : i32
    %dma_start3A_68 = tpu.memref_slice %arg3[%add3A_67] : memref<640000xi32, #tpu.memory_space<hbm>> -> memref<80xi32, #tpu.memory_space<hbm>>
    %dma_start3A_69 = tpu.memref_slice %arg3[%add3A_67] : memref<640000xi32, #tpu.memory_space<hbm>> -> memref<80xi32, #tpu.memory_space<hbm>>
    tpu.enqueue_dma source(%dma_start3A_69 : memref<80xi32, #tpu.memory_space<hbm>>) target(%arg13 : memref<80xi32, #tpu.memory_space<vmem>>) target_semaphore(%arg22 : memref<!tpu.dma_semaphore, #tpu.memory_space<semaphore_mem>>)
    %dma_start3A_70 = arith.constant 160 : i32
    %dma_start3A_71 = tpu.memref_slice %arg6[%dma_start3A_70] : memref<10000xi32, #tpu.memory_space<vmem>> -> memref<80xi32, #tpu.memory_space<vmem>>
    %dma_start3A_72 = arith.constant 0 : i32
    %dma_start3A_73 = arith.constant 0 : i32
    %dma_start3A_74 = tpu.memref_slice %arg2[%dma_start3A_72, %dma_start3A_73] : memref<10240x128xf32, #tpu.memory_space<hbm>> -> memref<10240x128xf32, #tpu.memory_space<hbm>>
    tpu.enqueue_indirect_dma source(%dma_start3A_74 : memref<10240x128xf32, #tpu.memory_space<hbm>>) target(%arg10 : memref<80x128xf32, #tpu.memory_space<vmem>>) offsets(%dma_start3A_71 : memref<80xi32, #tpu.memory_space<vmem>>) semaphore(%arg16 : memref<!tpu.dma_semaphore, #tpu.memory_space<semaphore_mem>>)
    %dma_wait3A = arith.constant 0 : i32
    %dma_wait3A_75 = tpu.memref_slice %arg6[%dma_wait3A] : memref<10000xi32, #tpu.memory_space<vmem>> -> memref<80xi32, #tpu.memory_space<vmem>>
    %dma_wait3A_76 = arith.constant 0 : i32
    %dma_wait3A_77 = arith.constant 0 : i32
    %dma_wait3A_78 = tpu.memref_slice %arg2[%dma_wait3A_76, %dma_wait3A_77] : memref<10240x128xf32, #tpu.memory_space<hbm>> -> memref<10240x128xf32, #tpu.memory_space<hbm>>
    tpu.wait_indirect_dma semaphore(%arg14 : memref<!tpu.dma_semaphore, #tpu.memory_space<semaphore_mem>>) src(%dma_wait3A_78 : memref<10240x128xf32, #tpu.memory_space<hbm>>) dst(%arg8 : memref<80x128xf32, #tpu.memory_space<vmem>>)
    %add3A_79 = arith.constant 0 : i32
    %add3A_80 = arith.addi %mul3A_2, %add3A_79 : i32
    %mul3A_81 = arith.constant 80 : i32
    %mul3A_82 = arith.muli %add3A_80, %mul3A_81 : i32
    %add3A_83 = arith.constant 320000 : i32
    %add3A_84 = arith.addi %add3A_83, %mul3A_82 : i32
    %dma_wait3A_85 = tpu.memref_slice %arg3[%add3A_84] : memref<640000xi32, #tpu.memory_space<hbm>> -> memref<80xi32, #tpu.memory_space<hbm>>
    %dma_wait3A_86 = tpu.memref_slice %arg3[%add3A_84] : memref<640000xi32, #tpu.memory_space<hbm>> -> memref<80xi32, #tpu.memory_space<hbm>>
    tpu.wait_dma2 semaphore(%arg20 : memref<!tpu.dma_semaphore, #tpu.memory_space<semaphore_mem>>) src(%dma_wait3A_86 : memref<80xi32, #tpu.memory_space<hbm>>) dst(%arg11 : memref<80xi32, #tpu.memory_space<vmem>>)
    %dma_start3A_87 = arith.constant 0 : i32
    %dma_start3A_88 = arith.constant 0 : i32
    %dma_start3A_89 = tpu.memref_slice %arg7[%dma_start3A_87, %dma_start3A_88] : memref<10240x128xf32, #tpu.memory_space<vmem_shared>> -> memref<10240x128xf32, #tpu.memory_space<vmem_shared>>
    tpu.enqueue_indirect_dma source(%arg8 : memref<80x128xf32, #tpu.memory_space<vmem>>) target(%dma_start3A_89 : memref<10240x128xf32, #tpu.memory_space<vmem_shared>>) offsets(%arg11 : memref<80xi32, #tpu.memory_space<vmem>>) semaphore(%arg17 : memref<!tpu.dma_semaphore, #tpu.memory_space<semaphore_mem>>) {add = true}
    %scan3A = arith.constant 0 : i32
    %scan3A_90 = arith.constant 0 : i32
    %scan3A_91 = arith.constant 41 : i32
    %scan3A_92 = arith.addi %scan3A_90, %scan3A_91 : i32
    %scan3A_93 = arith.constant 1 : i32
    scf.for %scan3A_150 = %scan3A_90 to %scan3A_92 step %scan3A_93  : i32 {
      %mul3A_151 = arith.constant 3 : i32
      %mul3A_152 = arith.muli %scan3A_150, %mul3A_151 : i32
      %add3A_153 = arith.constant 1 : i32
      %add3A_154 = arith.addi %add3A_153, %mul3A_152 : i32
      %add3A_155 = arith.constant 0 : i32
      %add3A_156 = arith.addi %add3A_154, %add3A_155 : i32
      %mul3A_157 = arith.constant 80 : i32
      %mul3A_158 = arith.muli %add3A_156, %mul3A_157 : i32
      %dma_wait3A_159 = tpu.memref_slice %arg6[%mul3A_158] : memref<10000xi32, #tpu.memory_space<vmem>> -> memref<80xi32, #tpu.memory_space<vmem>>
      %dma_wait3A_160 = arith.constant 0 : i32
      %dma_wait3A_161 = arith.constant 0 : i32
      %dma_wait3A_162 = tpu.memref_slice %arg2[%dma_wait3A_160, %dma_wait3A_161] : memref<10240x128xf32, #tpu.memory_space<hbm>> -> memref<10240x128xf32, #tpu.memory_space<hbm>>
      tpu.wait_indirect_dma semaphore(%arg15 : memref<!tpu.dma_semaphore, #tpu.memory_space<semaphore_mem>>) src(%dma_wait3A_162 : memref<10240x128xf32, #tpu.memory_space<hbm>>) dst(%arg9 : memref<80x128xf32, #tpu.memory_space<vmem>>)
      %add3A_163 = arith.addi %mul3A_2, %add3A_156 : i32
      %mul3A_164 = arith.constant 80 : i32
      %mul3A_165 = arith.muli %add3A_163, %mul3A_164 : i32
      %add3A_166 = arith.constant 320000 : i32
      %add3A_167 = arith.addi %add3A_166, %mul3A_165 : i32
      %dma_wait3A_168 = tpu.memref_slice %arg3[%add3A_167] : memref<640000xi32, #tpu.memory_space<hbm>> -> memref<80xi32, #tpu.memory_space<hbm>>
      %dma_wait3A_169 = tpu.memref_slice %arg3[%add3A_167] : memref<640000xi32, #tpu.memory_space<hbm>> -> memref<80xi32, #tpu.memory_space<hbm>>
      tpu.wait_dma2 semaphore(%arg21 : memref<!tpu.dma_semaphore, #tpu.memory_space<semaphore_mem>>) src(%dma_wait3A_169 : memref<80xi32, #tpu.memory_space<hbm>>) dst(%arg12 : memref<80xi32, #tpu.memory_space<vmem>>)
      %dma_start3A_170 = arith.constant 0 : i32
      %dma_start3A_171 = arith.constant 0 : i32
      %dma_start3A_172 = tpu.memref_slice %arg7[%dma_start3A_170, %dma_start3A_171] : memref<10240x128xf32, #tpu.memory_space<vmem_shared>> -> memref<10240x128xf32, #tpu.memory_space<vmem_shared>>
      tpu.enqueue_indirect_dma source(%arg9 : memref<80x128xf32, #tpu.memory_space<vmem>>) target(%dma_start3A_172 : memref<10240x128xf32, #tpu.memory_space<vmem_shared>>) offsets(%arg12 : memref<80xi32, #tpu.memory_space<vmem>>) semaphore(%arg18 : memref<!tpu.dma_semaphore, #tpu.memory_space<semaphore_mem>>) {add = true}
      %sub3A = arith.constant 1 : i32
      %sub3A_173 = arith.subi %add3A_156, %sub3A : i32
      %dma_wait3A_174 = arith.constant 0 : i32
      %dma_wait3A_175 = arith.constant 0 : i32
      %dma_wait3A_176 = tpu.memref_slice %arg7[%dma_wait3A_174, %dma_wait3A_175] : memref<10240x128xf32, #tpu.memory_space<vmem_shared>> -> memref<10240x128xf32, #tpu.memory_space<vmem_shared>>
      tpu.wait_indirect_dma semaphore(%arg17 : memref<!tpu.dma_semaphore, #tpu.memory_space<semaphore_mem>>) src(%arg8 : memref<80x128xf32, #tpu.memory_space<vmem>>) dst(%dma_wait3A_176 : memref<10240x128xf32, #tpu.memory_space<vmem_shared>>)
      %add3A_177 = arith.constant 2 : i32
      %add3A_178 = arith.addi %add3A_156, %add3A_177 : i32
      %lt3A = arith.constant 125 : i32
      %lt3A_179 = arith.cmpi slt, %add3A_178, %lt3A : i32
      %convert_element_type3A = arith.extui %lt3A_179 : i1 to i32
      %cond3A = arith.constant 0 : i32
      %cond3A_180 = arith.cmpi ne, %convert_element_type3A, %cond3A : i32
      scf.if %cond3A_180 {
        %add3A_249 = arith.constant 2 : i32
        %add3A_250 = arith.addi %add3A_156, %add3A_249 : i32
        %add3A_251 = arith.addi %mul3A_2, %add3A_250 : i32
        %mul3A_252 = arith.constant 80 : i32
        %mul3A_253 = arith.muli %add3A_251, %mul3A_252 : i32
        %add3A_254 = arith.constant 320000 : i32
        %add3A_255 = arith.addi %add3A_254, %mul3A_253 : i32
        %dma_start3A_256 = tpu.memref_slice %arg3[%add3A_255] : memref<640000xi32, #tpu.memory_space<hbm>> -> memref<80xi32, #tpu.memory_space<hbm>>
        %dma_start3A_257 = tpu.memref_slice %arg3[%add3A_255] : memref<640000xi32, #tpu.memory_space<hbm>> -> memref<80xi32, #tpu.memory_space<hbm>>
        tpu.enqueue_dma source(%dma_start3A_257 : memref<80xi32, #tpu.memory_space<hbm>>) target(%arg11 : memref<80xi32, #tpu.memory_space<vmem>>) target_semaphore(%arg20 : memref<!tpu.dma_semaphore, #tpu.memory_space<semaphore_mem>>)
        %mul3A_258 = arith.constant 80 : i32
        %mul3A_259 = arith.muli %add3A_250, %mul3A_258 : i32
        %dma_start3A_260 = tpu.memref_slice %arg6[%mul3A_259] : memref<10000xi32, #tpu.memory_space<vmem>> -> memref<80xi32, #tpu.memory_space<vmem>>
        %dma_start3A_261 = arith.constant 0 : i32
        %dma_start3A_262 = arith.constant 0 : i32
        %dma_start3A_263 = tpu.memref_slice %arg2[%dma_start3A_261, %dma_start3A_262] : memref<10240x128xf32, #tpu.memory_space<hbm>> -> memref<10240x128xf32, #tpu.memory_space<hbm>>
        tpu.enqueue_indirect_dma source(%dma_start3A_263 : memref<10240x128xf32, #tpu.memory_space<hbm>>) target(%arg8 : memref<80x128xf32, #tpu.memory_space<vmem>>) offsets(%dma_start3A_260 : memref<80xi32, #tpu.memory_space<vmem>>) semaphore(%arg14 : memref<!tpu.dma_semaphore, #tpu.memory_space<semaphore_mem>>)
      } else {
      }
      %mul3A_181 = arith.constant 3 : i32
      %mul3A_182 = arith.muli %scan3A_150, %mul3A_181 : i32
      %add3A_183 = arith.constant 1 : i32
      %add3A_184 = arith.addi %add3A_183, %mul3A_182 : i32
      %add3A_185 = arith.constant 1 : i32
      %add3A_186 = arith.addi %add3A_184, %add3A_185 : i32
      %mul3A_187 = arith.constant 80 : i32
      %mul3A_188 = arith.muli %add3A_186, %mul3A_187 : i32
      %dma_wait3A_189 = tpu.memref_slice %arg6[%mul3A_188] : memref<10000xi32, #tpu.memory_space<vmem>> -> memref<80xi32, #tpu.memory_space<vmem>>
      %dma_wait3A_190 = arith.constant 0 : i32
      %dma_wait3A_191 = arith.constant 0 : i32
      %dma_wait3A_192 = tpu.memref_slice %arg2[%dma_wait3A_190, %dma_wait3A_191] : memref<10240x128xf32, #tpu.memory_space<hbm>> -> memref<10240x128xf32, #tpu.memory_space<hbm>>
      tpu.wait_indirect_dma semaphore(%arg16 : memref<!tpu.dma_semaphore, #tpu.memory_space<semaphore_mem>>) src(%dma_wait3A_192 : memref<10240x128xf32, #tpu.memory_space<hbm>>) dst(%arg10 : memref<80x128xf32, #tpu.memory_space<vmem>>)
      %add3A_193 = arith.addi %mul3A_2, %add3A_186 : i32
      %mul3A_194 = arith.constant 80 : i32
      %mul3A_195 = arith.muli %add3A_193, %mul3A_194 : i32
      %add3A_196 = arith.constant 320000 : i32
      %add3A_197 = arith.addi %add3A_196, %mul3A_195 : i32
      %dma_wait3A_198 = tpu.memref_slice %arg3[%add3A_197] : memref<640000xi32, #tpu.memory_space<hbm>> -> memref<80xi32, #tpu.memory_space<hbm>>
      %dma_wait3A_199 = tpu.memref_slice %arg3[%add3A_197] : memref<640000xi32, #tpu.memory_space<hbm>> -> memref<80xi32, #tpu.memory_space<hbm>>
      tpu.wait_dma2 semaphore(%arg22 : memref<!tpu.dma_semaphore, #tpu.memory_space<semaphore_mem>>) src(%dma_wait3A_199 : memref<80xi32, #tpu.memory_space<hbm>>) dst(%arg13 : memref<80xi32, #tpu.memory_space<vmem>>)
      %dma_start3A_200 = arith.constant 0 : i32
      %dma_start3A_201 = arith.constant 0 : i32
      %dma_start3A_202 = tpu.memref_slice %arg7[%dma_start3A_200, %dma_start3A_201] : memref<10240x128xf32, #tpu.memory_space<vmem_shared>> -> memref<10240x128xf32, #tpu.memory_space<vmem_shared>>
      tpu.enqueue_indirect_dma source(%arg10 : memref<80x128xf32, #tpu.memory_space<vmem>>) target(%dma_start3A_202 : memref<10240x128xf32, #tpu.memory_space<vmem_shared>>) offsets(%arg13 : memref<80xi32, #tpu.memory_space<vmem>>) semaphore(%arg19 : memref<!tpu.dma_semaphore, #tpu.memory_space<semaphore_mem>>) {add = true}
      %sub3A_203 = arith.constant 1 : i32
      %sub3A_204 = arith.subi %add3A_186, %sub3A_203 : i32
      %dma_wait3A_205 = arith.constant 0 : i32
      %dma_wait3A_206 = arith.constant 0 : i32
      %dma_wait3A_207 = tpu.memref_slice %arg7[%dma_wait3A_205, %dma_wait3A_206] : memref<10240x128xf32, #tpu.memory_space<vmem_shared>> -> memref<10240x128xf32, #tpu.memory_space<vmem_shared>>
      tpu.wait_indirect_dma semaphore(%arg18 : memref<!tpu.dma_semaphore, #tpu.memory_space<semaphore_mem>>) src(%arg9 : memref<80x128xf32, #tpu.memory_space<vmem>>) dst(%dma_wait3A_207 : memref<10240x128xf32, #tpu.memory_space<vmem_shared>>)
      %add3A_208 = arith.constant 2 : i32
      %add3A_209 = arith.addi %add3A_186, %add3A_208 : i32
      %lt3A_210 = arith.constant 125 : i32
      %lt3A_211 = arith.cmpi slt, %add3A_209, %lt3A_210 : i32
      %convert_element_type3A_212 = arith.extui %lt3A_211 : i1 to i32
      %cond3A_213 = arith.constant 0 : i32
      %cond3A_214 = arith.cmpi ne, %convert_element_type3A_212, %cond3A_213 : i32
      scf.if %cond3A_214 {
        %add3A_249 = arith.constant 2 : i32
        %add3A_250 = arith.addi %add3A_186, %add3A_249 : i32
        %add3A_251 = arith.addi %mul3A_2, %add3A_250 : i32
        %mul3A_252 = arith.constant 80 : i32
        %mul3A_253 = arith.muli %add3A_251, %mul3A_252 : i32
        %add3A_254 = arith.constant 320000 : i32
        %add3A_255 = arith.addi %add3A_254, %mul3A_253 : i32
        %dma_start3A_256 = tpu.memref_slice %arg3[%add3A_255] : memref<640000xi32, #tpu.memory_space<hbm>> -> memref<80xi32, #tpu.memory_space<hbm>>
        %dma_start3A_257 = tpu.memref_slice %arg3[%add3A_255] : memref<640000xi32, #tpu.memory_space<hbm>> -> memref<80xi32, #tpu.memory_space<hbm>>
        tpu.enqueue_dma source(%dma_start3A_257 : memref<80xi32, #tpu.memory_space<hbm>>) target(%arg12 : memref<80xi32, #tpu.memory_space<vmem>>) target_semaphore(%arg21 : memref<!tpu.dma_semaphore, #tpu.memory_space<semaphore_mem>>)
        %mul3A_258 = arith.constant 80 : i32
        %mul3A_259 = arith.muli %add3A_250, %mul3A_258 : i32
        %dma_start3A_260 = tpu.memref_slice %arg6[%mul3A_259] : memref<10000xi32, #tpu.memory_space<vmem>> -> memref<80xi32, #tpu.memory_space<vmem>>
        %dma_start3A_261 = arith.constant 0 : i32
        %dma_start3A_262 = arith.constant 0 : i32
        %dma_start3A_263 = tpu.memref_slice %arg2[%dma_start3A_261, %dma_start3A_262] : memref<10240x128xf32, #tpu.memory_space<hbm>> -> memref<10240x128xf32, #tpu.memory_space<hbm>>
        tpu.enqueue_indirect_dma source(%dma_start3A_263 : memref<10240x128xf32, #tpu.memory_space<hbm>>) target(%arg9 : memref<80x128xf32, #tpu.memory_space<vmem>>) offsets(%dma_start3A_260 : memref<80xi32, #tpu.memory_space<vmem>>) semaphore(%arg15 : memref<!tpu.dma_semaphore, #tpu.memory_space<semaphore_mem>>)
      } else {
      }
      %mul3A_215 = arith.constant 3 : i32
      %mul3A_216 = arith.muli %scan3A_150, %mul3A_215 : i32
      %add3A_217 = arith.constant 1 : i32
      %add3A_218 = arith.addi %add3A_217, %mul3A_216 : i32
      %add3A_219 = arith.constant 2 : i32
      %add3A_220 = arith.addi %add3A_218, %add3A_219 : i32
      %mul3A_221 = arith.constant 80 : i32
      %mul3A_222 = arith.muli %add3A_220, %mul3A_221 : i32
      %dma_wait3A_223 = tpu.memref_slice %arg6[%mul3A_222] : memref<10000xi32, #tpu.memory_space<vmem>> -> memref<80xi32, #tpu.memory_space<vmem>>
      %dma_wait3A_224 = arith.constant 0 : i32
      %dma_wait3A_225 = arith.constant 0 : i32
      %dma_wait3A_226 = tpu.memref_slice %arg2[%dma_wait3A_224, %dma_wait3A_225] : memref<10240x128xf32, #tpu.memory_space<hbm>> -> memref<10240x128xf32, #tpu.memory_space<hbm>>
      tpu.wait_indirect_dma semaphore(%arg14 : memref<!tpu.dma_semaphore, #tpu.memory_space<semaphore_mem>>) src(%dma_wait3A_226 : memref<10240x128xf32, #tpu.memory_space<hbm>>) dst(%arg8 : memref<80x128xf32, #tpu.memory_space<vmem>>)
      %add3A_227 = arith.addi %mul3A_2, %add3A_220 : i32
      %mul3A_228 = arith.constant 80 : i32
      %mul3A_229 = arith.muli %add3A_227, %mul3A_228 : i32
      %add3A_230 = arith.constant 320000 : i32
      %add3A_231 = arith.addi %add3A_230, %mul3A_229 : i32
      %dma_wait3A_232 = tpu.memref_slice %arg3[%add3A_231] : memref<640000xi32, #tpu.memory_space<hbm>> -> memref<80xi32, #tpu.memory_space<hbm>>
      %dma_wait3A_233 = tpu.memref_slice %arg3[%add3A_231] : memref<640000xi32, #tpu.memory_space<hbm>> -> memref<80xi32, #tpu.memory_space<hbm>>
      tpu.wait_dma2 semaphore(%arg20 : memref<!tpu.dma_semaphore, #tpu.memory_space<semaphore_mem>>) src(%dma_wait3A_233 : memref<80xi32, #tpu.memory_space<hbm>>) dst(%arg11 : memref<80xi32, #tpu.memory_space<vmem>>)
      %dma_start3A_234 = arith.constant 0 : i32
      %dma_start3A_235 = arith.constant 0 : i32
      %dma_start3A_236 = tpu.memref_slice %arg7[%dma_start3A_234, %dma_start3A_235] : memref<10240x128xf32, #tpu.memory_space<vmem_shared>> -> memref<10240x128xf32, #tpu.memory_space<vmem_shared>>
      tpu.enqueue_indirect_dma source(%arg8 : memref<80x128xf32, #tpu.memory_space<vmem>>) target(%dma_start3A_236 : memref<10240x128xf32, #tpu.memory_space<vmem_shared>>) offsets(%arg11 : memref<80xi32, #tpu.memory_space<vmem>>) semaphore(%arg17 : memref<!tpu.dma_semaphore, #tpu.memory_space<semaphore_mem>>) {add = true}
      %sub3A_237 = arith.constant 1 : i32
      %sub3A_238 = arith.subi %add3A_220, %sub3A_237 : i32
      %dma_wait3A_239 = arith.constant 0 : i32
      %dma_wait3A_240 = arith.constant 0 : i32
      %dma_wait3A_241 = tpu.memref_slice %arg7[%dma_wait3A_239, %dma_wait3A_240] : memref<10240x128xf32, #tpu.memory_space<vmem_shared>> -> memref<10240x128xf32, #tpu.memory_space<vmem_shared>>
      tpu.wait_indirect_dma semaphore(%arg19 : memref<!tpu.dma_semaphore, #tpu.memory_space<semaphore_mem>>) src(%arg10 : memref<80x128xf32, #tpu.memory_space<vmem>>) dst(%dma_wait3A_241 : memref<10240x128xf32, #tpu.memory_space<vmem_shared>>)
      %add3A_242 = arith.constant 2 : i32
      %add3A_243 = arith.addi %add3A_220, %add3A_242 : i32
      %lt3A_244 = arith.constant 125 : i32
      %lt3A_245 = arith.cmpi slt, %add3A_243, %lt3A_244 : i32
      %convert_element_type3A_246 = arith.extui %lt3A_245 : i1 to i32
      %cond3A_247 = arith.constant 0 : i32
      %cond3A_248 = arith.cmpi ne, %convert_element_type3A_246, %cond3A_247 : i32
      scf.if %cond3A_248 {
        %add3A_249 = arith.constant 2 : i32
        %add3A_250 = arith.addi %add3A_220, %add3A_249 : i32
        %add3A_251 = arith.addi %mul3A_2, %add3A_250 : i32
        %mul3A_252 = arith.constant 80 : i32
        %mul3A_253 = arith.muli %add3A_251, %mul3A_252 : i32
        %add3A_254 = arith.constant 320000 : i32
        %add3A_255 = arith.addi %add3A_254, %mul3A_253 : i32
        %dma_start3A_256 = tpu.memref_slice %arg3[%add3A_255] : memref<640000xi32, #tpu.memory_space<hbm>> -> memref<80xi32, #tpu.memory_space<hbm>>
        %dma_start3A_257 = tpu.memref_slice %arg3[%add3A_255] : memref<640000xi32, #tpu.memory_space<hbm>> -> memref<80xi32, #tpu.memory_space<hbm>>
        tpu.enqueue_dma source(%dma_start3A_257 : memref<80xi32, #tpu.memory_space<hbm>>) target(%arg13 : memref<80xi32, #tpu.memory_space<vmem>>) target_semaphore(%arg22 : memref<!tpu.dma_semaphore, #tpu.memory_space<semaphore_mem>>)
        %mul3A_258 = arith.constant 80 : i32
        %mul3A_259 = arith.muli %add3A_250, %mul3A_258 : i32
        %dma_start3A_260 = tpu.memref_slice %arg6[%mul3A_259] : memref<10000xi32, #tpu.memory_space<vmem>> -> memref<80xi32, #tpu.memory_space<vmem>>
        %dma_start3A_261 = arith.constant 0 : i32
        %dma_start3A_262 = arith.constant 0 : i32
        %dma_start3A_263 = tpu.memref_slice %arg2[%dma_start3A_261, %dma_start3A_262] : memref<10240x128xf32, #tpu.memory_space<hbm>> -> memref<10240x128xf32, #tpu.memory_space<hbm>>
        tpu.enqueue_indirect_dma source(%dma_start3A_263 : memref<10240x128xf32, #tpu.memory_space<hbm>>) target(%arg10 : memref<80x128xf32, #tpu.memory_space<vmem>>) offsets(%dma_start3A_260 : memref<80xi32, #tpu.memory_space<vmem>>) semaphore(%arg16 : memref<!tpu.dma_semaphore, #tpu.memory_space<semaphore_mem>>)
      } else {
      }
    }
    %scan3A_94 = arith.constant 41 : i32
    %dma_wait3A_95 = arith.constant 9920 : i32
    %dma_wait3A_96 = tpu.memref_slice %arg6[%dma_wait3A_95] : memref<10000xi32, #tpu.memory_space<vmem>> -> memref<80xi32, #tpu.memory_space<vmem>>
    %dma_wait3A_97 = arith.constant 0 : i32
    %dma_wait3A_98 = arith.constant 0 : i32
    %dma_wait3A_99 = tpu.memref_slice %arg2[%dma_wait3A_97, %dma_wait3A_98] : memref<10240x128xf32, #tpu.memory_space<hbm>> -> memref<10240x128xf32, #tpu.memory_space<hbm>>
    tpu.wait_indirect_dma semaphore(%arg15 : memref<!tpu.dma_semaphore, #tpu.memory_space<semaphore_mem>>) src(%dma_wait3A_99 : memref<10240x128xf32, #tpu.memory_space<hbm>>) dst(%arg9 : memref<80x128xf32, #tpu.memory_space<vmem>>)
    %add3A_100 = arith.constant 124 : i32
    %add3A_101 = arith.addi %mul3A_2, %add3A_100 : i32
    %mul3A_102 = arith.constant 80 : i32
    %mul3A_103 = arith.muli %add3A_101, %mul3A_102 : i32
    %add3A_104 = arith.constant 320000 : i32
    %add3A_105 = arith.addi %add3A_104, %mul3A_103 : i32
    %dma_wait3A_106 = tpu.memref_slice %arg3[%add3A_105] : memref<640000xi32, #tpu.memory_space<hbm>> -> memref<80xi32, #tpu.memory_space<hbm>>
    %dma_wait3A_107 = tpu.memref_slice %arg3[%add3A_105] : memref<640000xi32, #tpu.memory_space<hbm>> -> memref<80xi32, #tpu.memory_space<hbm>>
    tpu.wait_dma2 semaphore(%arg21 : memref<!tpu.dma_semaphore, #tpu.memory_space<semaphore_mem>>) src(%dma_wait3A_107 : memref<80xi32, #tpu.memory_space<hbm>>) dst(%arg12 : memref<80xi32, #tpu.memory_space<vmem>>)
    %dma_start3A_108 = arith.constant 0 : i32
    %dma_start3A_109 = arith.constant 0 : i32
    %dma_start3A_110 = tpu.memref_slice %arg7[%dma_start3A_108, %dma_start3A_109] : memref<10240x128xf32, #tpu.memory_space<vmem_shared>> -> memref<10240x128xf32, #tpu.memory_space<vmem_shared>>
    tpu.enqueue_indirect_dma source(%arg9 : memref<80x128xf32, #tpu.memory_space<vmem>>) target(%dma_start3A_110 : memref<10240x128xf32, #tpu.memory_space<vmem_shared>>) offsets(%arg12 : memref<80xi32, #tpu.memory_space<vmem>>) semaphore(%arg18 : memref<!tpu.dma_semaphore, #tpu.memory_space<semaphore_mem>>) {add = true}
    %dma_wait3A_111 = arith.constant 0 : i32
    %dma_wait3A_112 = arith.constant 0 : i32
    %dma_wait3A_113 = tpu.memref_slice %arg7[%dma_wait3A_111, %dma_wait3A_112] : memref<10240x128xf32, #tpu.memory_space<vmem_shared>> -> memref<10240x128xf32, #tpu.memory_space<vmem_shared>>
    tpu.wait_indirect_dma semaphore(%arg17 : memref<!tpu.dma_semaphore, #tpu.memory_space<semaphore_mem>>) src(%arg8 : memref<80x128xf32, #tpu.memory_space<vmem>>) dst(%dma_wait3A_113 : memref<10240x128xf32, #tpu.memory_space<vmem_shared>>)
    %dma_wait3A_114 = arith.constant 0 : i32
    %dma_wait3A_115 = arith.constant 0 : i32
    %dma_wait3A_116 = tpu.memref_slice %arg7[%dma_wait3A_114, %dma_wait3A_115] : memref<10240x128xf32, #tpu.memory_space<vmem_shared>> -> memref<10240x128xf32, #tpu.memory_space<vmem_shared>>
    tpu.wait_indirect_dma semaphore(%arg18 : memref<!tpu.dma_semaphore, #tpu.memory_space<semaphore_mem>>) src(%arg9 : memref<80x128xf32, #tpu.memory_space<vmem>>) dst(%dma_wait3A_116 : memref<10240x128xf32, #tpu.memory_space<vmem_shared>>)
    %barrier3A_117 = arith.constant 0 : index
    tpu.barrier barrier_id(%barrier3A_117)
    %mul3A_118 = arith.constant 640 : i32
    %mul3A_119 = arith.muli %arg1, %mul3A_118 : i32
    %add3A_120 = arith.constant 0 : i32
    %add3A_121 = arith.addi %mul3A_119, %add3A_120 : i32
    "tpu.region"() ({
      %run_scoped3A = tpu.sem_alloc : memref<!tpu.dma_semaphore, #tpu.memory_space<semaphore_mem>>
      %dma_start3A_150 = arith.constant 0 : i32
      %dma_start3A_151 = tpu.memref_slice %arg7[%add3A_121, %dma_start3A_150] : memref<10240x128xf32, #tpu.memory_space<vmem_shared>> -> memref<80x128xf32, #tpu.memory_space<vmem_shared>>
      %dma_start3A_152 = arith.constant 0 : i32
      %dma_start3A_153 = tpu.memref_slice %arg7[%add3A_121, %dma_start3A_152] : memref<10240x128xf32, #tpu.memory_space<vmem_shared>> -> memref<80x128xf32, #tpu.memory_space<vmem_shared>>
      tpu.enqueue_dma source(%dma_start3A_153 : memref<80x128xf32, #tpu.memory_space<vmem_shared>>) target(%arg8 : memref<80x128xf32, #tpu.memory_space<vmem>>) target_semaphore(%run_scoped3A : memref<!tpu.dma_semaphore, #tpu.memory_space<semaphore_mem>>)
      %dma_wait3A_154 = arith.constant 0 : i32
      %dma_wait3A_155 = tpu.memref_slice %arg7[%add3A_121, %dma_wait3A_154] : memref<10240x128xf32, #tpu.memory_space<vmem_shared>> -> memref<80x128xf32, #tpu.memory_space<vmem_shared>>
      %dma_wait3A_156 = arith.constant 0 : i32
      %dma_wait3A_157 = tpu.memref_slice %arg7[%add3A_121, %dma_wait3A_156] : memref<10240x128xf32, #tpu.memory_space<vmem_shared>> -> memref<80x128xf32, #tpu.memory_space<vmem_shared>>
      tpu.wait_dma2 semaphore(%run_scoped3A : memref<!tpu.dma_semaphore, #tpu.memory_space<semaphore_mem>>) src(%dma_wait3A_157 : memref<80x128xf32, #tpu.memory_space<vmem_shared>>) dst(%arg8 : memref<80x128xf32, #tpu.memory_space<vmem>>)
      tpu.yield
    }) : () -> ()
    "tpu.region"() ({
      %run_scoped3A = tpu.sem_alloc : memref<!tpu.dma_semaphore, #tpu.memory_space<semaphore_mem>>
      %dma_start3A_150 = arith.constant 0 : i32
      %dma_start3A_151 = tpu.memref_slice %arg5[%arg0, %add3A_121, %dma_start3A_150] : memref<2x10240x128xf32, #tpu.memory_space<hbm>> -> memref<1x80x128xf32, #tpu.memory_space<hbm>>
      %dma_start3A_152 = tpu.memref_squeeze %dma_start3A_151 : memref<1x80x128xf32, #tpu.memory_space<hbm>> -> memref<80x128xf32, #tpu.memory_space<hbm>>
      %dma_start3A_153 = arith.constant 0 : i32
      %dma_start3A_154 = tpu.memref_slice %arg5[%arg0, %add3A_121, %dma_start3A_153] : memref<2x10240x128xf32, #tpu.memory_space<hbm>> -> memref<1x80x128xf32, #tpu.memory_space<hbm>>
      %dma_start3A_155 = tpu.memref_squeeze %dma_start3A_154 : memref<1x80x128xf32, #tpu.memory_space<hbm>> -> memref<80x128xf32, #tpu.memory_space<hbm>>
      tpu.enqueue_dma source(%arg8 : memref<80x128xf32, #tpu.memory_space<vmem>>) target(%dma_start3A_155 : memref<80x128xf32, #tpu.memory_space<hbm>>) target_semaphore(%run_scoped3A : memref<!tpu.dma_semaphore, #tpu.memory_space<semaphore_mem>>)
      %dma_wait3A_156 = arith.constant 0 : i32
      %dma_wait3A_157 = tpu.memref_slice %arg5[%arg0, %add3A_121, %dma_wait3A_156] : memref<2x10240x128xf32, #tpu.memory_space<hbm>> -> memref<1x80x128xf32, #tpu.memory_space<hbm>>
      %dma_wait3A_158 = tpu.memref_squeeze %dma_wait3A_157 : memref<1x80x128xf32, #tpu.memory_space<hbm>> -> memref<80x128xf32, #tpu.memory_space<hbm>>
      %dma_wait3A_159 = arith.constant 0 : i32
      %dma_wait3A_160 = tpu.memref_slice %arg5[%arg0, %add3A_121, %dma_wait3A_159] : memref<2x10240x128xf32, #tpu.memory_space<hbm>> -> memref<1x80x128xf32, #tpu.memory_space<hbm>>
      %dma_wait3A_161 = tpu.memref_squeeze %dma_wait3A_160 : memref<1x80x128xf32, #tpu.memory_space<hbm>> -> memref<80x128xf32, #tpu.memory_space<hbm>>
      tpu.wait_dma2 semaphore(%run_scoped3A : memref<!tpu.dma_semaphore, #tpu.memory_space<semaphore_mem>>) src(%arg8 : memref<80x128xf32, #tpu.memory_space<vmem>>) dst(%dma_wait3A_161 : memref<80x128xf32, #tpu.memory_space<hbm>>)
      tpu.yield
    }) : () -> ()
    %mul3A_122 = arith.constant 640 : i32
    %mul3A_123 = arith.muli %arg1, %mul3A_122 : i32
    %add3A_124 = arith.constant 80 : i32
    %add3A_125 = arith.addi %mul3A_123, %add3A_124 : i32
    "tpu.region"() ({
      %run_scoped3A = tpu.sem_alloc : memref<!tpu.dma_semaphore, #tpu.memory_space<semaphore_mem>>
      %dma_start3A_150 = arith.constant 0 : i32
      %dma_start3A_151 = tpu.memref_slice %arg7[%add3A_125, %dma_start3A_150] : memref<10240x128xf32, #tpu.memory_space<vmem_shared>> -> memref<80x128xf32, #tpu.memory_space<vmem_shared>>
      %dma_start3A_152 = arith.constant 0 : i32
      %dma_start3A_153 = tpu.memref_slice %arg7[%add3A_125, %dma_start3A_152] : memref<10240x128xf32, #tpu.memory_space<vmem_shared>> -> memref<80x128xf32, #tpu.memory_space<vmem_shared>>
      tpu.enqueue_dma source(%dma_start3A_153 : memref<80x128xf32, #tpu.memory_space<vmem_shared>>) target(%arg8 : memref<80x128xf32, #tpu.memory_space<vmem>>) target_semaphore(%run_scoped3A : memref<!tpu.dma_semaphore, #tpu.memory_space<semaphore_mem>>)
      %dma_wait3A_154 = arith.constant 0 : i32
      %dma_wait3A_155 = tpu.memref_slice %arg7[%add3A_125, %dma_wait3A_154] : memref<10240x128xf32, #tpu.memory_space<vmem_shared>> -> memref<80x128xf32, #tpu.memory_space<vmem_shared>>
      %dma_wait3A_156 = arith.constant 0 : i32
      %dma_wait3A_157 = tpu.memref_slice %arg7[%add3A_125, %dma_wait3A_156] : memref<10240x128xf32, #tpu.memory_space<vmem_shared>> -> memref<80x128xf32, #tpu.memory_space<vmem_shared>>
      tpu.wait_dma2 semaphore(%run_scoped3A : memref<!tpu.dma_semaphore, #tpu.memory_space<semaphore_mem>>) src(%dma_wait3A_157 : memref<80x128xf32, #tpu.memory_space<vmem_shared>>) dst(%arg8 : memref<80x128xf32, #tpu.memory_space<vmem>>)
      tpu.yield
    }) : () -> ()
    "tpu.region"() ({
      %run_scoped3A = tpu.sem_alloc : memref<!tpu.dma_semaphore, #tpu.memory_space<semaphore_mem>>
      %dma_start3A_150 = arith.constant 0 : i32
      %dma_start3A_151 = tpu.memref_slice %arg5[%arg0, %add3A_125, %dma_start3A_150] : memref<2x10240x128xf32, #tpu.memory_space<hbm>> -> memref<1x80x128xf32, #tpu.memory_space<hbm>>
      %dma_start3A_152 = tpu.memref_squeeze %dma_start3A_151 : memref<1x80x128xf32, #tpu.memory_space<hbm>> -> memref<80x128xf32, #tpu.memory_space<hbm>>
      %dma_start3A_153 = arith.constant 0 : i32
      %dma_start3A_154 = tpu.memref_slice %arg5[%arg0, %add3A_125, %dma_start3A_153] : memref<2x10240x128xf32, #tpu.memory_space<hbm>> -> memref<1x80x128xf32, #tpu.memory_space<hbm>>
      %dma_start3A_155 = tpu.memref_squeeze %dma_start3A_154 : memref<1x80x128xf32, #tpu.memory_space<hbm>> -> memref<80x128xf32, #tpu.memory_space<hbm>>
      tpu.enqueue_dma source(%arg8 : memref<80x128xf32, #tpu.memory_space<vmem>>) target(%dma_start3A_155 : memref<80x128xf32, #tpu.memory_space<hbm>>) target_semaphore(%run_scoped3A : memref<!tpu.dma_semaphore, #tpu.memory_space<semaphore_mem>>)
      %dma_wait3A_156 = arith.constant 0 : i32
      %dma_wait3A_157 = tpu.memref_slice %arg5[%arg0, %add3A_125, %dma_wait3A_156] : memref<2x10240x128xf32, #tpu.memory_space<hbm>> -> memref<1x80x128xf32, #tpu.memory_space<hbm>>
      %dma_wait3A_158 = tpu.memref_squeeze %dma_wait3A_157 : memref<1x80x128xf32, #tpu.memory_space<hbm>> -> memref<80x128xf32, #tpu.memory_space<hbm>>
      %dma_wait3A_159 = arith.constant 0 : i32
      %dma_wait3A_160 = tpu.memref_slice %arg5[%arg0, %add3A_125, %dma_wait3A_159] : memref<2x10240x128xf32, #tpu.memory_space<hbm>> -> memref<1x80x128xf32, #tpu.memory_space<hbm>>
      %dma_wait3A_161 = tpu.memref_squeeze %dma_wait3A_160 : memref<1x80x128xf32, #tpu.memory_space<hbm>> -> memref<80x128xf32, #tpu.memory_space<hbm>>
      tpu.wait_dma2 semaphore(%run_scoped3A : memref<!tpu.dma_semaphore, #tpu.memory_space<semaphore_mem>>) src(%arg8 : memref<80x128xf32, #tpu.memory_space<vmem>>) dst(%dma_wait3A_161 : memref<80x128xf32, #tpu.memory_space<hbm>>)
      tpu.yield
    }) : () -> ()
    %mul3A_126 = arith.constant 640 : i32
    %mul3A_127 = arith.muli %arg1, %mul3A_126 : i32
    %add3A_128 = arith.constant 160 : i32
    %add3A_129 = arith.addi %mul3A_127, %add3A_128 : i32
    "tpu.region"() ({
      %run_scoped3A = tpu.sem_alloc : memref<!tpu.dma_semaphore, #tpu.memory_space<semaphore_mem>>
      %dma_start3A_150 = arith.constant 0 : i32
      %dma_start3A_151 = tpu.memref_slice %arg7[%add3A_129, %dma_start3A_150] : memref<10240x128xf32, #tpu.memory_space<vmem_shared>> -> memref<80x128xf32, #tpu.memory_space<vmem_shared>>
      %dma_start3A_152 = arith.constant 0 : i32
      %dma_start3A_153 = tpu.memref_slice %arg7[%add3A_129, %dma_start3A_152] : memref<10240x128xf32, #tpu.memory_space<vmem_shared>> -> memref<80x128xf32, #tpu.memory_space<vmem_shared>>
      tpu.enqueue_dma source(%dma_start3A_153 : memref<80x128xf32, #tpu.memory_space<vmem_shared>>) target(%arg8 : memref<80x128xf32, #tpu.memory_space<vmem>>) target_semaphore(%run_scoped3A : memref<!tpu.dma_semaphore, #tpu.memory_space<semaphore_mem>>)
      %dma_wait3A_154 = arith.constant 0 : i32
      %dma_wait3A_155 = tpu.memref_slice %arg7[%add3A_129, %dma_wait3A_154] : memref<10240x128xf32, #tpu.memory_space<vmem_shared>> -> memref<80x128xf32, #tpu.memory_space<vmem_shared>>
      %dma_wait3A_156 = arith.constant 0 : i32
      %dma_wait3A_157 = tpu.memref_slice %arg7[%add3A_129, %dma_wait3A_156] : memref<10240x128xf32, #tpu.memory_space<vmem_shared>> -> memref<80x128xf32, #tpu.memory_space<vmem_shared>>
      tpu.wait_dma2 semaphore(%run_scoped3A : memref<!tpu.dma_semaphore, #tpu.memory_space<semaphore_mem>>) src(%dma_wait3A_157 : memref<80x128xf32, #tpu.memory_space<vmem_shared>>) dst(%arg8 : memref<80x128xf32, #tpu.memory_space<vmem>>)
      tpu.yield
    }) : () -> ()
    "tpu.region"() ({
      %run_scoped3A = tpu.sem_alloc : memref<!tpu.dma_semaphore, #tpu.memory_space<semaphore_mem>>
      %dma_start3A_150 = arith.constant 0 : i32
      %dma_start3A_151 = tpu.memref_slice %arg5[%arg0, %add3A_129, %dma_start3A_150] : memref<2x10240x128xf32, #tpu.memory_space<hbm>> -> memref<1x80x128xf32, #tpu.memory_space<hbm>>
      %dma_start3A_152 = tpu.memref_squeeze %dma_start3A_151 : memref<1x80x128xf32, #tpu.memory_space<hbm>> -> memref<80x128xf32, #tpu.memory_space<hbm>>
      %dma_start3A_153 = arith.constant 0 : i32
      %dma_start3A_154 = tpu.memref_slice %arg5[%arg0, %add3A_129, %dma_start3A_153] : memref<2x10240x128xf32, #tpu.memory_space<hbm>> -> memref<1x80x128xf32, #tpu.memory_space<hbm>>
      %dma_start3A_155 = tpu.memref_squeeze %dma_start3A_154 : memref<1x80x128xf32, #tpu.memory_space<hbm>> -> memref<80x128xf32, #tpu.memory_space<hbm>>
      tpu.enqueue_dma source(%arg8 : memref<80x128xf32, #tpu.memory_space<vmem>>) target(%dma_start3A_155 : memref<80x128xf32, #tpu.memory_space<hbm>>) target_semaphore(%run_scoped3A : memref<!tpu.dma_semaphore, #tpu.memory_space<semaphore_mem>>)
      %dma_wait3A_156 = arith.constant 0 : i32
      %dma_wait3A_157 = tpu.memref_slice %arg5[%arg0, %add3A_129, %dma_wait3A_156] : memref<2x10240x128xf32, #tpu.memory_space<hbm>> -> memref<1x80x128xf32, #tpu.memory_space<hbm>>
      %dma_wait3A_158 = tpu.memref_squeeze %dma_wait3A_157 : memref<1x80x128xf32, #tpu.memory_space<hbm>> -> memref<80x128xf32, #tpu.memory_space<hbm>>
      %dma_wait3A_159 = arith.constant 0 : i32
      %dma_wait3A_160 = tpu.memref_slice %arg5[%arg0, %add3A_129, %dma_wait3A_159] : memref<2x10240x128xf32, #tpu.memory_space<hbm>> -> memref<1x80x128xf32, #tpu.memory_space<hbm>>
      %dma_wait3A_161 = tpu.memref_squeeze %dma_wait3A_160 : memref<1x80x128xf32, #tpu.memory_space<hbm>> -> memref<80x128xf32, #tpu.memory_space<hbm>>
      tpu.wait_dma2 semaphore(%run_scoped3A : memref<!tpu.dma_semaphore, #tpu.memory_space<semaphore_mem>>) src(%arg8 : memref<80x128xf32, #tpu.memory_space<vmem>>) dst(%dma_wait3A_161 : memref<80x128xf32, #tpu.memory_space<hbm>>)
      tpu.yield
    }) : () -> ()
    %mul3A_130 = arith.constant 640 : i32
    %mul3A_131 = arith.muli %arg1, %mul3A_130 : i32
    %add3A_132 = arith.constant 240 : i32
    %add3A_133 = arith.addi %mul3A_131, %add3A_132 : i32
    "tpu.region"() ({
      %run_scoped3A = tpu.sem_alloc : memref<!tpu.dma_semaphore, #tpu.memory_space<semaphore_mem>>
      %dma_start3A_150 = arith.constant 0 : i32
      %dma_start3A_151 = tpu.memref_slice %arg7[%add3A_133, %dma_start3A_150] : memref<10240x128xf32, #tpu.memory_space<vmem_shared>> -> memref<80x128xf32, #tpu.memory_space<vmem_shared>>
      %dma_start3A_152 = arith.constant 0 : i32
      %dma_start3A_153 = tpu.memref_slice %arg7[%add3A_133, %dma_start3A_152] : memref<10240x128xf32, #tpu.memory_space<vmem_shared>> -> memref<80x128xf32, #tpu.memory_space<vmem_shared>>
      tpu.enqueue_dma source(%dma_start3A_153 : memref<80x128xf32, #tpu.memory_space<vmem_shared>>) target(%arg8 : memref<80x128xf32, #tpu.memory_space<vmem>>) target_semaphore(%run_scoped3A : memref<!tpu.dma_semaphore, #tpu.memory_space<semaphore_mem>>)
      %dma_wait3A_154 = arith.constant 0 : i32
      %dma_wait3A_155 = tpu.memref_slice %arg7[%add3A_133, %dma_wait3A_154] : memref<10240x128xf32, #tpu.memory_space<vmem_shared>> -> memref<80x128xf32, #tpu.memory_space<vmem_shared>>
      %dma_wait3A_156 = arith.constant 0 : i32
      %dma_wait3A_157 = tpu.memref_slice %arg7[%add3A_133, %dma_wait3A_156] : memref<10240x128xf32, #tpu.memory_space<vmem_shared>> -> memref<80x128xf32, #tpu.memory_space<vmem_shared>>
      tpu.wait_dma2 semaphore(%run_scoped3A : memref<!tpu.dma_semaphore, #tpu.memory_space<semaphore_mem>>) src(%dma_wait3A_157 : memref<80x128xf32, #tpu.memory_space<vmem_shared>>) dst(%arg8 : memref<80x128xf32, #tpu.memory_space<vmem>>)
      tpu.yield
    }) : () -> ()
    "tpu.region"() ({
      %run_scoped3A = tpu.sem_alloc : memref<!tpu.dma_semaphore, #tpu.memory_space<semaphore_mem>>
      %dma_start3A_150 = arith.constant 0 : i32
      %dma_start3A_151 = tpu.memref_slice %arg5[%arg0, %add3A_133, %dma_start3A_150] : memref<2x10240x128xf32, #tpu.memory_space<hbm>> -> memref<1x80x128xf32, #tpu.memory_space<hbm>>
      %dma_start3A_152 = tpu.memref_squeeze %dma_start3A_151 : memref<1x80x128xf32, #tpu.memory_space<hbm>> -> memref<80x128xf32, #tpu.memory_space<hbm>>
      %dma_start3A_153 = arith.constant 0 : i32
      %dma_start3A_154 = tpu.memref_slice %arg5[%arg0, %add3A_133, %dma_start3A_153] : memref<2x10240x128xf32, #tpu.memory_space<hbm>> -> memref<1x80x128xf32, #tpu.memory_space<hbm>>
      %dma_start3A_155 = tpu.memref_squeeze %dma_start3A_154 : memref<1x80x128xf32, #tpu.memory_space<hbm>> -> memref<80x128xf32, #tpu.memory_space<hbm>>
      tpu.enqueue_dma source(%arg8 : memref<80x128xf32, #tpu.memory_space<vmem>>) target(%dma_start3A_155 : memref<80x128xf32, #tpu.memory_space<hbm>>) target_semaphore(%run_scoped3A : memref<!tpu.dma_semaphore, #tpu.memory_space<semaphore_mem>>)
      %dma_wait3A_156 = arith.constant 0 : i32
      %dma_wait3A_157 = tpu.memref_slice %arg5[%arg0, %add3A_133, %dma_wait3A_156] : memref<2x10240x128xf32, #tpu.memory_space<hbm>> -> memref<1x80x128xf32, #tpu.memory_space<hbm>>
      %dma_wait3A_158 = tpu.memref_squeeze %dma_wait3A_157 : memref<1x80x128xf32, #tpu.memory_space<hbm>> -> memref<80x128xf32, #tpu.memory_space<hbm>>
      %dma_wait3A_159 = arith.constant 0 : i32
      %dma_wait3A_160 = tpu.memref_slice %arg5[%arg0, %add3A_133, %dma_wait3A_159] : memref<2x10240x128xf32, #tpu.memory_space<hbm>> -> memref<1x80x128xf32, #tpu.memory_space<hbm>>
      %dma_wait3A_161 = tpu.memref_squeeze %dma_wait3A_160 : memref<1x80x128xf32, #tpu.memory_space<hbm>> -> memref<80x128xf32, #tpu.memory_space<hbm>>
      tpu.wait_dma2 semaphore(%run_scoped3A : memref<!tpu.dma_semaphore, #tpu.memory_space<semaphore_mem>>) src(%arg8 : memref<80x128xf32, #tpu.memory_space<vmem>>) dst(%dma_wait3A_161 : memref<80x128xf32, #tpu.memory_space<hbm>>)
      tpu.yield
    }) : () -> ()
    %mul3A_134 = arith.constant 640 : i32
    %mul3A_135 = arith.muli %arg1, %mul3A_134 : i32
    %add3A_136 = arith.constant 320 : i32
    %add3A_137 = arith.addi %mul3A_135, %add3A_136 : i32
    "tpu.region"() ({
      %run_scoped3A = tpu.sem_alloc : memref<!tpu.dma_semaphore, #tpu.memory_space<semaphore_mem>>
      %dma_start3A_150 = arith.constant 0 : i32
      %dma_start3A_151 = tpu.memref_slice %arg7[%add3A_137, %dma_start3A_150] : memref<10240x128xf32, #tpu.memory_space<vmem_shared>> -> memref<80x128xf32, #tpu.memory_space<vmem_shared>>
      %dma_start3A_152 = arith.constant 0 : i32
      %dma_start3A_153 = tpu.memref_slice %arg7[%add3A_137, %dma_start3A_152] : memref<10240x128xf32, #tpu.memory_space<vmem_shared>> -> memref<80x128xf32, #tpu.memory_space<vmem_shared>>
      tpu.enqueue_dma source(%dma_start3A_153 : memref<80x128xf32, #tpu.memory_space<vmem_shared>>) target(%arg8 : memref<80x128xf32, #tpu.memory_space<vmem>>) target_semaphore(%run_scoped3A : memref<!tpu.dma_semaphore, #tpu.memory_space<semaphore_mem>>)
      %dma_wait3A_154 = arith.constant 0 : i32
      %dma_wait3A_155 = tpu.memref_slice %arg7[%add3A_137, %dma_wait3A_154] : memref<10240x128xf32, #tpu.memory_space<vmem_shared>> -> memref<80x128xf32, #tpu.memory_space<vmem_shared>>
      %dma_wait3A_156 = arith.constant 0 : i32
      %dma_wait3A_157 = tpu.memref_slice %arg7[%add3A_137, %dma_wait3A_156] : memref<10240x128xf32, #tpu.memory_space<vmem_shared>> -> memref<80x128xf32, #tpu.memory_space<vmem_shared>>
      tpu.wait_dma2 semaphore(%run_scoped3A : memref<!tpu.dma_semaphore, #tpu.memory_space<semaphore_mem>>) src(%dma_wait3A_157 : memref<80x128xf32, #tpu.memory_space<vmem_shared>>) dst(%arg8 : memref<80x128xf32, #tpu.memory_space<vmem>>)
      tpu.yield
    }) : () -> ()
    "tpu.region"() ({
      %run_scoped3A = tpu.sem_alloc : memref<!tpu.dma_semaphore, #tpu.memory_space<semaphore_mem>>
      %dma_start3A_150 = arith.constant 0 : i32
      %dma_start3A_151 = tpu.memref_slice %arg5[%arg0, %add3A_137, %dma_start3A_150] : memref<2x10240x128xf32, #tpu.memory_space<hbm>> -> memref<1x80x128xf32, #tpu.memory_space<hbm>>
      %dma_start3A_152 = tpu.memref_squeeze %dma_start3A_151 : memref<1x80x128xf32, #tpu.memory_space<hbm>> -> memref<80x128xf32, #tpu.memory_space<hbm>>
      %dma_start3A_153 = arith.constant 0 : i32
      %dma_start3A_154 = tpu.memref_slice %arg5[%arg0, %add3A_137, %dma_start3A_153] : memref<2x10240x128xf32, #tpu.memory_space<hbm>> -> memref<1x80x128xf32, #tpu.memory_space<hbm>>
      %dma_start3A_155 = tpu.memref_squeeze %dma_start3A_154 : memref<1x80x128xf32, #tpu.memory_space<hbm>> -> memref<80x128xf32, #tpu.memory_space<hbm>>
      tpu.enqueue_dma source(%arg8 : memref<80x128xf32, #tpu.memory_space<vmem>>) target(%dma_start3A_155 : memref<80x128xf32, #tpu.memory_space<hbm>>) target_semaphore(%run_scoped3A : memref<!tpu.dma_semaphore, #tpu.memory_space<semaphore_mem>>)
      %dma_wait3A_156 = arith.constant 0 : i32
      %dma_wait3A_157 = tpu.memref_slice %arg5[%arg0, %add3A_137, %dma_wait3A_156] : memref<2x10240x128xf32, #tpu.memory_space<hbm>> -> memref<1x80x128xf32, #tpu.memory_space<hbm>>
      %dma_wait3A_158 = tpu.memref_squeeze %dma_wait3A_157 : memref<1x80x128xf32, #tpu.memory_space<hbm>> -> memref<80x128xf32, #tpu.memory_space<hbm>>
      %dma_wait3A_159 = arith.constant 0 : i32
      %dma_wait3A_160 = tpu.memref_slice %arg5[%arg0, %add3A_137, %dma_wait3A_159] : memref<2x10240x128xf32, #tpu.memory_space<hbm>> -> memref<1x80x128xf32, #tpu.memory_space<hbm>>
      %dma_wait3A_161 = tpu.memref_squeeze %dma_wait3A_160 : memref<1x80x128xf32, #tpu.memory_space<hbm>> -> memref<80x128xf32, #tpu.memory_space<hbm>>
      tpu.wait_dma2 semaphore(%run_scoped3A : memref<!tpu.dma_semaphore, #tpu.memory_space<semaphore_mem>>) src(%arg8 : memref<80x128xf32, #tpu.memory_space<vmem>>) dst(%dma_wait3A_161 : memref<80x128xf32, #tpu.memory_space<hbm>>)
      tpu.yield
    }) : () -> ()
    %mul3A_138 = arith.constant 640 : i32
    %mul3A_139 = arith.muli %arg1, %mul3A_138 : i32
    %add3A_140 = arith.constant 400 : i32
    %add3A_141 = arith.addi %mul3A_139, %add3A_140 : i32
    "tpu.region"() ({
      %run_scoped3A = tpu.sem_alloc : memref<!tpu.dma_semaphore, #tpu.memory_space<semaphore_mem>>
      %dma_start3A_150 = arith.constant 0 : i32
      %dma_start3A_151 = tpu.memref_slice %arg7[%add3A_141, %dma_start3A_150] : memref<10240x128xf32, #tpu.memory_space<vmem_shared>> -> memref<80x128xf32, #tpu.memory_space<vmem_shared>>
      %dma_start3A_152 = arith.constant 0 : i32
      %dma_start3A_153 = tpu.memref_slice %arg7[%add3A_141, %dma_start3A_152] : memref<10240x128xf32, #tpu.memory_space<vmem_shared>> -> memref<80x128xf32, #tpu.memory_space<vmem_shared>>
      tpu.enqueue_dma source(%dma_start3A_153 : memref<80x128xf32, #tpu.memory_space<vmem_shared>>) target(%arg8 : memref<80x128xf32, #tpu.memory_space<vmem>>) target_semaphore(%run_scoped3A : memref<!tpu.dma_semaphore, #tpu.memory_space<semaphore_mem>>)
      %dma_wait3A_154 = arith.constant 0 : i32
      %dma_wait3A_155 = tpu.memref_slice %arg7[%add3A_141, %dma_wait3A_154] : memref<10240x128xf32, #tpu.memory_space<vmem_shared>> -> memref<80x128xf32, #tpu.memory_space<vmem_shared>>
      %dma_wait3A_156 = arith.constant 0 : i32
      %dma_wait3A_157 = tpu.memref_slice %arg7[%add3A_141, %dma_wait3A_156] : memref<10240x128xf32, #tpu.memory_space<vmem_shared>> -> memref<80x128xf32, #tpu.memory_space<vmem_shared>>
      tpu.wait_dma2 semaphore(%run_scoped3A : memref<!tpu.dma_semaphore, #tpu.memory_space<semaphore_mem>>) src(%dma_wait3A_157 : memref<80x128xf32, #tpu.memory_space<vmem_shared>>) dst(%arg8 : memref<80x128xf32, #tpu.memory_space<vmem>>)
      tpu.yield
    }) : () -> ()
    "tpu.region"() ({
      %run_scoped3A = tpu.sem_alloc : memref<!tpu.dma_semaphore, #tpu.memory_space<semaphore_mem>>
      %dma_start3A_150 = arith.constant 0 : i32
      %dma_start3A_151 = tpu.memref_slice %arg5[%arg0, %add3A_141, %dma_start3A_150] : memref<2x10240x128xf32, #tpu.memory_space<hbm>> -> memref<1x80x128xf32, #tpu.memory_space<hbm>>
      %dma_start3A_152 = tpu.memref_squeeze %dma_start3A_151 : memref<1x80x128xf32, #tpu.memory_space<hbm>> -> memref<80x128xf32, #tpu.memory_space<hbm>>
      %dma_start3A_153 = arith.constant 0 : i32
      %dma_start3A_154 = tpu.memref_slice %arg5[%arg0, %add3A_141, %dma_start3A_153] : memref<2x10240x128xf32, #tpu.memory_space<hbm>> -> memref<1x80x128xf32, #tpu.memory_space<hbm>>
      %dma_start3A_155 = tpu.memref_squeeze %dma_start3A_154 : memref<1x80x128xf32, #tpu.memory_space<hbm>> -> memref<80x128xf32, #tpu.memory_space<hbm>>
      tpu.enqueue_dma source(%arg8 : memref<80x128xf32, #tpu.memory_space<vmem>>) target(%dma_start3A_155 : memref<80x128xf32, #tpu.memory_space<hbm>>) target_semaphore(%run_scoped3A : memref<!tpu.dma_semaphore, #tpu.memory_space<semaphore_mem>>)
      %dma_wait3A_156 = arith.constant 0 : i32
      %dma_wait3A_157 = tpu.memref_slice %arg5[%arg0, %add3A_141, %dma_wait3A_156] : memref<2x10240x128xf32, #tpu.memory_space<hbm>> -> memref<1x80x128xf32, #tpu.memory_space<hbm>>
      %dma_wait3A_158 = tpu.memref_squeeze %dma_wait3A_157 : memref<1x80x128xf32, #tpu.memory_space<hbm>> -> memref<80x128xf32, #tpu.memory_space<hbm>>
      %dma_wait3A_159 = arith.constant 0 : i32
      %dma_wait3A_160 = tpu.memref_slice %arg5[%arg0, %add3A_141, %dma_wait3A_159] : memref<2x10240x128xf32, #tpu.memory_space<hbm>> -> memref<1x80x128xf32, #tpu.memory_space<hbm>>
      %dma_wait3A_161 = tpu.memref_squeeze %dma_wait3A_160 : memref<1x80x128xf32, #tpu.memory_space<hbm>> -> memref<80x128xf32, #tpu.memory_space<hbm>>
      tpu.wait_dma2 semaphore(%run_scoped3A : memref<!tpu.dma_semaphore, #tpu.memory_space<semaphore_mem>>) src(%arg8 : memref<80x128xf32, #tpu.memory_space<vmem>>) dst(%dma_wait3A_161 : memref<80x128xf32, #tpu.memory_space<hbm>>)
      tpu.yield
    }) : () -> ()
    %mul3A_142 = arith.constant 640 : i32
    %mul3A_143 = arith.muli %arg1, %mul3A_142 : i32
    %add3A_144 = arith.constant 480 : i32
    %add3A_145 = arith.addi %mul3A_143, %add3A_144 : i32
    "tpu.region"() ({
      %run_scoped3A = tpu.sem_alloc : memref<!tpu.dma_semaphore, #tpu.memory_space<semaphore_mem>>
      %dma_start3A_150 = arith.constant 0 : i32
      %dma_start3A_151 = tpu.memref_slice %arg7[%add3A_145, %dma_start3A_150] : memref<10240x128xf32, #tpu.memory_space<vmem_shared>> -> memref<80x128xf32, #tpu.memory_space<vmem_shared>>
      %dma_start3A_152 = arith.constant 0 : i32
      %dma_start3A_153 = tpu.memref_slice %arg7[%add3A_145, %dma_start3A_152] : memref<10240x128xf32, #tpu.memory_space<vmem_shared>> -> memref<80x128xf32, #tpu.memory_space<vmem_shared>>
      tpu.enqueue_dma source(%dma_start3A_153 : memref<80x128xf32, #tpu.memory_space<vmem_shared>>) target(%arg8 : memref<80x128xf32, #tpu.memory_space<vmem>>) target_semaphore(%run_scoped3A : memref<!tpu.dma_semaphore, #tpu.memory_space<semaphore_mem>>)
      %dma_wait3A_154 = arith.constant 0 : i32
      %dma_wait3A_155 = tpu.memref_slice %arg7[%add3A_145, %dma_wait3A_154] : memref<10240x128xf32, #tpu.memory_space<vmem_shared>> -> memref<80x128xf32, #tpu.memory_space<vmem_shared>>
      %dma_wait3A_156 = arith.constant 0 : i32
      %dma_wait3A_157 = tpu.memref_slice %arg7[%add3A_145, %dma_wait3A_156] : memref<10240x128xf32, #tpu.memory_space<vmem_shared>> -> memref<80x128xf32, #tpu.memory_space<vmem_shared>>
      tpu.wait_dma2 semaphore(%run_scoped3A : memref<!tpu.dma_semaphore, #tpu.memory_space<semaphore_mem>>) src(%dma_wait3A_157 : memref<80x128xf32, #tpu.memory_space<vmem_shared>>) dst(%arg8 : memref<80x128xf32, #tpu.memory_space<vmem>>)
      tpu.yield
    }) : () -> ()
    "tpu.region"() ({
      %run_scoped3A = tpu.sem_alloc : memref<!tpu.dma_semaphore, #tpu.memory_space<semaphore_mem>>
      %dma_start3A_150 = arith.constant 0 : i32
      %dma_start3A_151 = tpu.memref_slice %arg5[%arg0, %add3A_145, %dma_start3A_150] : memref<2x10240x128xf32, #tpu.memory_space<hbm>> -> memref<1x80x128xf32, #tpu.memory_space<hbm>>
      %dma_start3A_152 = tpu.memref_squeeze %dma_start3A_151 : memref<1x80x128xf32, #tpu.memory_space<hbm>> -> memref<80x128xf32, #tpu.memory_space<hbm>>
      %dma_start3A_153 = arith.constant 0 : i32
      %dma_start3A_154 = tpu.memref_slice %arg5[%arg0, %add3A_145, %dma_start3A_153] : memref<2x10240x128xf32, #tpu.memory_space<hbm>> -> memref<1x80x128xf32, #tpu.memory_space<hbm>>
      %dma_start3A_155 = tpu.memref_squeeze %dma_start3A_154 : memref<1x80x128xf32, #tpu.memory_space<hbm>> -> memref<80x128xf32, #tpu.memory_space<hbm>>
      tpu.enqueue_dma source(%arg8 : memref<80x128xf32, #tpu.memory_space<vmem>>) target(%dma_start3A_155 : memref<80x128xf32, #tpu.memory_space<hbm>>) target_semaphore(%run_scoped3A : memref<!tpu.dma_semaphore, #tpu.memory_space<semaphore_mem>>)
      %dma_wait3A_156 = arith.constant 0 : i32
      %dma_wait3A_157 = tpu.memref_slice %arg5[%arg0, %add3A_145, %dma_wait3A_156] : memref<2x10240x128xf32, #tpu.memory_space<hbm>> -> memref<1x80x128xf32, #tpu.memory_space<hbm>>
      %dma_wait3A_158 = tpu.memref_squeeze %dma_wait3A_157 : memref<1x80x128xf32, #tpu.memory_space<hbm>> -> memref<80x128xf32, #tpu.memory_space<hbm>>
      %dma_wait3A_159 = arith.constant 0 : i32
      %dma_wait3A_160 = tpu.memref_slice %arg5[%arg0, %add3A_145, %dma_wait3A_159] : memref<2x10240x128xf32, #tpu.memory_space<hbm>> -> memref<1x80x128xf32, #tpu.memory_space<hbm>>
      %dma_wait3A_161 = tpu.memref_squeeze %dma_wait3A_160 : memref<1x80x128xf32, #tpu.memory_space<hbm>> -> memref<80x128xf32, #tpu.memory_space<hbm>>
      tpu.wait_dma2 semaphore(%run_scoped3A : memref<!tpu.dma_semaphore, #tpu.memory_space<semaphore_mem>>) src(%arg8 : memref<80x128xf32, #tpu.memory_space<vmem>>) dst(%dma_wait3A_161 : memref<80x128xf32, #tpu.memory_space<hbm>>)
      tpu.yield
    }) : () -> ()
    %mul3A_146 = arith.constant 640 : i32
    %mul3A_147 = arith.muli %arg1, %mul3A_146 : i32
    %add3A_148 = arith.constant 560 : i32
    %add3A_149 = arith.addi %mul3A_147, %add3A_148 : i32
    "tpu.region"() ({
      %run_scoped3A = tpu.sem_alloc : memref<!tpu.dma_semaphore, #tpu.memory_space<semaphore_mem>>
      %dma_start3A_150 = arith.constant 0 : i32
      %dma_start3A_151 = tpu.memref_slice %arg7[%add3A_149, %dma_start3A_150] : memref<10240x128xf32, #tpu.memory_space<vmem_shared>> -> memref<80x128xf32, #tpu.memory_space<vmem_shared>>
      %dma_start3A_152 = arith.constant 0 : i32
      %dma_start3A_153 = tpu.memref_slice %arg7[%add3A_149, %dma_start3A_152] : memref<10240x128xf32, #tpu.memory_space<vmem_shared>> -> memref<80x128xf32, #tpu.memory_space<vmem_shared>>
      tpu.enqueue_dma source(%dma_start3A_153 : memref<80x128xf32, #tpu.memory_space<vmem_shared>>) target(%arg8 : memref<80x128xf32, #tpu.memory_space<vmem>>) target_semaphore(%run_scoped3A : memref<!tpu.dma_semaphore, #tpu.memory_space<semaphore_mem>>)
      %dma_wait3A_154 = arith.constant 0 : i32
      %dma_wait3A_155 = tpu.memref_slice %arg7[%add3A_149, %dma_wait3A_154] : memref<10240x128xf32, #tpu.memory_space<vmem_shared>> -> memref<80x128xf32, #tpu.memory_space<vmem_shared>>
      %dma_wait3A_156 = arith.constant 0 : i32
      %dma_wait3A_157 = tpu.memref_slice %arg7[%add3A_149, %dma_wait3A_156] : memref<10240x128xf32, #tpu.memory_space<vmem_shared>> -> memref<80x128xf32, #tpu.memory_space<vmem_shared>>
      tpu.wait_dma2 semaphore(%run_scoped3A : memref<!tpu.dma_semaphore, #tpu.memory_space<semaphore_mem>>) src(%dma_wait3A_157 : memref<80x128xf32, #tpu.memory_space<vmem_shared>>) dst(%arg8 : memref<80x128xf32, #tpu.memory_space<vmem>>)
      tpu.yield
    }) : () -> ()
    "tpu.region"() ({
      %run_scoped3A = tpu.sem_alloc : memref<!tpu.dma_semaphore, #tpu.memory_space<semaphore_mem>>
      %dma_start3A_150 = arith.constant 0 : i32
      %dma_start3A_151 = tpu.memref_slice %arg5[%arg0, %add3A_149, %dma_start3A_150] : memref<2x10240x128xf32, #tpu.memory_space<hbm>> -> memref<1x80x128xf32, #tpu.memory_space<hbm>>
      %dma_start3A_152 = tpu.memref_squeeze %dma_start3A_151 : memref<1x80x128xf32, #tpu.memory_space<hbm>> -> memref<80x128xf32, #tpu.memory_space<hbm>>
      %dma_start3A_153 = arith.constant 0 : i32
      %dma_start3A_154 = tpu.memref_slice %arg5[%arg0, %add3A_149, %dma_start3A_153] : memref<2x10240x128xf32, #tpu.memory_space<hbm>> -> memref<1x80x128xf32, #tpu.memory_space<hbm>>
      %dma_start3A_155 = tpu.memref_squeeze %dma_start3A_154 : memref<1x80x128xf32, #tpu.memory_space<hbm>> -> memref<80x128xf32, #tpu.memory_space<hbm>>
      tpu.enqueue_dma source(%arg8 : memref<80x128xf32, #tpu.memory_space<vmem>>) target(%dma_start3A_155 : memref<80x128xf32, #tpu.memory_space<hbm>>) target_semaphore(%run_scoped3A : memref<!tpu.dma_semaphore, #tpu.memory_space<semaphore_mem>>)
      %dma_wait3A_156 = arith.constant 0 : i32
      %dma_wait3A_157 = tpu.memref_slice %arg5[%arg0, %add3A_149, %dma_wait3A_156] : memref<2x10240x128xf32, #tpu.memory_space<hbm>> -> memref<1x80x128xf32, #tpu.memory_space<hbm>>
      %dma_wait3A_158 = tpu.memref_squeeze %dma_wait3A_157 : memref<1x80x128xf32, #tpu.memory_space<hbm>> -> memref<80x128xf32, #tpu.memory_space<hbm>>
      %dma_wait3A_159 = arith.constant 0 : i32
      %dma_wait3A_160 = tpu.memref_slice %arg5[%arg0, %add3A_149, %dma_wait3A_159] : memref<2x10240x128xf32, #tpu.memory_space<hbm>> -> memref<1x80x128xf32, #tpu.memory_space<hbm>>
      %dma_wait3A_161 = tpu.memref_squeeze %dma_wait3A_160 : memref<1x80x128xf32, #tpu.memory_space<hbm>> -> memref<80x128xf32, #tpu.memory_space<hbm>>
      tpu.wait_dma2 semaphore(%run_scoped3A : memref<!tpu.dma_semaphore, #tpu.memory_space<semaphore_mem>>) src(%arg8 : memref<80x128xf32, #tpu.memory_space<vmem>>) dst(%dma_wait3A_161 : memref<80x128xf32, #tpu.memory_space<hbm>>)
      tpu.yield
    }) : () -> ()
    return
  }
}

module attributes {stable_mosaic.version = 14 : i64} {
  func.func @_mm_scale_body(%arg0: i32, %arg1: memref<512x128xf32, #tpu.memory_space<vmem>>, %arg2: memref<128x128xf32, #tpu.memory_space<vmem>>, %arg3: memref<32x512xf32, #tpu.memory_space<vmem>>, %arg4: memref<512x128xf32, #tpu.memory_space<vmem>>) attributes {dimension_semantics = [#tpu.dimension_semantics<arbitrary>], iteration_bounds = array<i64: 20>, scalar_prefetch = 0 : i64, scratch_operands = 0 : i64, tpu.core_type = #tpu.core_type<tc>, window_params = [{transform_indices = @transform_0, window_bounds = array<i64: 512, 128>}, {pipeline_mode = #tpu.pipeline_mode<synchronous>, transform_indices = @transform_1, window_bounds = array<i64: 128, 128>}, {transform_indices = @transform_2, window_bounds = array<i64: 32, 512>}, {transform_indices = @transform_3, window_bounds = array<i64: 512, 128>}]} {
    %get3A = arith.constant 0 : index
    %get3A_0 = arith.constant 0 : index
    %get3A_1 = vector.load %arg3[%get3A, %get3A_0] : memref<32x512xf32, #tpu.memory_space<vmem>>, vector<32x512xf32>
    %broadcast_in_dim3A = arith.constant 1.000000e+00 : f32
    %broadcast_in_dim3A_2 = vector.broadcast %broadcast_in_dim3A : f32 to vector<32x1xf32>
    %dot_general3A = arith.constant dense<0.000000e+00> : vector<512x1xf32>
    %dot_general3A_3 = tpu.matmul %get3A_1, %broadcast_in_dim3A_2, %dot_general3A {dimension_numbers = #tpu.dot_dimension_numbers<[0], [0], [1], [1], [0, 1, 1, 1], [], []>, transpose_lhs_hint = false} : vector<32x512xf32>, vector<32x1xf32>, vector<512x1xf32> -> vector<512x1xf32>
    %add3A = arith.constant 1.000000e+00 : f32
    %add3A_4 = vector.broadcast %add3A : f32 to vector<512x1xf32>
    %add3A_5 = arith.addf %dot_general3A_3, %add3A_4 : vector<512x1xf32>
    %rsqrt3A = math.rsqrt %add3A_5 : vector<512x1xf32>
    %get3A_6 = arith.constant 0 : index
    %get3A_7 = arith.constant 0 : index
    %get3A_8 = vector.load %arg1[%get3A_6, %get3A_7] : memref<512x128xf32, #tpu.memory_space<vmem>>, vector<512x128xf32>
    %get3A_9 = arith.constant 0 : index
    %get3A_10 = arith.constant 0 : index
    %get3A_11 = vector.load %arg2[%get3A_9, %get3A_10] : memref<128x128xf32, #tpu.memory_space<vmem>>, vector<128x128xf32>
    %dot_general3A_12 = arith.constant dense<0.000000e+00> : vector<512x128xf32>
    %dot_general3A_13 = tpu.matmul %get3A_8, %get3A_11, %dot_general3A_12 {dimension_numbers = #tpu.dot_dimension_numbers<[1], [0], [0], [1], [0, 0, 1, 1], [], []>, transpose_lhs_hint = false} : vector<512x128xf32>, vector<128x128xf32>, vector<512x128xf32> -> vector<512x128xf32>
    %mul3A = vector.broadcast %rsqrt3A : vector<512x1xf32> to vector<512x128xf32>
    %mul3A_14 = arith.mulf %dot_general3A_13, %mul3A : vector<512x128xf32>
    %swap3A = arith.constant 0 : index
    %swap3A_15 = arith.constant 0 : index
    %swap3A_16 = vector.load %arg4[%swap3A, %swap3A_15] : memref<512x128xf32, #tpu.memory_space<vmem>>, vector<512x128xf32>
    tpu.vector_store %arg4[%swap3A, %swap3A_15], %mul3A_14 {strides = array<i32>} : memref<512x128xf32, #tpu.memory_space<vmem>>, vector<512x128xf32>,
    return
  }
  func.func @transform_0(%arg0: i32) -> (i32, i32) {
    %c0_i32 = arith.constant 0 : i32
    %c0_i32_0 = arith.constant 0 : i32
    return %arg0, %c0_i32 : i32, i32
  }
  func.func @transform_1(%arg0: i32) -> (i32, i32) {
    %c0_i32 = arith.constant 0 : i32
    %c0_i32_0 = arith.constant 0 : i32
    %c0_i32_1 = arith.constant 0 : i32
    return %c0_i32, %c0_i32_0 : i32, i32
  }
  func.func @transform_2(%arg0: i32) -> (i32, i32) {
    %c0_i32 = arith.constant 0 : i32
    %c0_i32_0 = arith.constant 0 : i32
    return %c0_i32, %arg0 : i32, i32
  }
  func.func @transform_3(%arg0: i32) -> (i32, i32) {
    %c0_i32 = arith.constant 0 : i32
    %c0_i32_0 = arith.constant 0 : i32
    return %arg0, %c0_i32 : i32, i32
  }
}

module attributes {stable_mosaic.version = 14 : i64} {
  func.func @_comb_mm_body(%arg0: i32, %arg1: memref<2x512x128xf32, #tpu.memory_space<vmem>>, %arg2: memref<512x128xf32, #tpu.memory_space<vmem>>, %arg3: memref<32x512xf32, #tpu.memory_space<vmem>>, %arg4: memref<1x128xf32, #tpu.memory_space<vmem>>, %arg5: memref<128x128xf32, #tpu.memory_space<vmem>>, %arg6: memref<512x128xf32, #tpu.memory_space<vmem>>) attributes {dimension_semantics = [#tpu.dimension_semantics<arbitrary>], iteration_bounds = array<i64: 20>, scalar_prefetch = 0 : i64, scratch_operands = 0 : i64, tpu.core_type = #tpu.core_type<tc>, window_params = [{transform_indices = @transform_0, window_bounds = array<i64: 2, 512, 128>}, {transform_indices = @transform_1, window_bounds = array<i64: 512, 128>}, {transform_indices = @transform_2, window_bounds = array<i64: 32, 512>}, {pipeline_mode = #tpu.pipeline_mode<synchronous>, transform_indices = @transform_3, window_bounds = array<i64: 1, 128>}, {pipeline_mode = #tpu.pipeline_mode<synchronous>, transform_indices = @transform_4, window_bounds = array<i64: 128, 128>}, {transform_indices = @transform_5, window_bounds = array<i64: 512, 128>}]} {
    %get3A = arith.constant 0 : index
    %get3A_0 = arith.constant 0 : index
    %get3A_1 = vector.load %arg3[%get3A, %get3A_0] : memref<32x512xf32, #tpu.memory_space<vmem>>, vector<32x512xf32>
    %broadcast_in_dim3A = arith.constant 1.000000e+00 : f32
    %broadcast_in_dim3A_2 = vector.broadcast %broadcast_in_dim3A : f32 to vector<32x1xf32>
    %dot_general3A = arith.constant dense<0.000000e+00> : vector<512x1xf32>
    %dot_general3A_3 = tpu.matmul %get3A_1, %broadcast_in_dim3A_2, %dot_general3A {dimension_numbers = #tpu.dot_dimension_numbers<[0], [0], [1], [1], [0, 1, 1, 1], [], []>, transpose_lhs_hint = false} : vector<32x512xf32>, vector<32x1xf32>, vector<512x1xf32> -> vector<512x1xf32>
    %add3A = arith.constant 1.000000e+00 : f32
    %add3A_4 = vector.broadcast %add3A : f32 to vector<512x1xf32>
    %add3A_5 = arith.addf %dot_general3A_3, %add3A_4 : vector<512x1xf32>
    %rsqrt3A = math.rsqrt %add3A_5 : vector<512x1xf32>
    %get3A_6 = arith.constant 0 : index
    %get3A_7 = arith.constant 0 : index
    %get3A_8 = arith.constant 0 : index
    %get3A_9 = vector.load %arg1[%get3A_6, %get3A_7, %get3A_8] : memref<2x512x128xf32, #tpu.memory_space<vmem>>, vector<1x512x128xf32>
    %get3A_10 = vector.shape_cast %get3A_9 : vector<1x512x128xf32> to vector<512x128xf32>
    %get3A_11 = arith.constant 1 : index
    %get3A_12 = arith.constant 0 : index
    %get3A_13 = arith.constant 0 : index
    %get3A_14 = vector.load %arg1[%get3A_11, %get3A_12, %get3A_13] : memref<2x512x128xf32, #tpu.memory_space<vmem>>, vector<1x512x128xf32>
    %get3A_15 = vector.shape_cast %get3A_14 : vector<1x512x128xf32> to vector<512x128xf32>
    %add3A_16 = arith.addf %get3A_10, %get3A_15 : vector<512x128xf32>
    %get3A_17 = arith.constant 0 : index
    %get3A_18 = arith.constant 0 : index
    %get3A_19 = vector.load %arg2[%get3A_17, %get3A_18] : memref<512x128xf32, #tpu.memory_space<vmem>>, vector<512x128xf32>
    %add3A_20 = arith.addf %add3A_16, %get3A_19 : vector<512x128xf32>
    %mul3A = vector.broadcast %rsqrt3A : vector<512x1xf32> to vector<512x128xf32>
    %mul3A_21 = arith.mulf %mul3A, %add3A_20 : vector<512x128xf32>
    %get3A_22 = arith.constant 0 : index
    %get3A_23 = arith.constant 0 : index
    %get3A_24 = vector.load %arg4[%get3A_22, %get3A_23] : memref<1x128xf32, #tpu.memory_space<vmem>>, vector<1x128xf32>
    %add3A_25 = vector.broadcast %get3A_24 : vector<1x128xf32> to vector<512x128xf32>
    %add3A_26 = arith.addf %mul3A_21, %add3A_25 : vector<512x128xf32>
    %max3A = arith.constant 0.000000e+00 : f32
    %max3A_27 = vector.broadcast %max3A : f32 to vector<512x128xf32>
    %max3A_28 = arith.maximumf %add3A_26, %max3A_27 : vector<512x128xf32>
    %get3A_29 = arith.constant 0 : index
    %get3A_30 = arith.constant 0 : index
    %get3A_31 = vector.load %arg5[%get3A_29, %get3A_30] : memref<128x128xf32, #tpu.memory_space<vmem>>, vector<128x128xf32>
    %dot_general3A_32 = arith.constant dense<0.000000e+00> : vector<512x128xf32>
    %dot_general3A_33 = tpu.matmul %max3A_28, %get3A_31, %dot_general3A_32 {dimension_numbers = #tpu.dot_dimension_numbers<[1], [0], [0], [1], [0, 0, 1, 1], [], []>, transpose_lhs_hint = false} : vector<512x128xf32>, vector<128x128xf32>, vector<512x128xf32> -> vector<512x128xf32>
    %mul3A_34 = vector.broadcast %rsqrt3A : vector<512x1xf32> to vector<512x128xf32>
    %mul3A_35 = arith.mulf %dot_general3A_33, %mul3A_34 : vector<512x128xf32>
    %swap3A = arith.constant 0 : index
    %swap3A_36 = arith.constant 0 : index
    %swap3A_37 = vector.load %arg6[%swap3A, %swap3A_36] : memref<512x128xf32, #tpu.memory_space<vmem>>, vector<512x128xf32>
    tpu.vector_store %arg6[%swap3A, %swap3A_36], %mul3A_35 {strides = array<i32>} : memref<512x128xf32, #tpu.memory_space<vmem>>, vector<512x128xf32>,
    return
  }
  func.func @transform_0(%arg0: i32) -> (i32, i32, i32) {
    %c0_i32 = arith.constant 0 : i32
    %c0_i32_0 = arith.constant 0 : i32
    %c0_i32_1 = arith.constant 0 : i32
    return %c0_i32, %arg0, %c0_i32_0 : i32, i32, i32
  }
  func.func @transform_1(%arg0: i32) -> (i32, i32) {
    %c0_i32 = arith.constant 0 : i32
    %c0_i32_0 = arith.constant 0 : i32
    return %arg0, %c0_i32 : i32, i32
  }
  func.func @transform_2(%arg0: i32) -> (i32, i32) {
    %c0_i32 = arith.constant 0 : i32
    %c0_i32_0 = arith.constant 0 : i32
    return %c0_i32, %arg0 : i32, i32
  }
  func.func @transform_3(%arg0: i32) -> (i32, i32) {
    %c0_i32 = arith.constant 0 : i32
    %c0_i32_0 = arith.constant 0 : i32
    %c0_i32_1 = arith.constant 0 : i32
    return %c0_i32, %c0_i32_0 : i32, i32
  }
  func.func @transform_4(%arg0: i32) -> (i32, i32) {
    %c0_i32 = arith.constant 0 : i32
    %c0_i32_0 = arith.constant 0 : i32
    %c0_i32_1 = arith.constant 0 : i32
    return %c0_i32, %c0_i32_0 : i32, i32
  }
  func.func @transform_5(%arg0: i32) -> (i32, i32) {
    %c0_i32 = arith.constant 0 : i32
    %c0_i32_0 = arith.constant 0 : i32
    return %arg0, %c0_i32 : i32, i32
  }
}

module attributes {stable_mosaic.version = 14 : i64} {
  func.func @_final_body(%arg0: i32, %arg1: memref<2x512x128xf32, #tpu.memory_space<vmem>>, %arg2: memref<512x128xf32, #tpu.memory_space<vmem>>, %arg3: memref<32x512xf32, #tpu.memory_space<vmem>>, %arg4: memref<1x128xf32, #tpu.memory_space<vmem>>, %arg5: memref<1x512xi32, #tpu.memory_space<vmem>>, %arg6: memref<128x128xf32, #tpu.memory_space<vmem>>, %arg7: memref<1x128xf32, #tpu.memory_space<vmem>>, %arg8: memref<64x10xf32, #tpu.memory_space<vmem>>, %arg9: memref<64x256xf32, #tpu.memory_space<vmem>>) attributes {dimension_semantics = [#tpu.dimension_semantics<arbitrary>], iteration_bounds = array<i64: 20>, scalar_prefetch = 0 : i64, scratch_operands = 1 : i64, tpu.core_type = #tpu.core_type<tc>, window_params = [{transform_indices = @transform_0, window_bounds = array<i64: 2, 512, 128>}, {transform_indices = @transform_1, window_bounds = array<i64: 512, 128>}, {transform_indices = @transform_2, window_bounds = array<i64: 32, 512>}, {pipeline_mode = #tpu.pipeline_mode<synchronous>, transform_indices = @transform_3, window_bounds = array<i64: 1, 128>}, {transform_indices = @transform_4, window_bounds = array<i64: 1, 512>}, {pipeline_mode = #tpu.pipeline_mode<synchronous>, transform_indices = @transform_5, window_bounds = array<i64: 128, 128>}, {pipeline_mode = #tpu.pipeline_mode<synchronous>, transform_indices = @transform_6, window_bounds = array<i64: 1, 128>}, {pipeline_mode = #tpu.pipeline_mode<synchronous>, transform_indices = @transform_7, window_bounds = array<i64: 64, 10>}]} {
    %eq3A = arith.constant 0 : i32
    %eq3A_0 = arith.cmpi eq, %arg0, %eq3A : i32
    %convert_element_type3A = arith.extui %eq3A_0 : i1 to i32
    %cond3A = arith.constant 0 : i32
    %cond3A_1 = arith.cmpi ne, %convert_element_type3A, %cond3A : i32
    scf.if %cond3A_1 {
      %broadcast_in_dim3A_54 = arith.constant 0.000000e+00 : f32
      %broadcast_in_dim3A_55 = vector.broadcast %broadcast_in_dim3A_54 : f32 to vector<64x256xf32>
      %swap3A_56 = arith.constant 0 : index
      %swap3A_57 = arith.constant 0 : index
      %swap3A_58 = vector.load %arg9[%swap3A_56, %swap3A_57] : memref<64x256xf32, #tpu.memory_space<vmem>>, vector<64x256xf32>
      tpu.vector_store %arg9[%swap3A_56, %swap3A_57], %broadcast_in_dim3A_55 {strides = array<i32>} : memref<64x256xf32, #tpu.memory_space<vmem>>, vector<64x256xf32>,
    } else {
    }
    %get3A = arith.constant 0 : index
    %get3A_2 = arith.constant 0 : index
    %get3A_3 = vector.load %arg3[%get3A, %get3A_2] : memref<32x512xf32, #tpu.memory_space<vmem>>, vector<32x512xf32>
    %broadcast_in_dim3A = arith.constant 1.000000e+00 : f32
    %broadcast_in_dim3A_4 = vector.broadcast %broadcast_in_dim3A : f32 to vector<32x1xf32>
    %dot_general3A = arith.constant dense<0.000000e+00> : vector<512x1xf32>
    %dot_general3A_5 = tpu.matmul %get3A_3, %broadcast_in_dim3A_4, %dot_general3A {dimension_numbers = #tpu.dot_dimension_numbers<[0], [0], [1], [1], [0, 1, 1, 1], [], []>, transpose_lhs_hint = false} : vector<32x512xf32>, vector<32x1xf32>, vector<512x1xf32> -> vector<512x1xf32>
    %add3A = arith.constant 1.000000e+00 : f32
    %add3A_6 = vector.broadcast %add3A : f32 to vector<512x1xf32>
    %add3A_7 = arith.addf %dot_general3A_5, %add3A_6 : vector<512x1xf32>
    %rsqrt3A = math.rsqrt %add3A_7 : vector<512x1xf32>
    %get3A_8 = arith.constant 0 : index
    %get3A_9 = arith.constant 0 : index
    %get3A_10 = arith.constant 0 : index
    %get3A_11 = vector.load %arg1[%get3A_8, %get3A_9, %get3A_10] : memref<2x512x128xf32, #tpu.memory_space<vmem>>, vector<1x512x128xf32>
    %get3A_12 = vector.shape_cast %get3A_11 : vector<1x512x128xf32> to vector<512x128xf32>
    %get3A_13 = arith.constant 1 : index
    %get3A_14 = arith.constant 0 : index
    %get3A_15 = arith.constant 0 : index
    %get3A_16 = vector.load %arg1[%get3A_13, %get3A_14, %get3A_15] : memref<2x512x128xf32, #tpu.memory_space<vmem>>, vector<1x512x128xf32>
    %get3A_17 = vector.shape_cast %get3A_16 : vector<1x512x128xf32> to vector<512x128xf32>
    %add3A_18 = arith.addf %get3A_12, %get3A_17 : vector<512x128xf32>
    %get3A_19 = arith.constant 0 : index
    %get3A_20 = arith.constant 0 : index
    %get3A_21 = vector.load %arg2[%get3A_19, %get3A_20] : memref<512x128xf32, #tpu.memory_space<vmem>>, vector<512x128xf32>
    %add3A_22 = arith.addf %add3A_18, %get3A_21 : vector<512x128xf32>
    %mul3A = vector.broadcast %rsqrt3A : vector<512x1xf32> to vector<512x128xf32>
    %mul3A_23 = arith.mulf %mul3A, %add3A_22 : vector<512x128xf32>
    %get3A_24 = arith.constant 0 : index
    %get3A_25 = arith.constant 0 : index
    %get3A_26 = vector.load %arg4[%get3A_24, %get3A_25] : memref<1x128xf32, #tpu.memory_space<vmem>>, vector<1x128xf32>
    %add3A_27 = vector.broadcast %get3A_26 : vector<1x128xf32> to vector<512x128xf32>
    %add3A_28 = arith.addf %mul3A_23, %add3A_27 : vector<512x128xf32>
    %max3A = arith.constant 0.000000e+00 : f32
    %max3A_29 = vector.broadcast %max3A : f32 to vector<512x128xf32>
    %max3A_30 = arith.maximumf %add3A_28, %max3A_29 : vector<512x128xf32>
    %broadcast_in_dim3A_31 = arith.constant 1.000000e+00 : f32
    %broadcast_in_dim3A_32 = vector.broadcast %broadcast_in_dim3A_31 : f32 to vector<512x128xf32>
    %concatenate3A = tpu.concatenate %max3A_30, %broadcast_in_dim3A_32 in 1 : vector<512x128xf32>, vector<512x128xf32> -> vector<512x256xf32>
    %get3A_33 = arith.constant 0 : index
    %get3A_34 = arith.constant 0 : index
    %get3A_35 = vector.load %arg5[%get3A_33, %get3A_34] : memref<1x512xi32, #tpu.memory_space<vmem>>, vector<1x512xi32>
    %broadcast_in_dim3A_36 = vector.shape_cast %get3A_35 : vector<1x512xi32> to vector<1x512xi32>
    %broadcast_in_dim3A_37 = vector.broadcast %broadcast_in_dim3A_36 : vector<1x512xi32> to vector<64x512xi32>
    %iota3A = tpu.iota {dimensions = array<i32: 0>} : vector<64x512xi32>
    %eq3A_38 = arith.cmpi eq, %broadcast_in_dim3A_37, %iota3A : vector<64x512xi32>
    %convert_element_type3A_39 = arith.extui %eq3A_38 : vector<64x512xi1> to vector<64x512xi32>
    %convert_element_type3A_40 = arith.sitofp %convert_element_type3A_39 : vector<64x512xi32> to vector<64x512xf32>
    %get3A_41 = arith.constant 0 : index
    %get3A_42 = arith.constant 0 : index
    %get3A_43 = vector.load %arg9[%get3A_41, %get3A_42] : memref<64x256xf32, #tpu.memory_space<vmem>>, vector<64x256xf32>
    %dot_general3A_44 = arith.constant dense<0.000000e+00> : vector<64x256xf32>
    %dot_general3A_45 = tpu.matmul %convert_element_type3A_40, %concatenate3A, %dot_general3A_44 {dimension_numbers = #tpu.dot_dimension_numbers<[1], [0], [0], [1], [0, 0, 1, 1], [], []>, transpose_lhs_hint = false} : vector<64x512xf32>, vector<512x256xf32>, vector<64x256xf32> -> vector<64x256xf32>
    %add3A_46 = arith.addf %get3A_43, %dot_general3A_45 : vector<64x256xf32>
    %swap3A = arith.constant 0 : index
    %swap3A_47 = arith.constant 0 : index
    %swap3A_48 = vector.load %arg9[%swap3A, %swap3A_47] : memref<64x256xf32, #tpu.memory_space<vmem>>, vector<64x256xf32>
    tpu.vector_store %arg9[%swap3A, %swap3A_47], %add3A_46 {strides = array<i32>} : memref<64x256xf32, #tpu.memory_space<vmem>>, vector<64x256xf32>,
    %eq3A_49 = arith.constant 19 : i32
    %eq3A_50 = arith.cmpi eq, %arg0, %eq3A_49 : i32
    %convert_element_type3A_51 = arith.extui %eq3A_50 : i1 to i32
    %cond3A_52 = arith.constant 0 : i32
    %cond3A_53 = arith.cmpi ne, %convert_element_type3A_51, %cond3A_52 : i32
    scf.if %cond3A_53 {
      %get3A_54 = arith.constant 0 : index
      %get3A_55 = arith.constant 0 : index
      %get3A_56 = vector.load %arg9[%get3A_54, %get3A_55] : memref<64x256xf32, #tpu.memory_space<vmem>>, vector<64x256xf32>
      %slice3A = vector.extract_strided_slice %get3A_56 {offsets = [0, 0], sizes = [64, 128], strides = [1, 1]} : vector<64x256xf32> to vector<64x128xf32>
      %slice3A_57 = vector.extract_strided_slice %get3A_56 {offsets = [0, 128], sizes = [64, 128], strides = [1, 1]} : vector<64x256xf32> to vector<64x128xf32>
      %max3A_58 = arith.constant 1.000000e+00 : f32
      %max3A_59 = vector.broadcast %max3A_58 : f32 to vector<64x128xf32>
      %max3A_60 = arith.maximumf %slice3A_57, %max3A_59 : vector<64x128xf32>
      %div3A = arith.divf %slice3A, %max3A_60 : vector<64x128xf32>
      %get3A_61 = arith.constant 0 : index
      %get3A_62 = arith.constant 0 : index
      %get3A_63 = vector.load %arg6[%get3A_61, %get3A_62] : memref<128x128xf32, #tpu.memory_space<vmem>>, vector<128x128xf32>
      %dot_general3A_64 = arith.constant dense<0.000000e+00> : vector<64x128xf32>
      %dot_general3A_65 = tpu.matmul %div3A, %get3A_63, %dot_general3A_64 {dimension_numbers = #tpu.dot_dimension_numbers<[1], [0], [0], [1], [0, 0, 1, 1], [], []>, transpose_lhs_hint = false} : vector<64x128xf32>, vector<128x128xf32>, vector<64x128xf32> -> vector<64x128xf32>
      %get3A_66 = arith.constant 0 : index
      %get3A_67 = arith.constant 0 : index
      %get3A_68 = vector.load %arg7[%get3A_66, %get3A_67] : memref<1x128xf32, #tpu.memory_space<vmem>>, vector<1x128xf32>
      %add3A_69 = vector.broadcast %get3A_68 : vector<1x128xf32> to vector<64x128xf32>
      %add3A_70 = arith.addf %dot_general3A_65, %add3A_69 : vector<64x128xf32>
      %reduce_max3A = arith.constant dense<0xFF800000> : vector<64xf32>
      %reduce_max3A_71 = vector.multi_reduction <maximumf>, %add3A_70, %reduce_max3A [1] : vector<64x128xf32> to vector<64xf32>
      %broadcast_in_dim3A_72 = vector.shape_cast %reduce_max3A_71 : vector<64xf32> to vector<64x1xf32>
      %sub3A = vector.broadcast %broadcast_in_dim3A_72 : vector<64x1xf32> to vector<64x128xf32>
      %sub3A_73 = arith.subf %add3A_70, %sub3A : vector<64x128xf32>
      %exp3A = math.exp %sub3A_73 : vector<64x128xf32>
      %reduce_sum3A = arith.constant dense<0.000000e+00> : vector<64xf32>
      %reduce_sum3A_74 = vector.multi_reduction <add>, %exp3A, %reduce_sum3A [1] : vector<64x128xf32> to vector<64xf32>
      %broadcast_in_dim3A_75 = vector.shape_cast %reduce_sum3A_74 : vector<64xf32> to vector<64x1xf32>
      %div3A_76 = vector.broadcast %broadcast_in_dim3A_75 : vector<64x1xf32> to vector<64x128xf32>
      %div3A_77 = arith.divf %exp3A, %div3A_76 : vector<64x128xf32>
      %slice3A_78 = vector.extract_strided_slice %div3A_77 {offsets = [0, 0], sizes = [64, 10], strides = [1, 1]} : vector<64x128xf32> to vector<64x10xf32>
      %swap3A_79 = arith.constant 0 : index
      %swap3A_80 = arith.constant 0 : index
      %swap3A_81 = vector.load %arg8[%swap3A_79, %swap3A_80] : memref<64x10xf32, #tpu.memory_space<vmem>>, vector<64x10xf32>
      tpu.vector_store %arg8[%swap3A_79, %swap3A_80], %slice3A_78 {strides = array<i32>} : memref<64x10xf32, #tpu.memory_space<vmem>>, vector<64x10xf32>,
    } else {
    }
    return
  }
  func.func @transform_0(%arg0: i32) -> (i32, i32, i32) {
    %c0_i32 = arith.constant 0 : i32
    %c0_i32_0 = arith.constant 0 : i32
    %c0_i32_1 = arith.constant 0 : i32
    return %c0_i32, %arg0, %c0_i32_0 : i32, i32, i32
  }
  func.func @transform_1(%arg0: i32) -> (i32, i32) {
    %c0_i32 = arith.constant 0 : i32
    %c0_i32_0 = arith.constant 0 : i32
    return %arg0, %c0_i32 : i32, i32
  }
  func.func @transform_2(%arg0: i32) -> (i32, i32) {
    %c0_i32 = arith.constant 0 : i32
    %c0_i32_0 = arith.constant 0 : i32
    return %c0_i32, %arg0 : i32, i32
  }
  func.func @transform_3(%arg0: i32) -> (i32, i32) {
    %c0_i32 = arith.constant 0 : i32
    %c0_i32_0 = arith.constant 0 : i32
    %c0_i32_1 = arith.constant 0 : i32
    return %c0_i32, %c0_i32_0 : i32, i32
  }
  func.func @transform_4(%arg0: i32) -> (i32, i32) {
    %c0_i32 = arith.constant 0 : i32
    %c0_i32_0 = arith.constant 0 : i32
    return %c0_i32, %arg0 : i32, i32
  }
  func.func @transform_5(%arg0: i32) -> (i32, i32) {
    %c0_i32 = arith.constant 0 : i32
    %c0_i32_0 = arith.constant 0 : i32
    %c0_i32_1 = arith.constant 0 : i32
    return %c0_i32, %c0_i32_0 : i32, i32
  }
  func.func @transform_6(%arg0: i32) -> (i32, i32) {
    %c0_i32 = arith.constant 0 : i32
    %c0_i32_0 = arith.constant 0 : i32
    %c0_i32_1 = arith.constant 0 : i32
    return %c0_i32, %c0_i32_0 : i32, i32
  }
  func.func @transform_7(%arg0: i32) -> (i32, i32) {
    %c0_i32 = arith.constant 0 : i32
    %c0_i32_0 = arith.constant 0 : i32
    %c0_i32_1 = arith.constant 0 : i32
    return %c0_i32, %c0_i32_0 : i32, i32
  }
}

</mosaic_0001>

<sc_bundles>
// kernel: kernel.11.cloned.1.call-start
scs
__scs_entry_jumppad:
0x0: {  	(pc) =	sbr.rel $0x88, $3  }
0x1: {  	(tag) =	ssettag $0x0;
	lr =	simm.s32 $0x1  }
0x2: {  	[smem:$0x3F98] =	sst lr;
	_ =	strace $0xD0000000  }
0x3: {  	_ = 	snop  }
0x4: {  	_ = 	snop  }
0x5: {  	_ = 	snop  }
0x6: {  	_ = 	snop  }
0x7: {  	_ = 	snop  }
__scs_overlays_trampoline_lowered:
0x8: {  	[smem:$0x3FA7] =	sst s0  }
0x9: {  	[smem:$0x3FA8] =	sst s1  }
0xa: {  	[smem:$0x3FA9] =	sst s2  }
0xb: {  	[smem:$0x3FAA] =	sst s3  }
0xc: {  	[smem:$0x3FAB] =	sst s4  }
0xd: {  	[smem:$0x3FAC] =	sst s5  }
0xe: {  	[smem:$0x3FAD] =	sst s6  }
0xf: {  	[smem:$0x3FAE] =	sst s7  }
0x10: {  	[smem:$0x3FAF] =	sst s8  }
0x11: {  	[smem:$0x3FB0] =	sst s9;
	s0 =	simm.s32 @!p0 $0x0  }
0x12: {  	s1 =	sld [smem:$0x3F96];
	s0 =	simm.s32 @p0 $0x1  }
0x13: {  	[smem:$0x3FB1] =	sst s0;
	s0 =	simm.s32 @!p1 $0x0  }
0x14: {  	s2 =	sld [smem:$0x3F95];
	s0 =	simm.s32 @p1 $0x1  }
0x15: {  	[smem:$0x3FB2] =	sst s0;
	s0 =	simm.s32 @!p2 $0x0  }
0x16: {  	s3 =	sld [smem:$0x3FDB];
	s0 =	simm.s32 @p2 $0x1  }
0x17: {  	s4 =	simm.s32 $0x1BF5;
	[smem:$0x3FB4] =	sst s0  }
0x18: {  	s0 =	sld [smem:$0x3F97];
	_ =	swait.ge [sflag:s4], $0x0  }
0x19: {  	s7 =	sld [smem:$0x3F98]  }
0x1a: {  	s8 =	sadd.s32 $0xFFFFE003, lr  }
0x1b: {  	s9 =	sadd.s32 $0xFFFFFEF7, lr;
	s5 =	simm.s32 $0xFFFFFFFF;
	p2 =	slt.u32 s8, $0xFFFFF086  }
0x1c: {  	p1 =	slt.u32 s9, $0xF7A;
	s5 =	simm.s32 @!p2 $0x0  }
0x1d: {  	s5 =	simm.s32 @p1 $0x1;
	p0 =	seq.s32 s7, s2  }
0x1e: {  	s7 =	smul.u32 @!p0 $0xF7A, s2;
	p2 =	seq.s32 @!p0 s5, $0x0  }
0x1f: {  	s9 =	smul.u32 $0xF7A, s1;
	s8 =	simm.s32 @!p0 $0x1BF5;
	p2 =	por !p2, p0  }
0x20: {  	[sflag:s8] =	ssyncset.s32 @!p0 $0xFFFFF086;
	s6 =	sadd.s32 @!p0 s3, s7;
	s7 =	simm.s32 @!p0 $0x108  }
0x21: {  	s3 =	sadd.s32 s3, s9;
	s6 =	sadd.s32 @!p0 $0x88, s6;
	s7 =	simm.s32 @p2 $0x1082  }
0x22: {  	[simem:s7], [sflag:s8] =	dma.local @!p0 [hbm:s6], $0xF7A  }
0x23: {  	s9 =	sor.u32 $0xD0000000, s2;
	s6 =	simm.s32 $0x108;
	_ =	swait.ge @!p0 [sflag:s8], $0x0  }
0x24: {  	s3 =	sadd.s32 $0x88, s3;
	s6 =	simm.s32 @!p1 $0x1082;
	[sflag:s4] =	ssyncset.s32 $0xFFFFF086  }
0x25: {  	[simem:s6], [sflag:s4] =	dma.local [hbm:s3], $0xF7A  }
0x26: {  	[smem:$0x3F98] =	sst s1;
	(tag) =	ssettag s2;
	_ =	strace s9  }
0x27: {  	s1 =	sld [smem:$0x3FA8]  }
0x28: {  	s2 =	sld [smem:$0x3FA9]  }
0x29: {  	s4 =	sld [smem:$0x3FAB]  }
0x2a: {  	p0 =	seq.s32 s5, $0x0;
	s5 =	sld [smem:$0x3FAC]  }
0x2b: {  	s6 =	sld [smem:$0x3FAD]  }
0x2c: {  	s7 =	sld [smem:$0x3FAE]  }
0x2d: {  	s3 =	simm.s32 $0x108;
	s8 =	sld [smem:$0x3FAF]  }
0x2e: {  	s3 =	simm.s32 @!p0 $0x1082;
	s9 =	sld [smem:$0x3FB0]  }
0x2f: {  	lr =	sadd.s32 s0, s3;
	s0 =	sld [smem:$0x3FA7]  }
0x30: {  	s3 =	sld [smem:$0x3FAA]  }
0x31: {  	[smem:$0x3FB3] =	sst s10  }
0x32: {  	s10 =	sld [smem:$0x3FB1];
	_ =	sdelay $0x3  }
0x33: {  	p0 =	seq.s32 s10, $0x1;
	s10 =	sld [smem:$0x3FB3];
	_ =	sdelay $0x3  }
0x34: {  	[smem:$0x3FB3] =	sst s10  }
0x35: {  	s10 =	sld [smem:$0x3FB2];
	_ =	sdelay $0x3  }
0x36: {  	p1 =	seq.s32 s10, $0x1;
	s10 =	sld [smem:$0x3FB3];
	_ =	sdelay $0x3  }
0x37: {  	[smem:$0x3FB3] =	sst s10  }
0x38: {  	s10 =	sld [smem:$0x3FB4]  }
0x39: {  	_ = 	snop;
	(pc) =	sbr.ind lr, $3  }
0x3a: {  	_ = 	snop  }
0x3b: {  	_ = 	snop  }
0x3c: {  	p2 =	seq.s32 s10, $0x1;
	s10 =	sld [smem:$0x3FB3]  }
0x3d: {  	_ =	shalt  }
0x3e: {  	_ =	shalt  }
0x3f: {  	_ =	shalt  }
0x40: {  	_ =	shalt  }
0x41: {  	_ =	shalt  }
0x42: {  	_ =	shalt  }
0x43: {  	_ =	shalt  }
0x44: {  	_ =	shalt  }
0x45: {  	_ =	shalt  }
0x46: {  	_ =	shalt  }
0x47: {  	_ =	shalt  }
0x48: {  	_ =	shalt  }
0x49: {  	_ =	shalt  }
0x4a: {  	_ =	shalt  }
0x4b: {  	_ =	shalt  }
0x4c: {  	_ =	shalt  }
0x4d: {  	_ =	shalt  }
0x4e: {  	_ =	shalt  }
0x4f: {  	_ =	shalt  }
0x50: {  	_ =	shalt  }
0x51: {  	_ =	shalt  }
0x52: {  	_ =	shalt  }
0x53: {  	_ =	shalt  }
0x54: {  	_ =	shalt  }
0x55: {  	_ =	shalt  }
0x56: {  	_ =	shalt  }
0x57: {  	_ =	shalt  }
0x58: {  	_ =	shalt  }
0x59: {  	_ =	shalt  }
0x5a: {  	_ =	shalt  }
0x5b: {  	_ =	shalt  }
0x5c: {  	_ =	shalt  }
0x5d: {  	_ =	shalt  }
0x5e: {  	_ =	shalt  }
0x5f: {  	_ =	shalt  }
0x60: {  	_ =	shalt  }
0x61: {  	_ =	shalt  }
0x62: {  	_ =	shalt  }
0x63: {  	_ =	shalt  }
0x64: {  	_ =	shalt  }
0x65: {  	_ =	shalt  }
0x66: {  	_ =	shalt  }
0x67: {  	_ =	shalt  }
0x68: {  	_ =	shalt  }
0x69: {  	_ =	shalt  }
0x6a: {  	_ =	shalt  }
0x6b: {  	_ =	shalt  }
0x6c: {  	_ =	shalt  }
0x6d: {  	_ =	shalt  }
0x6e: {  	_ =	shalt  }
0x6f: {  	_ =	shalt  }
0x70: {  	_ =	shalt  }
0x71: {  	_ =	shalt  }
0x72: {  	_ =	shalt  }
0x73: {  	_ =	shalt  }
0x74: {  	_ =	shalt  }
0x75: {  	_ =	shalt  }
0x76: {  	_ =	shalt  }
0x77: {  	_ =	shalt  }
0x78: {  	_ =	shalt  }
0x79: {  	_ =	shalt  }
0x7a: {  	_ =	shalt  }
0x7b: {  	_ =	shalt  }
0x7c: {  	_ =	shalt  }
0x7d: {  	_ =	shalt  }
0x7e: {  	_ =	shalt  }
0x7f: {  	_ =	shalt  }
0x80: {  	_ =	shalt  }
0x81: {  	_ =	shalt  }
0x82: {  	_ =	shalt  }
0x83: {  	_ =	shalt  }
0x84: {  	_ =	shalt  }
0x85: {  	_ =	shalt  }
0x86: {  	_ =	shalt  }
0x87: {  	_ =	shalt  }
.Lfunc_end0:
.L_simem_size_0:
called_computation.1_lowered:
.L_overlay_start_0:
0x88: {  	s2 =	sld [smem:$0x3FD9]  }
0x89: {  	s3 =	sld [smem:$0x3FFE];
	_ =	sdelay $0x1  }
0x8a: {  	s1 =	srdreg.scid  }
0x8b: {  	s0 =	sand.u32 $0x1, s1  }
0x8c: {  	s16 =	sshll.u32 s0, $0xA;
	s2 =	sadd.s32 s3, s2  }
0x8d: {  	s2 =	sadd.s32 s2, s16  }
0x8e: {  	[smem:$0x3FBF] =	sst s2  }
0x8f: {  	_ = 	snop  }
0x90: {  	(tm) =	ssettm $0x1  }
0x91: {  	s17 =	sld [smem:$0x3FFB];
	_ =	sdelay $0x3  }
0x92: {  	_ =	strace s17  }
0x93: {  	s2 =	sld [smem:$0x3FFC];
	_ =	sdelay $0x3  }
0x94: {  	_ =	strace s2  }
0x95: {  	s2 =	sld [smem:$0x3FFD];
	_ =	sdelay $0x3  }
0x96: {  	_ =	strace s2  }
0x97: {  	_ =	strace $0x8FFFFFFF  }
0x98: {  	s18 =	sld [smem:$0x3FDB];
	_ =	sdelay $0x1  }
0x99: {  	s19 =	simm.s32 $_scs_section_size  }
0x9a: {  	s4 =	simm.s32 $_size__tile_overlayer_lowered;
	s5 =	simm.s32 $_tile_overlayer_lowered  }
0x9b: {  	s22 =	simm.s32 $0x1BFF;
	s21 =	sshll.u32 s5, $0x1;
	s2 =	sadd.s32 s19, s18  }
0x9c: {  	s6 =	simm.s32 $0x0;
	s20 =	sshll.u32 s4, $0x1;
	s4 =	sadd.s32 s21, s2  }
0x9d: {  	[timem:s6], [sflag:s22] =	dma.local [hbm:s4], s20  }
0x9e: {  	_ =	swait.ge [sflag:s22], s20  }
0x9f: {  	s3 =	ssub.s32 $0x0, s20;
	[sflag:s22] =	ssyncset.done $0x0  }
0xa0: {  	[sflag:s22] =	ssyncadd.s32 s3;
	_ =	sdelay $0x1  }
0xa1: {  	s23 =	simm.s32 $0x1B8B  }
0xa2: {  	_ =	swait.ge [sflag:s23], $0x1  }
0xa3: {  	[sflag:s23] =	ssyncset.done $0x0  }
0xa4: {  	s25 =	simm.s32 $0x1B8E;
	s24 =	sld [smem:$0x3FFE];
	[sflag:s23] =	ssyncadd.s32 $0xFFFFFFFF  }
0xa5: {  	s26 =	simm.s32 $execute0_lowered;
	[smem:$0x3FD2] =	sst s25  }
0xa6: {  	s4 =	sshll.u32 s26, $0x1;
	_ =	strace $0x80000049;
	[dreg:$0x1] =	wrdreg $0xFFFFFFFF  }
0xa7: {  	s28 =	simm.s32 $_size_execute0_lowered;
	s2 =	sadd.s32 s2, s4;
	[dreg:$0x0] =	wrdreg $0x0  }
0xa8: {  	s4 =	sshll.u32 s28, $0x1;
	[dreg:$0x2] =	wrdreg s2  }
0xa9: {  	[dreg:$0x3] =	wrdreg s4  }
0xaa: {  	[dreg:$0x4] =	wrdreg $0xC0  }
0xab: {  	_ =	task [dreg:s6], $0x5FFFF  }
0xac: {  	[dreg:$0x1] =	wrdreg $0xFFFFFFFF  }
0xad: {  	[dreg:$0x0] =	wrdreg $0x60  }
0xae: {  	[dreg:$0x2] =	wrdreg s24  }
0xaf: {  	[dreg:$0x3] =	wrdreg $0x27800  }
0xb0: {  	[dreg:$0x4] =	wrdreg $0x9  }
0xb1: {  	_ =	task.clear_ibuf [dreg:s6], $0x5FFFF;
	_ =	strace $0x90000049  }
0xb2: {  	s29 =	simm.s32 $0x9;
	_ =	strace $0x8000004B  }
0xb3: {  	_ =	swait.ge [sflag:s29], $0x1  }
0xb4: {  	[sflag:s29] =	ssyncadd.s32 $0xFFFFFFFF  }
0xb5: {  	_ =	strace $0x9000004B  }
0xb6: {  	_ =	sfence  }
0xb7: {  	s30 =	sld [smem:$0x0];
	_ =	sdelay $0x2  }
0xb8: {  	s31 =	sshll.u32 s1, $0xD;
	s1 =	sshrl.u32 s1, $0x2  }
0xb9: {  	s3 =	sand.u32 $0x4000, s31;
	s1 =	sadd.s32 s1, s30  }
0xba: {  	s0 =	sor.u32 s3, s0;
	s1 =	sshll.u32 s1, $0x11  }
0xbb: {  	s0 =	sor.u32 s1, s0  }
0xbc: {  	s0 =	sadd.s32 $0x8F2B, s0  }
0xbd: {  	[sflag:s0] =	ssyncadd.remote.s32 $0x1  }
0xbe: {  	_ =	sfence.sel $0xFFFF  }
0xbf: {  	[dreg:$0x0] =	wrdreg $0xFFFFFFFF;
	(pc) =	sbr.abs _section_cstart, $3  }
0xc0: {  	[dreg:$0x1] =	wrdreg $0xFFFFFFFF  }
0xc1: {  	_ =	task.clear_ibuf [dreg:s6], $0x2FFFF;
	_ =	strace $0x9FFFFFFF  }
0xc2: {  	(tm) =	ssettm $0x7FFFFFFF  }
0xc3: {  	_ =	shalt  }
tec
execute0_lowered:
.L_overlay_start_1:
0x0: {  	(tag) =	ssettag $0x1  }
0x1: {  	s0 =	rddreg [dreg:$0x0]  }
0x2: {  	s1 =	rddreg [dreg:$0x1]  }
0x3: {  	s2 =	srdreg.scid;
	s3 =	simm.s32 $0x0;
	s16 =	stileid.u32  }
0x4: {  	s28 =	simm.s32 $0x8;
	s29 =	simm.s32 $0x4;
	s30 =	simm.s32 $0x3  }
0x5: {  	s31 =	simm.s32 $0x5;
	s4 =	sadd.s32 $0x3000, s0;
	s2 =	sand.u32 $0x1, s2  }
0x6: {  	s8 =	smul.u32 $0x14000, s16;
	s9 =	sadd.s32 $0x3F000, s0;
	[smem:$0x7FF] =	sst s3  }
0x7: {  	s5 =	ssub.s32 $0x2, s2;
	s6 =	sshll.u32 s2, $0x4;
	s11 =	smul.u32 $0x140000, s2  }
0x8: {  	s2 =	smul.u32 $0x27100, s2;
	s7 =	sshrl.u32 s5, $0x1;
	s6 =	sor.u32 s16, s6  }
0x9: {  	s10 =	sadd.s32 $0x5000, s8;
	s12 =	sadd.s32 $0x7800, s8;
	s17 =	sadd.s32 $0xA000, s8  }
0xa: {  	s18 =	sadd.s32 $0xC800, s8;
	s19 =	sadd.s32 $0xF000, s8;
	s5 =	ssub.s32 s5, s7  }
0xb: {  	s6 =	smul.u32 $0x2710, s6;
	s7 =	sor.u32 $0x2800, s8;
	s13 =	sadd.s32 s8, s11  }
0xc: {  	s8 =	sadd.s32 $0x11800, s8;
	s22 =	sadd.s32 s11, s10;
	s14 =	sadd.s32 s11, s12  }
0xd: {  	s25 =	sadd.s32 s11, s17;
	s26 =	sadd.s32 s11, s18;
	s15 =	sshrl.u32 s13, $0x3  }
0xe: {  	s21 =	sadd.s32 s11, s7;
	s13 =	sshrl.u32 s22, $0x3;
	s24 =	sshrl.u32 s14, $0x3  }
0xf: {  	s14 =	sshrl.u32 s26, $0x3;
	s26 =	smul.u32 $0x50000, s16;
	s7 =	sadd.s32 s7, s1  }
0x10: {  	s6 =	sshrl.u32 s6, $0x3;
	s23 =	sadd.s32 s9, s13;
	s13 =	sshrl.u32 s25, $0x3  }
0x11: {  	s14 =	sadd.s32 s9, s14;
	s20 =	sadd.s32 s4, s6;
	[dreg:$0x6] =	wrdreg s23  }
0x12: {  	s6 =	sadd.s32 s9, s15;
	s15 =	smul.u32 $0x2710, s16;
	[dreg:$0x9] =	wrdreg s14  }
0x13: {  	s13 =	sadd.s32 s9, s13;
	s16 =	sadd.s32 $0x16A00, s0;
	[dreg:$0x4] =	wrdreg s6  }
0x14: {  	s0 =	sadd.s32 $0x3EA00, s0;
	s6 =	sshrl.u32 s21, $0x3;
	[dreg:$0x8] =	wrdreg s13  }
0x15: {  	s21 =	sadd.s32 s11, s19;
	s11 =	sadd.s32 s11, s8;
	s6 =	sadd.s32 s9, s6  }
0x16: {  	s2 =	sadd.s32 s15, s2;
	s11 =	sshrl.u32 s11, $0x3;
	[dreg:$0x5] =	wrdreg s6  }
0x17: {  	s6 =	sadd.s32 s9, s24;
	s22 =	sadd.s32 $0x4E390, s2;
	s23 =	sadd.s32 s9, s11  }
0x18: {  	s25 =	sadd.s32 $0x4E340, s2;
	[dreg:$0x7] =	wrdreg s6;
	s6 =	sshrl.u32 s21, $0x3  }
0x19: {  	s2 =	sadd.s32 $0x4E2F0, s2;
	[dreg:$0xb] =	wrdreg s23;
	s6 =	sadd.s32 s9, s6  }
0x1a: {  	s11 =	sadd.s32 $0x9C40, s20;
	s24 =	sshrl.u32 s22, $0x3;
	[dreg:$0xa] =	wrdreg s6  }
0x1b: {  	s23 =	sadd.s32 s10, s1;
	_ =	strace $0x8000004A;
	[dreg:$0xc] =	wrdreg s0  }
0x1c: {  	s10 =	smax.u32 s5, $0x1;
	s13 =	sadd.s32 s24, s4;
	[dreg:$0x1a] =	wrdreg s7  }
0x1d: {  	s9 =	sadd.s32 s12, s1;
	s24 =	sadd.s32 s17, s1;
	[dreg:$0x13] =	wrdreg s10  }
0x1e: {  	s12 =	sadd.s32 $0x9C4A, s20;
	s17 =	sadd.s32 $0x9C54, s20;
	[dreg:$0x14] =	wrdreg s11  }
0x1f: {  	s6 =	sshrl.u32 s25, $0x3;
	s25 =	sadd.s32 s18, s1;
	[dreg:$0x15] =	wrdreg s12  }
0x20: {  	s18 =	sadd.s32 s19, s1;
	s19 =	sadd.s32 $0xA10E, s20;
	[dreg:$0x16] =	wrdreg s17  }
0x21: {  	s2 =	sshrl.u32 s2, $0x3;
	s22 =	sadd.s32 s8, s1;
	[dreg:$0x17] =	wrdreg s19  }
0x22: {  	s5 =	simm.s32 $0xA;
	s8 =	simm.s32 $0x1E000;
	[dreg:$0x3] =	wrdreg s20  }
0x23: {  	s15 =	sadd.s32 s2, s4;
	s2 =	simm.s32 $0x16780;
	[dreg:$0xd] =	wrdreg s23  }
0x24: {  	s14 =	sadd.s32 s6, s4;
	s6 =	sshrl.u32 s26, $0x2;
	[dreg:$0xf] =	wrdreg s24  }
0x25: {  	s26 =	sadd.s32 $0xA118, s20;
	s20 =	smov.u32 s9;
	[dreg:$0x10] =	wrdreg s25  }
0x26: {  	s7 =	simm.s32 $0x50;
	s9 =	simm.s32 $0x18F80;
	[dreg:$0x11] =	wrdreg s18  }
0x27: {  	s10 =	simm.s32 $0x1E080;
	s11 =	simm.s32 $0x1B780;
	[dreg:$0x12] =	wrdreg s22  }
0x28: {  	s12 =	simm.s32 $0x1;
	s19 =	simm.s32 $0x0;
	[dreg:$0x18] =	wrdreg s26  }
0x29: {  	s17 =	simm.s32 $0x7;
	s4 =	simm.s32 $0x9;
	[dreg:$0x19] =	wrdreg s19  }
0x2a: {  	s0 =	simm.s32 $0x6;
	s21 =	sadd.s32 s6, s1;
	[dreg:$0xe] =	wrdreg s20  }
0x2b: {  	s6 =	simm.s32 $0x1DF80;
	s26 =	simm.s32 $0x2;
	[dreg:$0x1b] =	wrdreg s21  }
.LBB2_1:
0x2c: {  	s19 =	rddreg [dreg:$0xc]  }
0x2d: {  	[tilespmem:s2], [sflag:$0xA] =	stream.linear.gather [hbm4b:s19+s3], $0x2800, $0x38;
	[tilespmem:$0x1E100] =	vst v63  }
0x2e: {  	_ =	swait.ge [sflag:s5], $0x2800  }
0x2f: {  	[sflag:s5] =	ssyncset.done $0x0  }
0x30: {  	[sflag:s5] =	ssyncadd.s32 $0xFFFFD800  }
0x31: {  	[spmem:s21] =	stream.linear.scatter [tilespmem:s2], [sflag:$0xA], $0x2800, $0x38;
	[tilespmem:$0x1E100] =	vst v63  }
0x32: {  	_ =	swait.ge [sflag:s5], $0x2800  }
0x33: {  	s19 =	smov.u32 s24;
	s24 =	smov.u32 s21;
	[sflag:s5] =	ssyncset.done $0x0  }
0x34: {  	s21 =	smov.u32 s25;
	s25 =	rddreg [dreg:$0x1a];
	[sflag:s5] =	ssyncadd.s32 $0xFFFFD800  }
0x35: {  	[spmem:s25] =	stream.linear.scatter [tilespmem:s2], [sflag:$0xA], $0x2800, $0x38;
	[tilespmem:$0x1E100] =	vst v63  }
0x36: {  	_ =	swait.ge [sflag:s5], $0x2800  }
0x37: {  	[sflag:s5] =	ssyncset.done $0x0  }
0x38: {  	[sflag:s5] =	ssyncadd.s32 $0xFFFFD800  }
0x39: {  	[spmem:s23] =	stream.linear.scatter [tilespmem:s2], [sflag:$0xA], $0x2800, $0x38;
	[tilespmem:$0x1E100] =	vst v63  }
0x3a: {  	_ =	swait.ge [sflag:s5], $0x2800  }
0x3b: {  	[sflag:s5] =	ssyncset.done $0x0  }
0x3c: {  	[sflag:s5] =	ssyncadd.s32 $0xFFFFD800  }
0x3d: {  	[spmem:s20] =	stream.linear.scatter [tilespmem:s2], [sflag:$0xA], $0x2800, $0x38;
	[tilespmem:$0x1E100] =	vst v63  }
0x3e: {  	_ =	swait.ge [sflag:s5], $0x2800  }
0x3f: {  	[sflag:s5] =	ssyncset.done $0x0  }
0x40: {  	[sflag:s5] =	ssyncadd.s32 $0xFFFFD800  }
0x41: {  	[spmem:s19] =	stream.linear.scatter [tilespmem:s2], [sflag:$0xA], $0x2800, $0x38;
	[tilespmem:$0x1E100] =	vst v63  }
0x42: {  	_ =	swait.ge [sflag:s5], $0x2800  }
0x43: {  	[sflag:s5] =	ssyncset.done $0x0  }
0x44: {  	[sflag:s5] =	ssyncadd.s32 $0xFFFFD800  }
0x45: {  	[spmem:s21] =	stream.linear.scatter [tilespmem:s2], [sflag:$0xA], $0x2800, $0x38;
	[tilespmem:$0x1E100] =	vst v63  }
0x46: {  	_ =	swait.ge [sflag:s5], $0x2800  }
0x47: {  	[sflag:s5] =	ssyncset.done $0x0  }
0x48: {  	[sflag:s5] =	ssyncadd.s32 $0xFFFFD800  }
0x49: {  	[spmem:s18] =	stream.linear.scatter [tilespmem:s2], [sflag:$0xA], $0x2800, $0x38;
	[tilespmem:$0x1E100] =	vst v63  }
0x4a: {  	_ =	swait.ge [sflag:s5], $0x2800  }
0x4b: {  	[sflag:s5] =	ssyncset.done $0x0  }
0x4c: {  	[sflag:s5] =	ssyncadd.s32 $0xFFFFD800  }
0x4d: {  	[spmem:s22] =	stream.linear.scatter [tilespmem:s2], [sflag:$0xA], $0x2800, $0x38;
	[tilespmem:$0x1E100] =	vst v63  }
0x4e: {  	_ =	swait.ge [sflag:s5], $0x2800  }
0x4f: {  	[sflag:s5] =	ssyncset.done $0x0  }
0x50: {  	s21 =	rddreg [dreg:$0x3];
	[sflag:s5] =	ssyncadd.s32 $0xFFFFD800  }
0x51: {  	[tilespmem:s3], [sflag:$0xA] =	stream.linear.gather [hbm4b:s21+s3], $0x2710, $0x38;
	[tilespmem:$0x1E100] =	vst v63  }
0x52: {  	_ =	swait.ge [sflag:s5], $0x2710  }
0x53: {  	[sflag:s5] =	ssyncset.done $0x0  }
0x54: {  	[sflag:s5] =	ssyncadd.s32 $0xFFFFD8F0  }
0x55: {  	[bflag:$0x0] =	sbarrier.arrive $0xFFFF  }
0x56: {  	s22 =	rddreg [dreg:$0x14]  }
0x57: {  	[tilespmem:s6], [sflag:$0x7] =	stream.linear.gather [hbm4b:s22+s3], $0x50, $0x38;
	[tilespmem:$0x1E100] =	vst v63  }
0x58: {  	_ = 	snop  }
0x59: {  	[tilespmem:s2], [sflag:$0x1] =	stream.indirect.gather [hbm4b:s16+s7], $0x80, s3, s7, $0xb8;
	[tilespmem:$0x1E100] =	vst v63  }
0x5a: {  	s23 =	rddreg [dreg:$0x15]  }
0x5b: {  	[tilespmem:s8], [sflag:$0x8] =	stream.linear.gather [hbm4b:s23+s3], $0x50, $0x38;
	[tilespmem:$0x1E100] =	vst v63  }
0x5c: {  	_ = 	snop  }
0x5d: {  	[tilespmem:s9], [sflag:$0x2] =	stream.indirect.gather [hbm4b:s16+s7], $0x80, s7, s7, $0xb8;
	[tilespmem:$0x1E100] =	vst v63  }
0x5e: {  	s25 =	rddreg [dreg:$0x16]  }
0x5f: {  	[tilespmem:s10], [sflag:$0x9] =	stream.linear.gather [hbm4b:s25+s3], $0x50, $0x38;
	[tilespmem:$0x1E100] =	vst v63  }
0x60: {  	s19 =	simm.s32 $0xA0  }
0x61: {  	[tilespmem:s11], [sflag:$0x3] =	stream.indirect.gather [hbm4b:s16+s7], $0x80, s19, s7, $0xb8;
	[tilespmem:$0x1E100] =	vst v63  }
0x62: {  	_ =	swait.ge [sflag:s12], $0x2800  }
0x63: {  	[sflag:s12] =	ssyncset.done $0x0  }
0x64: {  	[sflag:s12] =	ssyncadd.s32 $0xFFFFD800  }
0x65: {  	_ =	swait.ge [sflag:s17], $0x50  }
0x66: {  	[sflag:s17] =	ssyncset.done $0x0  }
0x67: {  	[sflag:s17] =	ssyncadd.s32 $0xFFFFFFB0  }
0x68: {  	[spmem:s1] =	stream.indirect.scatter.add.f32 [tilespmem:s2], [sflag:$0x4], $0x80, s6, s7, $0xb8;
	[tilespmem:$0x1E100] =	vst v63  }
0x69: {  	_ =	swait.ge [sflag:s26], $0x2800  }
0x6a: {  	[sflag:s26] =	ssyncset.done $0x0  }
0x6b: {  	[sflag:s26] =	ssyncadd.s32 $0xFFFFD800  }
0x6c: {  	_ =	swait.ge [sflag:s28], $0x50  }
0x6d: {  	[sflag:s28] =	ssyncset.done $0x0  }
0x6e: {  	[sflag:s28] =	ssyncadd.s32 $0xFFFFFFB0  }
0x6f: {  	[spmem:s1] =	stream.indirect.scatter.add.f32 [tilespmem:s9], [sflag:$0x5], $0x80, s8, s7, $0xb8;
	[tilespmem:$0x1E100] =	vst v63  }
0x70: {  	_ =	swait.ge [sflag:s29], $0x2800  }
0x71: {  	[sflag:s29] =	ssyncset.done $0x0  }
0x72: {  	s20 =	sadd.s32 $0x0, s15;
	[sflag:s29] =	ssyncadd.s32 $0xFFFFD800  }
0x73: {  	[tilespmem:s6], [sflag:$0x7] =	stream.linear.gather [hbm4b:s20+s3], $0x50, $0x38;
	[tilespmem:$0x1E100] =	vst v63  }
0x74: {  	s21 =	simm.s32 $0xF0  }
0x75: {  	[tilespmem:s2], [sflag:$0x1] =	stream.indirect.gather [hbm4b:s16+s7], $0x80, s21, s7, $0xb8;
	[tilespmem:$0x1E100] =	vst v63  }
0x76: {  	_ =	swait.ge [sflag:s30], $0x2800  }
0x77: {  	[sflag:s30] =	ssyncset.done $0x0  }
0x78: {  	[sflag:s30] =	ssyncadd.s32 $0xFFFFD800  }
0x79: {  	_ =	swait.ge [sflag:s4], $0x50  }
0x7a: {  	[sflag:s4] =	ssyncset.done $0x0  }
0x7b: {  	[sflag:s4] =	ssyncadd.s32 $0xFFFFFFB0  }
0x7c: {  	[spmem:s1] =	stream.indirect.scatter.add.f32 [tilespmem:s11], [sflag:$0x6], $0x80, s10, s7, $0xb8;
	[tilespmem:$0x1E100] =	vst v63  }
0x7d: {  	_ =	swait.ge [sflag:s31], $0x2800  }
0x7e: {  	[sflag:s31] =	ssyncset.done $0x0  }
0x7f: {  	s22 =	sadd.s32 $0x0, s14;
	[sflag:s31] =	ssyncadd.s32 $0xFFFFD800  }
0x80: {  	[tilespmem:s8], [sflag:$0x8] =	stream.linear.gather [hbm4b:s22+s3], $0x50, $0x38;
	[tilespmem:$0x1E100] =	vst v63  }
0x81: {  	s23 =	simm.s32 $0x140  }
0x82: {  	[tilespmem:s9], [sflag:$0x2] =	stream.indirect.gather [hbm4b:s16+s7], $0x80, s23, s7, $0xb8;
	[tilespmem:$0x1E100] =	vst v63  }
0x83: {  	_ =	swait.ge [sflag:s12], $0x2800  }
0x84: {  	[sflag:s12] =	ssyncset.done $0x0  }
0x85: {  	[sflag:s12] =	ssyncadd.s32 $0xFFFFD800  }
0x86: {  	_ =	swait.ge [sflag:s17], $0x50  }
0x87: {  	[sflag:s17] =	ssyncset.done $0x0  }
0x88: {  	[sflag:s17] =	ssyncadd.s32 $0xFFFFFFB0  }
0x89: {  	[spmem:s1] =	stream.indirect.scatter.add.f32 [tilespmem:s2], [sflag:$0x4], $0x80, s6, s7, $0xb8;
	[tilespmem:$0x1E100] =	vst v63  }
0x8a: {  	_ =	swait.ge [sflag:s0], $0x2800  }
0x8b: {  	s25 =	sadd.s32 $0x0, s13;
	s19 =	simm.s32 $0x190;
	[sflag:s0] =	ssyncset.done $0x0  }
0x8c: {  	s20 =	simm.s32 $0x1E;
	s21 =	simm.s32 $0x280;
	[sflag:s0] =	ssyncadd.s32 $0xFFFFD800  }
0x8d: {  	[tilespmem:s10], [sflag:$0x9] =	stream.linear.gather [hbm4b:s25+s3], $0x50, $0x38;
	[tilespmem:$0x1E100] =	vst v63  }
.LBB2_2:
0x8e: {  	[tilespmem:s11], [sflag:$0x3] =	stream.indirect.gather [hbm4b:s16+s7], $0x80, s19, s7, $0xb8;
	[tilespmem:$0x1E100] =	vst v63  }
0x8f: {  	s22 =	smov.u32 s20;
	s19 =	smov.u32 s21  }
0x90: {  	p0 =	sne.s32 s20, $0x492;
	s20 =	sadd.s32 $0x1E, s20;
	_ =	swait.ge [sflag:s26], $0x2800  }
0x91: {  	[sflag:s26] =	ssyncset.done $0x0  }
0x92: {  	[sflag:s26] =	ssyncadd.s32 $0xFFFFD800  }
0x93: {  	_ =	swait.ge [sflag:s28], $0x50  }
0x94: {  	[sflag:s28] =	ssyncset.done $0x0  }
0x95: {  	[sflag:s28] =	ssyncadd.s32 $0xFFFFFFB0  }
0x96: {  	[spmem:s1] =	stream.indirect.scatter.add.f32 [tilespmem:s9], [sflag:$0x5], $0x80, s8, s7, $0xb8;
	[tilespmem:$0x1E100] =	vst v63  }
0x97: {  	_ =	swait.ge [sflag:s29], $0x2800  }
0x98: {  	[sflag:s29] =	ssyncset.done $0x0  }
0x99: {  	s23 =	sadd.s32 s22, s15;
	[sflag:s29] =	ssyncadd.s32 $0xFFFFD800  }
0x9a: {  	[tilespmem:s6], [sflag:$0x7] =	stream.linear.gather [hbm4b:s23+s3], $0x50, $0x38;
	[tilespmem:$0x1E100] =	vst v63  }
0x9b: {  	s23 =	sadd.s32 $0xFFFFFF60, s21  }
0x9c: {  	[tilespmem:s2], [sflag:$0x1] =	stream.indirect.gather [hbm4b:s16+s7], $0x80, s23, s7, $0xb8;
	[tilespmem:$0x1E100] =	vst v63  }
0x9d: {  	_ =	swait.ge [sflag:s30], $0x2800  }
0x9e: {  	[sflag:s30] =	ssyncset.done $0x0  }
0x9f: {  	[sflag:s30] =	ssyncadd.s32 $0xFFFFD800  }
0xa0: {  	_ =	swait.ge [sflag:s4], $0x50  }
0xa1: {  	[sflag:s4] =	ssyncset.done $0x0  }
0xa2: {  	[sflag:s4] =	ssyncadd.s32 $0xFFFFFFB0  }
0xa3: {  	[spmem:s1] =	stream.indirect.scatter.add.f32 [tilespmem:s11], [sflag:$0x6], $0x80, s10, s7, $0xb8;
	[tilespmem:$0x1E100] =	vst v63  }
0xa4: {  	_ =	swait.ge [sflag:s31], $0x2800  }
0xa5: {  	[sflag:s31] =	ssyncset.done $0x0  }
0xa6: {  	s23 =	sadd.s32 s22, s14;
	[sflag:s31] =	ssyncadd.s32 $0xFFFFD800  }
0xa7: {  	[tilespmem:s8], [sflag:$0x8] =	stream.linear.gather [hbm4b:s23+s3], $0x50, $0x38;
	[tilespmem:$0x1E100] =	vst v63  }
0xa8: {  	s23 =	sadd.s32 $0xFFFFFFB0, s21  }
0xa9: {  	[tilespmem:s9], [sflag:$0x2] =	stream.indirect.gather [hbm4b:s16+s7], $0x80, s23, s7, $0xb8;
	[tilespmem:$0x1E100] =	vst v63  }
0xaa: {  	_ =	swait.ge [sflag:s12], $0x2800  }
0xab: {  	[sflag:s12] =	ssyncset.done $0x0  }
0xac: {  	[sflag:s12] =	ssyncadd.s32 $0xFFFFD800  }
0xad: {  	_ =	swait.ge [sflag:s17], $0x50  }
0xae: {  	[sflag:s17] =	ssyncset.done $0x0  }
0xaf: {  	[sflag:s17] =	ssyncadd.s32 $0xFFFFFFB0  }
0xb0: {  	[spmem:s1] =	stream.indirect.scatter.add.f32 [tilespmem:s2], [sflag:$0x4], $0x80, s6, s7, $0xb8;
	[tilespmem:$0x1E100] =	vst v63  }
.Ltmp0:
0xb1: {  	_ =	swait.ge [sflag:s0], $0x2800;
	(pc) =	sbr.rel @p0 .LBB2_2-.Ltmp0, $4  }
0xb2: {  	[sflag:s0] =	ssyncset.done $0x0  }
0xb3: {  	s22 =	sadd.s32 s22, s13;
	[sflag:s0] =	ssyncadd.s32 $0xFFFFD800  }
0xb4: {  	[tilespmem:s10], [sflag:$0x9] =	stream.linear.gather [hbm4b:s22+s3], $0x50, $0x38;
	[tilespmem:$0x1E100] =	vst v63  }
0xb5: {  	s21 =	sadd.s32 $0xF0, s21  }
0xb6: {  	[tilespmem:s11], [sflag:$0x3] =	stream.indirect.gather [hbm4b:s16+s7], $0x80, s19, s7, $0xb8;
	[tilespmem:$0x1E100] =	vst v63  }
0xb7: {  	_ =	swait.ge [sflag:s26], $0x2800  }
0xb8: {  	[sflag:s26] =	ssyncset.done $0x0  }
0xb9: {  	[sflag:s26] =	ssyncadd.s32 $0xFFFFD800  }
0xba: {  	_ =	swait.ge [sflag:s28], $0x50  }
0xbb: {  	[sflag:s28] =	ssyncset.done $0x0  }
0xbc: {  	[sflag:s28] =	ssyncadd.s32 $0xFFFFFFB0  }
0xbd: {  	[spmem:s1] =	stream.indirect.scatter.add.f32 [tilespmem:s9], [sflag:$0x5], $0x80, s8, s7, $0xb8;
	[tilespmem:$0x1E100] =	vst v63  }
0xbe: {  	_ =	swait.ge [sflag:s29], $0x2800  }
0xbf: {  	[sflag:s29] =	ssyncset.done $0x0  }
0xc0: {  	s18 =	rddreg [dreg:$0x17];
	[sflag:s29] =	ssyncadd.s32 $0xFFFFD800  }
0xc1: {  	[tilespmem:s6], [sflag:$0x7] =	stream.linear.gather [hbm4b:s18+s3], $0x50, $0x38;
	[tilespmem:$0x1E100] =	vst v63  }
0xc2: {  	s25 =	simm.s32 $0x2670  }
0xc3: {  	[tilespmem:s2], [sflag:$0x1] =	stream.indirect.gather [hbm4b:s16+s7], $0x80, s25, s7, $0xb8;
	[tilespmem:$0x1E100] =	vst v63  }
0xc4: {  	_ =	swait.ge [sflag:s30], $0x2800  }
0xc5: {  	[sflag:s30] =	ssyncset.done $0x0  }
0xc6: {  	[sflag:s30] =	ssyncadd.s32 $0xFFFFD800  }
0xc7: {  	_ =	swait.ge [sflag:s4], $0x50  }
0xc8: {  	[sflag:s4] =	ssyncset.done $0x0  }
0xc9: {  	[sflag:s4] =	ssyncadd.s32 $0xFFFFFFB0  }
0xca: {  	[spmem:s1] =	stream.indirect.scatter.add.f32 [tilespmem:s11], [sflag:$0x6], $0x80, s10, s7, $0xb8;
	[tilespmem:$0x1E100] =	vst v63  }
0xcb: {  	_ =	swait.ge [sflag:s31], $0x2800  }
0xcc: {  	[sflag:s31] =	ssyncset.done $0x0  }
0xcd: {  	s19 =	rddreg [dreg:$0x18];
	[sflag:s31] =	ssyncadd.s32 $0xFFFFD800  }
0xce: {  	[tilespmem:s8], [sflag:$0x8] =	stream.linear.gather [hbm4b:s19+s3], $0x50, $0x38;
	[tilespmem:$0x1E100] =	vst v63  }
0xcf: {  	s20 =	simm.s32 $0x26C0  }
0xd0: {  	[tilespmem:s9], [sflag:$0x2] =	stream.indirect.gather [hbm4b:s16+s7], $0x80, s20, s7, $0xb8;
	[tilespmem:$0x1E100] =	vst v63  }
0xd1: {  	_ =	swait.ge [sflag:s12], $0x2800  }
0xd2: {  	[sflag:s12] =	ssyncset.done $0x0  }
0xd3: {  	[sflag:s12] =	ssyncadd.s32 $0xFFFFD800  }
0xd4: {  	_ =	swait.ge [sflag:s17], $0x50  }
0xd5: {  	[sflag:s17] =	ssyncset.done $0x0  }
0xd6: {  	[sflag:s17] =	ssyncadd.s32 $0xFFFFFFB0  }
0xd7: {  	[spmem:s1] =	stream.indirect.scatter.add.f32 [tilespmem:s2], [sflag:$0x4], $0x80, s6, s7, $0xb8;
	[tilespmem:$0x1E100] =	vst v63  }
0xd8: {  	_ =	swait.ge [sflag:s0], $0x2800  }
0xd9: {  	[sflag:s0] =	ssyncset.done $0x0  }
0xda: {  	[sflag:s0] =	ssyncadd.s32 $0xFFFFD800  }
0xdb: {  	_ =	swait.ge [sflag:s26], $0x2800  }
0xdc: {  	[sflag:s26] =	ssyncset.done $0x0  }
0xdd: {  	[sflag:s26] =	ssyncadd.s32 $0xFFFFD800  }
0xde: {  	_ =	swait.ge [sflag:s28], $0x50  }
0xdf: {  	[sflag:s28] =	ssyncset.done $0x0  }
0xe0: {  	[sflag:s28] =	ssyncadd.s32 $0xFFFFFFB0  }
0xe1: {  	[spmem:s1] =	stream.indirect.scatter.add.f32 [tilespmem:s9], [sflag:$0x5], $0x80, s8, s7, $0xb8;
	[tilespmem:$0x1E100] =	vst v63  }
0xe2: {  	_ =	swait.ge [sflag:s29], $0x2800  }
0xe3: {  	[sflag:s29] =	ssyncset.done $0x0  }
0xe4: {  	[sflag:s29] =	ssyncadd.s32 $0xFFFFD800  }
0xe5: {  	_ =	swait.ge [sflag:s31], $0x2800  }
0xe6: {  	[sflag:s31] =	ssyncset.done $0x0  }
0xe7: {  	[sflag:s31] =	ssyncadd.s32 $0xFFFFD800  }
0xe8: {  	[bflag:$0x0] =	sbarrier.arrive $0xFFFF  }
0xe9: {  	[tilespmem:s2], [sflag:$0xA] =	stream.linear.gather [spmem:s24], $0x2800, $0x38;
	[tilespmem:$0x1E100] =	vst v63  }
0xea: {  	_ =	swait.ge [sflag:s5], $0x2800  }
0xeb: {  	[sflag:s5] =	ssyncset.done $0x0  }
0xec: {  	s21 =	rddreg [dreg:$0x4];
	[sflag:s5] =	ssyncadd.s32 $0xFFFFD800  }
0xed: {  	[hbm4b:s21+s3] =	stream.linear.scatter [tilespmem:s2], [sflag:$0xA], $0x2800, $0x38;
	[tilespmem:$0x1E100] =	vst v63  }
0xee: {  	_ =	swait.ge [sflag:s5], $0x2800  }
0xef: {  	[sflag:s5] =	ssyncset.done $0x0  }
0xf0: {  	s22 =	rddreg [dreg:$0x1a];
	[sflag:s5] =	ssyncadd.s32 $0xFFFFD800  }
0xf1: {  	[tilespmem:s2], [sflag:$0xA] =	stream.linear.gather [spmem:s22], $0x2800, $0x38;
	[tilespmem:$0x1E100] =	vst v63  }
0xf2: {  	_ =	swait.ge [sflag:s5], $0x2800  }
0xf3: {  	[sflag:s5] =	ssyncset.done $0x0  }
0xf4: {  	s23 =	rddreg [dreg:$0x5];
	[sflag:s5] =	ssyncadd.s32 $0xFFFFD800  }
0xf5: {  	[hbm4b:s23+s3] =	stream.linear.scatter [tilespmem:s2], [sflag:$0xA], $0x2800, $0x38;
	[tilespmem:$0x1E100] =	vst v63  }
0xf6: {  	_ =	swait.ge [sflag:s5], $0x2800  }
0xf7: {  	[sflag:s5] =	ssyncset.done $0x0  }
0xf8: {  	s23 =	rddreg [dreg:$0xd];
	[sflag:s5] =	ssyncadd.s32 $0xFFFFD800  }
0xf9: {  	[tilespmem:s2], [sflag:$0xA] =	stream.linear.gather [spmem:s23], $0x2800, $0x38;
	[tilespmem:$0x1E100] =	vst v63  }
0xfa: {  	_ =	swait.ge [sflag:s5], $0x2800  }
0xfb: {  	[sflag:s5] =	ssyncset.done $0x0  }
0xfc: {  	s24 =	rddreg [dreg:$0x6];
	[sflag:s5] =	ssyncadd.s32 $0xFFFFD800  }
0xfd: {  	[hbm4b:s24+s3] =	stream.linear.scatter [tilespmem:s2], [sflag:$0xA], $0x2800, $0x38;
	[tilespmem:$0x1E100] =	vst v63  }
0xfe: {  	_ =	swait.ge [sflag:s5], $0x2800  }
0xff: {  	[sflag:s5] =	ssyncset.done $0x0  }
0x100: {  	s20 =	rddreg [dreg:$0xe];
	[sflag:s5] =	ssyncadd.s32 $0xFFFFD800  }
0x101: {  	[tilespmem:s2], [sflag:$0xA] =	stream.linear.gather [spmem:s20], $0x2800, $0x38;
	[tilespmem:$0x1E100] =	vst v63  }
0x102: {  	_ =	swait.ge [sflag:s5], $0x2800  }
0x103: {  	[sflag:s5] =	ssyncset.done $0x0  }
0x104: {  	s25 =	rddreg [dreg:$0x7];
	[sflag:s5] =	ssyncadd.s32 $0xFFFFD800  }
0x105: {  	[hbm4b:s25+s3] =	stream.linear.scatter [tilespmem:s2], [sflag:$0xA], $0x2800, $0x38;
	[tilespmem:$0x1E100] =	vst v63  }
0x106: {  	_ =	swait.ge [sflag:s5], $0x2800  }
0x107: {  	[sflag:s5] =	ssyncset.done $0x0  }
0x108: {  	s24 =	rddreg [dreg:$0xf];
	[sflag:s5] =	ssyncadd.s32 $0xFFFFD800  }
0x109: {  	[tilespmem:s2], [sflag:$0xA] =	stream.linear.gather [spmem:s24], $0x2800, $0x38;
	[tilespmem:$0x1E100] =	vst v63  }
0x10a: {  	_ =	swait.ge [sflag:s5], $0x2800  }
0x10b: {  	[sflag:s5] =	ssyncset.done $0x0  }
0x10c: {  	s18 =	rddreg [dreg:$0x8];
	[sflag:s5] =	ssyncadd.s32 $0xFFFFD800  }
0x10d: {  	[hbm4b:s18+s3] =	stream.linear.scatter [tilespmem:s2], [sflag:$0xA], $0x2800, $0x38;
	[tilespmem:$0x1E100] =	vst v63  }
0x10e: {  	_ =	swait.ge [sflag:s5], $0x2800  }
0x10f: {  	[sflag:s5] =	ssyncset.done $0x0  }
0x110: {  	s25 =	rddreg [dreg:$0x10];
	[sflag:s5] =	ssyncadd.s32 $0xFFFFD800  }
0x111: {  	[tilespmem:s2], [sflag:$0xA] =	stream.linear.gather [spmem:s25], $0x2800, $0x38;
	[tilespmem:$0x1E100] =	vst v63  }
0x112: {  	_ =	swait.ge [sflag:s5], $0x2800  }
0x113: {  	[sflag:s5] =	ssyncset.done $0x0  }
0x114: {  	s21 =	rddreg [dreg:$0x9];
	[sflag:s5] =	ssyncadd.s32 $0xFFFFD800  }
0x115: {  	[hbm4b:s21+s3] =	stream.linear.scatter [tilespmem:s2], [sflag:$0xA], $0x2800, $0x38;
	[tilespmem:$0x1E100] =	vst v63  }
0x116: {  	_ =	swait.ge [sflag:s5], $0x2800  }
0x117: {  	[sflag:s5] =	ssyncset.done $0x0  }
0x118: {  	s18 =	rddreg [dreg:$0x11];
	[sflag:s5] =	ssyncadd.s32 $0xFFFFD800  }
0x119: {  	[tilespmem:s2], [sflag:$0xA] =	stream.linear.gather [spmem:s18], $0x2800, $0x38;
	[tilespmem:$0x1E100] =	vst v63  }
0x11a: {  	_ =	swait.ge [sflag:s5], $0x2800  }
0x11b: {  	[sflag:s5] =	ssyncset.done $0x0  }
0x11c: {  	s22 =	rddreg [dreg:$0xa];
	[sflag:s5] =	ssyncadd.s32 $0xFFFFD800  }
0x11d: {  	[hbm4b:s22+s3] =	stream.linear.scatter [tilespmem:s2], [sflag:$0xA], $0x2800, $0x38;
	[tilespmem:$0x1E100] =	vst v63  }
0x11e: {  	_ =	swait.ge [sflag:s5], $0x2800  }
0x11f: {  	[sflag:s5] =	ssyncset.done $0x0  }
0x120: {  	s22 =	rddreg [dreg:$0x12];
	[sflag:s5] =	ssyncadd.s32 $0xFFFFD800  }
0x121: {  	[tilespmem:s2], [sflag:$0xA] =	stream.linear.gather [spmem:s22], $0x2800, $0x38;
	[tilespmem:$0x1E100] =	vst v63  }
0x122: {  	_ =	swait.ge [sflag:s5], $0x2800  }
0x123: {  	[sflag:s5] =	ssyncset.done $0x0  }
0x124: {  	s21 =	rddreg [dreg:$0xb];
	[sflag:s5] =	ssyncadd.s32 $0xFFFFD800  }
0x125: {  	[hbm4b:s21+s3] =	stream.linear.scatter [tilespmem:s2], [sflag:$0xA], $0x2800, $0x38;
	[tilespmem:$0x1E100] =	vst v63  }
0x126: {  	_ =	swait.ge [sflag:s5], $0x2800  }
0x127: {  	s21 =	rddreg [dreg:$0x19]  }
0x128: {  	s19 =	rddreg [dreg:$0x13];
	s21 =	sadd.s32 $0x1, s21  }
0x129: {  	p0 =	sne.s32 s21, s19  }
.Ltmp1:
0x12a: {  	_ = 	snop;
	(pc) =	sbr.rel @p0 .LBB2_1-.Ltmp1, $3  }
0x12b: {  	_ =	sdelay $0x1  }
0x12c: {  	[sflag:s5] =	ssyncset.done $0x0;
	[dreg:$0x19] =	wrdreg s21  }
0x12d: {  	[sflag:s5] =	ssyncadd.s32 $0xFFFFD800;
	s21 =	rddreg [dreg:$0x1b]  }
0x12e: {  	_ =	sfence.sel $0x180000  }
0x12f: {  	[bflag:$0x0] =	sbarrier.arrive $0xFFFF  }
0x130: {  	_ =	strace $0x9000004A  }
0x131: {  	s0 =	stileid.u32;
	[bflag:$0x2] =	sbarrier.arrive $0xFFFF  }
0x132: {  	p0 =	sne.s32 s0, $0x0;
	s0 =	rddreg [dreg:$0x2]  }
0x133: {  	s0 =	sadd.s32 @!p0 $0x100000, s0  }
0x134: {  	[sflag:s0] =	ssyncadd.tile.s32 @!p0 $0x1;
	_ =	shalt  }
.Lfunc_end2:
_tile_overlayer_lowered:
.L_overlay_start_2:
0x135: {  	(tag) =	ssettag $0x2  }
0x136: {  	s0 =	rddreg [dreg:$0x0];
	s2 =	stileid.u32  }
0x137: {  	s1 =	rddreg [dreg:$0x1];
	p0 =	sne.s32 s2, $0x0  }
0x138: {  	s3 =	rddreg [dreg:$0x2];
	[bflag:$0x3] =	sbarrier.arrive $0xFFFF;
	s2 =	simm.s32 @!p0 $0x1C0A  }
0x139: {  	[timem:s3], [sflag:s2] =	dma.local @!p0 [hbm:s0], s1  }
0x13a: {  	s0 =	simm.s32 @!p0 $0xA  }
0x13b: {  	_ =	swait.ge @!p0 [sflag:s0], s1  }
0x13c: {  	s1 =	ssub.s32 @!p0 $0x0, s1;
	[sflag:s0] =	ssyncset.done @!p0 $0x0  }
0x13d: {  	[sflag:s0] =	ssyncadd.s32 @!p0 s1  }
0x13e: {  	[bflag:$0x3] =	sbarrier.arrive $0xFFFF  }
0x13f: {  	_ =	shalt  }

// kernel: kernel.14.cloned.1.call-start
scs
__scs_entry_jumppad:
0x0: {  	(pc) =	sbr.rel $0x88, $3  }
0x1: {  	(tag) =	ssettag $0x0;
	lr =	simm.s32 $0x1  }
0x2: {  	[smem:$0x3F98] =	sst lr;
	_ =	strace $0xD0000000  }
0x3: {  	_ = 	snop  }
0x4: {  	_ = 	snop  }
0x5: {  	_ = 	snop  }
0x6: {  	_ = 	snop  }
0x7: {  	_ = 	snop  }
__scs_overlays_trampoline_lowered:
0x8: {  	[smem:$0x3FA7] =	sst s0  }
0x9: {  	[smem:$0x3FA8] =	sst s1  }
0xa: {  	[smem:$0x3FA9] =	sst s2  }
0xb: {  	[smem:$0x3FAA] =	sst s3  }
0xc: {  	[smem:$0x3FAB] =	sst s4  }
0xd: {  	[smem:$0x3FAC] =	sst s5  }
0xe: {  	[smem:$0x3FAD] =	sst s6  }
0xf: {  	[smem:$0x3FAE] =	sst s7  }
0x10: {  	[smem:$0x3FAF] =	sst s8  }
0x11: {  	[smem:$0x3FB0] =	sst s9;
	s0 =	simm.s32 @!p0 $0x0  }
0x12: {  	s1 =	sld [smem:$0x3F96];
	s0 =	simm.s32 @p0 $0x1  }
0x13: {  	[smem:$0x3FB1] =	sst s0;
	s0 =	simm.s32 @!p1 $0x0  }
0x14: {  	s2 =	sld [smem:$0x3F95];
	s0 =	simm.s32 @p1 $0x1  }
0x15: {  	[smem:$0x3FB2] =	sst s0;
	s0 =	simm.s32 @!p2 $0x0  }
0x16: {  	s3 =	sld [smem:$0x3FDB];
	s0 =	simm.s32 @p2 $0x1  }
0x17: {  	s4 =	simm.s32 $0x1BF5;
	[smem:$0x3FB4] =	sst s0  }
0x18: {  	s0 =	sld [smem:$0x3F97];
	_ =	swait.ge [sflag:s4], $0x0  }
0x19: {  	s7 =	sld [smem:$0x3F98]  }
0x1a: {  	s8 =	sadd.s32 $0xFFFFE003, lr  }
0x1b: {  	s9 =	sadd.s32 $0xFFFFFEF7, lr;
	s5 =	simm.s32 $0xFFFFFFFF;
	p2 =	slt.u32 s8, $0xFFFFF086  }
0x1c: {  	p1 =	slt.u32 s9, $0xF7A;
	s5 =	simm.s32 @!p2 $0x0  }
0x1d: {  	s5 =	simm.s32 @p1 $0x1;
	p0 =	seq.s32 s7, s2  }
0x1e: {  	s7 =	smul.u32 @!p0 $0xF7A, s2;
	p2 =	seq.s32 @!p0 s5, $0x0  }
0x1f: {  	s9 =	smul.u32 $0xF7A, s1;
	s8 =	simm.s32 @!p0 $0x1BF5;
	p2 =	por !p2, p0  }
0x20: {  	[sflag:s8] =	ssyncset.s32 @!p0 $0xFFFFF086;
	s6 =	sadd.s32 @!p0 s3, s7;
	s7 =	simm.s32 @!p0 $0x108  }
0x21: {  	s3 =	sadd.s32 s3, s9;
	s6 =	sadd.s32 @!p0 $0x88, s6;
	s7 =	simm.s32 @p2 $0x1082  }
0x22: {  	[simem:s7], [sflag:s8] =	dma.local @!p0 [hbm:s6], $0xF7A  }
0x23: {  	s9 =	sor.u32 $0xD0000000, s2;
	s6 =	simm.s32 $0x108;
	_ =	swait.ge @!p0 [sflag:s8], $0x0  }
0x24: {  	s3 =	sadd.s32 $0x88, s3;
	s6 =	simm.s32 @!p1 $0x1082;
	[sflag:s4] =	ssyncset.s32 $0xFFFFF086  }
0x25: {  	[simem:s6], [sflag:s4] =	dma.local [hbm:s3], $0xF7A  }
0x26: {  	[smem:$0x3F98] =	sst s1;
	(tag) =	ssettag s2;
	_ =	strace s9  }
0x27: {  	s1 =	sld [smem:$0x3FA8]  }
0x28: {  	s2 =	sld [smem:$0x3FA9]  }
0x29: {  	s4 =	sld [smem:$0x3FAB]  }
0x2a: {  	p0 =	seq.s32 s5, $0x0;
	s5 =	sld [smem:$0x3FAC]  }
0x2b: {  	s6 =	sld [smem:$0x3FAD]  }
0x2c: {  	s7 =	sld [smem:$0x3FAE]  }
0x2d: {  	s3 =	simm.s32 $0x108;
	s8 =	sld [smem:$0x3FAF]  }
0x2e: {  	s3 =	simm.s32 @!p0 $0x1082;
	s9 =	sld [smem:$0x3FB0]  }
0x2f: {  	lr =	sadd.s32 s0, s3;
	s0 =	sld [smem:$0x3FA7]  }
0x30: {  	s3 =	sld [smem:$0x3FAA]  }
0x31: {  	[smem:$0x3FB3] =	sst s10  }
0x32: {  	s10 =	sld [smem:$0x3FB1];
	_ =	sdelay $0x3  }
0x33: {  	p0 =	seq.s32 s10, $0x1;
	s10 =	sld [smem:$0x3FB3];
	_ =	sdelay $0x3  }
0x34: {  	[smem:$0x3FB3] =	sst s10  }
0x35: {  	s10 =	sld [smem:$0x3FB2];
	_ =	sdelay $0x3  }
0x36: {  	p1 =	seq.s32 s10, $0x1;
	s10 =	sld [smem:$0x3FB3];
	_ =	sdelay $0x3  }
0x37: {  	[smem:$0x3FB3] =	sst s10  }
0x38: {  	s10 =	sld [smem:$0x3FB4]  }
0x39: {  	_ = 	snop;
	(pc) =	sbr.ind lr, $3  }
0x3a: {  	_ = 	snop  }
0x3b: {  	_ = 	snop  }
0x3c: {  	p2 =	seq.s32 s10, $0x1;
	s10 =	sld [smem:$0x3FB3]  }
0x3d: {  	_ =	shalt  }
0x3e: {  	_ =	shalt  }
0x3f: {  	_ =	shalt  }
0x40: {  	_ =	shalt  }
0x41: {  	_ =	shalt  }
0x42: {  	_ =	shalt  }
0x43: {  	_ =	shalt  }
0x44: {  	_ =	shalt  }
0x45: {  	_ =	shalt  }
0x46: {  	_ =	shalt  }
0x47: {  	_ =	shalt  }
0x48: {  	_ =	shalt  }
0x49: {  	_ =	shalt  }
0x4a: {  	_ =	shalt  }
0x4b: {  	_ =	shalt  }
0x4c: {  	_ =	shalt  }
0x4d: {  	_ =	shalt  }
0x4e: {  	_ =	shalt  }
0x4f: {  	_ =	shalt  }
0x50: {  	_ =	shalt  }
0x51: {  	_ =	shalt  }
0x52: {  	_ =	shalt  }
0x53: {  	_ =	shalt  }
0x54: {  	_ =	shalt  }
0x55: {  	_ =	shalt  }
0x56: {  	_ =	shalt  }
0x57: {  	_ =	shalt  }
0x58: {  	_ =	shalt  }
0x59: {  	_ =	shalt  }
0x5a: {  	_ =	shalt  }
0x5b: {  	_ =	shalt  }
0x5c: {  	_ =	shalt  }
0x5d: {  	_ =	shalt  }
0x5e: {  	_ =	shalt  }
0x5f: {  	_ =	shalt  }
0x60: {  	_ =	shalt  }
0x61: {  	_ =	shalt  }
0x62: {  	_ =	shalt  }
0x63: {  	_ =	shalt  }
0x64: {  	_ =	shalt  }
0x65: {  	_ =	shalt  }
0x66: {  	_ =	shalt  }
0x67: {  	_ =	shalt  }
0x68: {  	_ =	shalt  }
0x69: {  	_ =	shalt  }
0x6a: {  	_ =	shalt  }
0x6b: {  	_ =	shalt  }
0x6c: {  	_ =	shalt  }
0x6d: {  	_ =	shalt  }
0x6e: {  	_ =	shalt  }
0x6f: {  	_ =	shalt  }
0x70: {  	_ =	shalt  }
0x71: {  	_ =	shalt  }
0x72: {  	_ =	shalt  }
0x73: {  	_ =	shalt  }
0x74: {  	_ =	shalt  }
0x75: {  	_ =	shalt  }
0x76: {  	_ =	shalt  }
0x77: {  	_ =	shalt  }
0x78: {  	_ =	shalt  }
0x79: {  	_ =	shalt  }
0x7a: {  	_ =	shalt  }
0x7b: {  	_ =	shalt  }
0x7c: {  	_ =	shalt  }
0x7d: {  	_ =	shalt  }
0x7e: {  	_ =	shalt  }
0x7f: {  	_ =	shalt  }
0x80: {  	_ =	shalt  }
0x81: {  	_ =	shalt  }
0x82: {  	_ =	shalt  }
0x83: {  	_ =	shalt  }
0x84: {  	_ =	shalt  }
0x85: {  	_ =	shalt  }
0x86: {  	_ =	shalt  }
0x87: {  	_ =	shalt  }
.Lfunc_end0:
.L_simem_size_0:
called_computation.2_lowered:
.L_overlay_start_0:
0x88: {  	s2 =	sld [smem:$0x3FD9]  }
0x89: {  	s3 =	sld [smem:$0x3FFE];
	_ =	sdelay $0x1  }
0x8a: {  	s1 =	srdreg.scid  }
0x8b: {  	s0 =	sand.u32 $0x1, s1  }
0x8c: {  	s16 =	sshll.u32 s0, $0xA;
	s2 =	sadd.s32 s3, s2  }
0x8d: {  	s2 =	sadd.s32 s2, s16  }
0x8e: {  	[smem:$0x3FBF] =	sst s2  }
0x8f: {  	_ = 	snop  }
0x90: {  	(tm) =	ssettm $0x1  }
0x91: {  	s17 =	sld [smem:$0x3FFB];
	_ =	sdelay $0x3  }
0x92: {  	_ =	strace s17  }
0x93: {  	s2 =	sld [smem:$0x3FFC];
	_ =	sdelay $0x3  }
0x94: {  	_ =	strace s2  }
0x95: {  	s2 =	sld [smem:$0x3FFD];
	_ =	sdelay $0x3  }
0x96: {  	_ =	strace s2  }
0x97: {  	_ =	strace $0x8FFFFFFF  }
0x98: {  	s18 =	sld [smem:$0x3FDB];
	_ =	sdelay $0x1  }
0x99: {  	s19 =	simm.s32 $_scs_section_size  }
0x9a: {  	s4 =	simm.s32 $_size__tile_overlayer_lowered;
	s5 =	simm.s32 $_tile_overlayer_lowered  }
0x9b: {  	s22 =	simm.s32 $0x1BFF;
	s21 =	sshll.u32 s5, $0x1;
	s2 =	sadd.s32 s19, s18  }
0x9c: {  	s6 =	simm.s32 $0x0;
	s20 =	sshll.u32 s4, $0x1;
	s4 =	sadd.s32 s21, s2  }
0x9d: {  	[timem:s6], [sflag:s22] =	dma.local [hbm:s4], s20  }
0x9e: {  	_ =	swait.ge [sflag:s22], s20  }
0x9f: {  	s3 =	ssub.s32 $0x0, s20;
	[sflag:s22] =	ssyncset.done $0x0  }
0xa0: {  	[sflag:s22] =	ssyncadd.s32 s3;
	_ =	sdelay $0x1  }
0xa1: {  	s23 =	simm.s32 $0x1B8B  }
0xa2: {  	_ =	swait.ge [sflag:s23], $0x1  }
0xa3: {  	[sflag:s23] =	ssyncset.done $0x0  }
0xa4: {  	s25 =	simm.s32 $0x1B8E;
	s24 =	sld [smem:$0x3FFE];
	[sflag:s23] =	ssyncadd.s32 $0xFFFFFFFF  }
0xa5: {  	s26 =	simm.s32 $execute0_lowered;
	[smem:$0x3FD2] =	sst s25  }
0xa6: {  	s4 =	sshll.u32 s26, $0x1;
	_ =	strace $0x8000004C;
	[dreg:$0x1] =	wrdreg $0xFFFFFFFF  }
0xa7: {  	s28 =	simm.s32 $_size_execute0_lowered;
	s2 =	sadd.s32 s2, s4;
	[dreg:$0x0] =	wrdreg $0x0  }
0xa8: {  	s4 =	sshll.u32 s28, $0x1;
	[dreg:$0x2] =	wrdreg s2  }
0xa9: {  	[dreg:$0x3] =	wrdreg s4  }
0xaa: {  	[dreg:$0x4] =	wrdreg $0xC0  }
0xab: {  	_ =	task [dreg:s6], $0x5FFFF  }
0xac: {  	[dreg:$0x1] =	wrdreg $0xFFFFFFFF  }
0xad: {  	[dreg:$0x0] =	wrdreg $0x60  }
0xae: {  	[dreg:$0x2] =	wrdreg s24  }
0xaf: {  	[dreg:$0x3] =	wrdreg $0x27800  }
0xb0: {  	[dreg:$0x4] =	wrdreg $0x9  }
0xb1: {  	_ =	task.clear_ibuf [dreg:s6], $0x5FFFF;
	_ =	strace $0x9000004C  }
0xb2: {  	s29 =	simm.s32 $0x9;
	_ =	strace $0x8000004E  }
0xb3: {  	_ =	swait.ge [sflag:s29], $0x1  }
0xb4: {  	[sflag:s29] =	ssyncadd.s32 $0xFFFFFFFF  }
0xb5: {  	_ =	strace $0x9000004E  }
0xb6: {  	_ =	sfence  }
0xb7: {  	s30 =	sld [smem:$0x0];
	_ =	sdelay $0x2  }
0xb8: {  	s31 =	sshll.u32 s1, $0xD;
	s1 =	sshrl.u32 s1, $0x2  }
0xb9: {  	s3 =	sand.u32 $0x4000, s31;
	s1 =	sadd.s32 s1, s30  }
0xba: {  	s0 =	sor.u32 s3, s0;
	s1 =	sshll.u32 s1, $0x11  }
0xbb: {  	s0 =	sor.u32 s1, s0  }
0xbc: {  	s0 =	sadd.s32 $0x8F2B, s0  }
0xbd: {  	[sflag:s0] =	ssyncadd.remote.s32 $0x1  }
0xbe: {  	_ =	sfence.sel $0xFFFF  }
0xbf: {  	[dreg:$0x0] =	wrdreg $0xFFFFFFFF;
	(pc) =	sbr.abs _section_cstart, $3  }
0xc0: {  	[dreg:$0x1] =	wrdreg $0xFFFFFFFF  }
0xc1: {  	_ =	task.clear_ibuf [dreg:s6], $0x2FFFF;
	_ =	strace $0x9FFFFFFF  }
0xc2: {  	(tm) =	ssettm $0x7FFFFFFF  }
0xc3: {  	_ =	shalt  }
tec
execute0_lowered:
.L_overlay_start_1:
0x0: {  	(tag) =	ssettag $0x1  }
0x1: {  	s0 =	rddreg [dreg:$0x0]  }
0x2: {  	s1 =	rddreg [dreg:$0x1]  }
0x3: {  	s2 =	srdreg.scid;
	s3 =	simm.s32 $0x0;
	s16 =	stileid.u32  }
0x4: {  	s28 =	simm.s32 $0x8;
	s29 =	simm.s32 $0x4;
	s30 =	simm.s32 $0x3  }
0x5: {  	s31 =	simm.s32 $0x5;
	s4 =	sadd.s32 $0x3000, s0;
	s2 =	sand.u32 $0x1, s2  }
0x6: {  	s8 =	smul.u32 $0x14000, s16;
	s9 =	sadd.s32 $0x3F000, s0;
	[smem:$0x7FF] =	sst s3  }
0x7: {  	s5 =	ssub.s32 $0x2, s2;
	s6 =	sshll.u32 s2, $0x4;
	s11 =	smul.u32 $0x140000, s2  }
0x8: {  	s2 =	smul.u32 $0x27100, s2;
	s7 =	sshrl.u32 s5, $0x1;
	s6 =	sor.u32 s16, s6  }
0x9: {  	s10 =	sadd.s32 $0x5000, s8;
	s12 =	sadd.s32 $0x7800, s8;
	s17 =	sadd.s32 $0xA000, s8  }
0xa: {  	s18 =	sadd.s32 $0xC800, s8;
	s19 =	sadd.s32 $0xF000, s8;
	s5 =	ssub.s32 s5, s7  }
0xb: {  	s6 =	smul.u32 $0x2710, s6;
	s7 =	sor.u32 $0x2800, s8;
	s13 =	sadd.s32 s8, s11  }
0xc: {  	s8 =	sadd.s32 $0x11800, s8;
	s22 =	sadd.s32 s11, s10;
	s14 =	sadd.s32 s11, s12  }
0xd: {  	s25 =	sadd.s32 s11, s17;
	s26 =	sadd.s32 s11, s18;
	s15 =	sshrl.u32 s13, $0x3  }
0xe: {  	s21 =	sadd.s32 s11, s7;
	s13 =	sshrl.u32 s22, $0x3;
	s24 =	sshrl.u32 s14, $0x3  }
0xf: {  	s14 =	sshrl.u32 s26, $0x3;
	s26 =	smul.u32 $0x50000, s16;
	s7 =	sadd.s32 s7, s1  }
0x10: {  	s6 =	sshrl.u32 s6, $0x3;
	s23 =	sadd.s32 s9, s13;
	s13 =	sshrl.u32 s25, $0x3  }
0x11: {  	s14 =	sadd.s32 s9, s14;
	s20 =	sadd.s32 s4, s6;
	[dreg:$0x6] =	wrdreg s23  }
0x12: {  	s6 =	sadd.s32 s9, s15;
	s15 =	smul.u32 $0x2710, s16;
	[dreg:$0x9] =	wrdreg s14  }
0x13: {  	s13 =	sadd.s32 s9, s13;
	s16 =	sadd.s32 $0x16A00, s0;
	[dreg:$0x4] =	wrdreg s6  }
0x14: {  	s0 =	sadd.s32 $0x3EA00, s0;
	s6 =	sshrl.u32 s21, $0x3;
	[dreg:$0x8] =	wrdreg s13  }
0x15: {  	s21 =	sadd.s32 s11, s19;
	s11 =	sadd.s32 s11, s8;
	s6 =	sadd.s32 s9, s6  }
0x16: {  	s2 =	sadd.s32 s15, s2;
	s11 =	sshrl.u32 s11, $0x3;
	[dreg:$0x5] =	wrdreg s6  }
0x17: {  	s6 =	sadd.s32 s9, s24;
	s22 =	sadd.s32 $0x4E390, s2;
	s23 =	sadd.s32 s9, s11  }
0x18: {  	s25 =	sadd.s32 $0x4E340, s2;
	[dreg:$0x7] =	wrdreg s6;
	s6 =	sshrl.u32 s21, $0x3  }
0x19: {  	s2 =	sadd.s32 $0x4E2F0, s2;
	[dreg:$0xb] =	wrdreg s23;
	s6 =	sadd.s32 s9, s6  }
0x1a: {  	s11 =	sadd.s32 $0x9C40, s20;
	s24 =	sshrl.u32 s22, $0x3;
	[dreg:$0xa] =	wrdreg s6  }
0x1b: {  	s23 =	sadd.s32 s10, s1;
	_ =	strace $0x8000004D;
	[dreg:$0xc] =	wrdreg s0  }
0x1c: {  	s10 =	smax.u32 s5, $0x1;
	s13 =	sadd.s32 s24, s4;
	[dreg:$0x1a] =	wrdreg s7  }
0x1d: {  	s9 =	sadd.s32 s12, s1;
	s24 =	sadd.s32 s17, s1;
	[dreg:$0x13] =	wrdreg s10  }
0x1e: {  	s12 =	sadd.s32 $0x9C4A, s20;
	s17 =	sadd.s32 $0x9C54, s20;
	[dreg:$0x14] =	wrdreg s11  }
0x1f: {  	s6 =	sshrl.u32 s25, $0x3;
	s25 =	sadd.s32 s18, s1;
	[dreg:$0x15] =	wrdreg s12  }
0x20: {  	s18 =	sadd.s32 s19, s1;
	s19 =	sadd.s32 $0xA10E, s20;
	[dreg:$0x16] =	wrdreg s17  }
0x21: {  	s2 =	sshrl.u32 s2, $0x3;
	s22 =	sadd.s32 s8, s1;
	[dreg:$0x17] =	wrdreg s19  }
0x22: {  	s5 =	simm.s32 $0xA;
	s8 =	simm.s32 $0x1E000;
	[dreg:$0x3] =	wrdreg s20  }
0x23: {  	s15 =	sadd.s32 s2, s4;
	s2 =	simm.s32 $0x16780;
	[dreg:$0xd] =	wrdreg s23  }
0x24: {  	s14 =	sadd.s32 s6, s4;
	s6 =	sshrl.u32 s26, $0x2;
	[dreg:$0xf] =	wrdreg s24  }
0x25: {  	s26 =	sadd.s32 $0xA118, s20;
	s20 =	smov.u32 s9;
	[dreg:$0x10] =	wrdreg s25  }
0x26: {  	s7 =	simm.s32 $0x50;
	s9 =	simm.s32 $0x18F80;
	[dreg:$0x11] =	wrdreg s18  }
0x27: {  	s10 =	simm.s32 $0x1E080;
	s11 =	simm.s32 $0x1B780;
	[dreg:$0x12] =	wrdreg s22  }
0x28: {  	s12 =	simm.s32 $0x1;
	s19 =	simm.s32 $0x0;
	[dreg:$0x18] =	wrdreg s26  }
0x29: {  	s17 =	simm.s32 $0x7;
	s4 =	simm.s32 $0x9;
	[dreg:$0x19] =	wrdreg s19  }
0x2a: {  	s0 =	simm.s32 $0x6;
	s21 =	sadd.s32 s6, s1;
	[dreg:$0xe] =	wrdreg s20  }
0x2b: {  	s6 =	simm.s32 $0x1DF80;
	s26 =	simm.s32 $0x2;
	[dreg:$0x1b] =	wrdreg s21  }
.LBB2_1:
0x2c: {  	s19 =	rddreg [dreg:$0xc]  }
0x2d: {  	[tilespmem:s2], [sflag:$0xA] =	stream.linear.gather [hbm4b:s19+s3], $0x2800, $0x38;
	[tilespmem:$0x1E100] =	vst v63  }
0x2e: {  	_ =	swait.ge [sflag:s5], $0x2800  }
0x2f: {  	[sflag:s5] =	ssyncset.done $0x0  }
0x30: {  	[sflag:s5] =	ssyncadd.s32 $0xFFFFD800  }
0x31: {  	[spmem:s21] =	stream.linear.scatter [tilespmem:s2], [sflag:$0xA], $0x2800, $0x38;
	[tilespmem:$0x1E100] =	vst v63  }
0x32: {  	_ =	swait.ge [sflag:s5], $0x2800  }
0x33: {  	s19 =	smov.u32 s24;
	s24 =	smov.u32 s21;
	[sflag:s5] =	ssyncset.done $0x0  }
0x34: {  	s21 =	smov.u32 s25;
	s25 =	rddreg [dreg:$0x1a];
	[sflag:s5] =	ssyncadd.s32 $0xFFFFD800  }
0x35: {  	[spmem:s25] =	stream.linear.scatter [tilespmem:s2], [sflag:$0xA], $0x2800, $0x38;
	[tilespmem:$0x1E100] =	vst v63  }
0x36: {  	_ =	swait.ge [sflag:s5], $0x2800  }
0x37: {  	[sflag:s5] =	ssyncset.done $0x0  }
0x38: {  	[sflag:s5] =	ssyncadd.s32 $0xFFFFD800  }
0x39: {  	[spmem:s23] =	stream.linear.scatter [tilespmem:s2], [sflag:$0xA], $0x2800, $0x38;
	[tilespmem:$0x1E100] =	vst v63  }
0x3a: {  	_ =	swait.ge [sflag:s5], $0x2800  }
0x3b: {  	[sflag:s5] =	ssyncset.done $0x0  }
0x3c: {  	[sflag:s5] =	ssyncadd.s32 $0xFFFFD800  }
0x3d: {  	[spmem:s20] =	stream.linear.scatter [tilespmem:s2], [sflag:$0xA], $0x2800, $0x38;
	[tilespmem:$0x1E100] =	vst v63  }
0x3e: {  	_ =	swait.ge [sflag:s5], $0x2800  }
0x3f: {  	[sflag:s5] =	ssyncset.done $0x0  }
0x40: {  	[sflag:s5] =	ssyncadd.s32 $0xFFFFD800  }
0x41: {  	[spmem:s19] =	stream.linear.scatter [tilespmem:s2], [sflag:$0xA], $0x2800, $0x38;
	[tilespmem:$0x1E100] =	vst v63  }
0x42: {  	_ =	swait.ge [sflag:s5], $0x2800  }
0x43: {  	[sflag:s5] =	ssyncset.done $0x0  }
0x44: {  	[sflag:s5] =	ssyncadd.s32 $0xFFFFD800  }
0x45: {  	[spmem:s21] =	stream.linear.scatter [tilespmem:s2], [sflag:$0xA], $0x2800, $0x38;
	[tilespmem:$0x1E100] =	vst v63  }
0x46: {  	_ =	swait.ge [sflag:s5], $0x2800  }
0x47: {  	[sflag:s5] =	ssyncset.done $0x0  }
0x48: {  	[sflag:s5] =	ssyncadd.s32 $0xFFFFD800  }
0x49: {  	[spmem:s18] =	stream.linear.scatter [tilespmem:s2], [sflag:$0xA], $0x2800, $0x38;
	[tilespmem:$0x1E100] =	vst v63  }
0x4a: {  	_ =	swait.ge [sflag:s5], $0x2800  }
0x4b: {  	[sflag:s5] =	ssyncset.done $0x0  }
0x4c: {  	[sflag:s5] =	ssyncadd.s32 $0xFFFFD800  }
0x4d: {  	[spmem:s22] =	stream.linear.scatter [tilespmem:s2], [sflag:$0xA], $0x2800, $0x38;
	[tilespmem:$0x1E100] =	vst v63  }
0x4e: {  	_ =	swait.ge [sflag:s5], $0x2800  }
0x4f: {  	[sflag:s5] =	ssyncset.done $0x0  }
0x50: {  	s21 =	rddreg [dreg:$0x3];
	[sflag:s5] =	ssyncadd.s32 $0xFFFFD800  }
0x51: {  	[tilespmem:s3], [sflag:$0xA] =	stream.linear.gather [hbm4b:s21+s3], $0x2710, $0x38;
	[tilespmem:$0x1E100] =	vst v63  }
0x52: {  	_ =	swait.ge [sflag:s5], $0x2710  }
0x53: {  	[sflag:s5] =	ssyncset.done $0x0  }
0x54: {  	[sflag:s5] =	ssyncadd.s32 $0xFFFFD8F0  }
0x55: {  	[bflag:$0x0] =	sbarrier.arrive $0xFFFF  }
0x56: {  	s22 =	rddreg [dreg:$0x14]  }
0x57: {  	[tilespmem:s6], [sflag:$0x7] =	stream.linear.gather [hbm4b:s22+s3], $0x50, $0x38;
	[tilespmem:$0x1E100] =	vst v63  }
0x58: {  	_ = 	snop  }
0x59: {  	[tilespmem:s2], [sflag:$0x1] =	stream.indirect.gather [hbm4b:s16+s7], $0x80, s3, s7, $0xb8;
	[tilespmem:$0x1E100] =	vst v63  }
0x5a: {  	s23 =	rddreg [dreg:$0x15]  }
0x5b: {  	[tilespmem:s8], [sflag:$0x8] =	stream.linear.gather [hbm4b:s23+s3], $0x50, $0x38;
	[tilespmem:$0x1E100] =	vst v63  }
0x5c: {  	_ = 	snop  }
0x5d: {  	[tilespmem:s9], [sflag:$0x2] =	stream.indirect.gather [hbm4b:s16+s7], $0x80, s7, s7, $0xb8;
	[tilespmem:$0x1E100] =	vst v63  }
0x5e: {  	s25 =	rddreg [dreg:$0x16]  }
0x5f: {  	[tilespmem:s10], [sflag:$0x9] =	stream.linear.gather [hbm4b:s25+s3], $0x50, $0x38;
	[tilespmem:$0x1E100] =	vst v63  }
0x60: {  	s19 =	simm.s32 $0xA0  }
0x61: {  	[tilespmem:s11], [sflag:$0x3] =	stream.indirect.gather [hbm4b:s16+s7], $0x80, s19, s7, $0xb8;
	[tilespmem:$0x1E100] =	vst v63  }
0x62: {  	_ =	swait.ge [sflag:s12], $0x2800  }
0x63: {  	[sflag:s12] =	ssyncset.done $0x0  }
0x64: {  	[sflag:s12] =	ssyncadd.s32 $0xFFFFD800  }
0x65: {  	_ =	swait.ge [sflag:s17], $0x50  }
0x66: {  	[sflag:s17] =	ssyncset.done $0x0  }
0x67: {  	[sflag:s17] =	ssyncadd.s32 $0xFFFFFFB0  }
0x68: {  	[spmem:s1] =	stream.indirect.scatter.add.f32 [tilespmem:s2], [sflag:$0x4], $0x80, s6, s7, $0xb8;
	[tilespmem:$0x1E100] =	vst v63  }
0x69: {  	_ =	swait.ge [sflag:s26], $0x2800  }
0x6a: {  	[sflag:s26] =	ssyncset.done $0x0  }
0x6b: {  	[sflag:s26] =	ssyncadd.s32 $0xFFFFD800  }
0x6c: {  	_ =	swait.ge [sflag:s28], $0x50  }
0x6d: {  	[sflag:s28] =	ssyncset.done $0x0  }
0x6e: {  	[sflag:s28] =	ssyncadd.s32 $0xFFFFFFB0  }
0x6f: {  	[spmem:s1] =	stream.indirect.scatter.add.f32 [tilespmem:s9], [sflag:$0x5], $0x80, s8, s7, $0xb8;
	[tilespmem:$0x1E100] =	vst v63  }
0x70: {  	_ =	swait.ge [sflag:s29], $0x2800  }
0x71: {  	[sflag:s29] =	ssyncset.done $0x0  }
0x72: {  	s20 =	sadd.s32 $0x0, s15;
	[sflag:s29] =	ssyncadd.s32 $0xFFFFD800  }
0x73: {  	[tilespmem:s6], [sflag:$0x7] =	stream.linear.gather [hbm4b:s20+s3], $0x50, $0x38;
	[tilespmem:$0x1E100] =	vst v63  }
0x74: {  	s21 =	simm.s32 $0xF0  }
0x75: {  	[tilespmem:s2], [sflag:$0x1] =	stream.indirect.gather [hbm4b:s16+s7], $0x80, s21, s7, $0xb8;
	[tilespmem:$0x1E100] =	vst v63  }
0x76: {  	_ =	swait.ge [sflag:s30], $0x2800  }
0x77: {  	[sflag:s30] =	ssyncset.done $0x0  }
0x78: {  	[sflag:s30] =	ssyncadd.s32 $0xFFFFD800  }
0x79: {  	_ =	swait.ge [sflag:s4], $0x50  }
0x7a: {  	[sflag:s4] =	ssyncset.done $0x0  }
0x7b: {  	[sflag:s4] =	ssyncadd.s32 $0xFFFFFFB0  }
0x7c: {  	[spmem:s1] =	stream.indirect.scatter.add.f32 [tilespmem:s11], [sflag:$0x6], $0x80, s10, s7, $0xb8;
	[tilespmem:$0x1E100] =	vst v63  }
0x7d: {  	_ =	swait.ge [sflag:s31], $0x2800  }
0x7e: {  	[sflag:s31] =	ssyncset.done $0x0  }
0x7f: {  	s22 =	sadd.s32 $0x0, s14;
	[sflag:s31] =	ssyncadd.s32 $0xFFFFD800  }
0x80: {  	[tilespmem:s8], [sflag:$0x8] =	stream.linear.gather [hbm4b:s22+s3], $0x50, $0x38;
	[tilespmem:$0x1E100] =	vst v63  }
0x81: {  	s23 =	simm.s32 $0x140  }
0x82: {  	[tilespmem:s9], [sflag:$0x2] =	stream.indirect.gather [hbm4b:s16+s7], $0x80, s23, s7, $0xb8;
	[tilespmem:$0x1E100] =	vst v63  }
0x83: {  	_ =	swait.ge [sflag:s12], $0x2800  }
0x84: {  	[sflag:s12] =	ssyncset.done $0x0  }
0x85: {  	[sflag:s12] =	ssyncadd.s32 $0xFFFFD800  }
0x86: {  	_ =	swait.ge [sflag:s17], $0x50  }
0x87: {  	[sflag:s17] =	ssyncset.done $0x0  }
0x88: {  	[sflag:s17] =	ssyncadd.s32 $0xFFFFFFB0  }
0x89: {  	[spmem:s1] =	stream.indirect.scatter.add.f32 [tilespmem:s2], [sflag:$0x4], $0x80, s6, s7, $0xb8;
	[tilespmem:$0x1E100] =	vst v63  }
0x8a: {  	_ =	swait.ge [sflag:s0], $0x2800  }
0x8b: {  	s25 =	sadd.s32 $0x0, s13;
	s19 =	simm.s32 $0x190;
	[sflag:s0] =	ssyncset.done $0x0  }
0x8c: {  	s20 =	simm.s32 $0x1E;
	s21 =	simm.s32 $0x280;
	[sflag:s0] =	ssyncadd.s32 $0xFFFFD800  }
0x8d: {  	[tilespmem:s10], [sflag:$0x9] =	stream.linear.gather [hbm4b:s25+s3], $0x50, $0x38;
	[tilespmem:$0x1E100] =	vst v63  }
.LBB2_2:
0x8e: {  	[tilespmem:s11], [sflag:$0x3] =	stream.indirect.gather [hbm4b:s16+s7], $0x80, s19, s7, $0xb8;
	[tilespmem:$0x1E100] =	vst v63  }
0x8f: {  	s22 =	smov.u32 s20;
	s19 =	smov.u32 s21  }
0x90: {  	p0 =	sne.s32 s20, $0x492;
	s20 =	sadd.s32 $0x1E, s20;
	_ =	swait.ge [sflag:s26], $0x2800  }
0x91: {  	[sflag:s26] =	ssyncset.done $0x0  }
0x92: {  	[sflag:s26] =	ssyncadd.s32 $0xFFFFD800  }
0x93: {  	_ =	swait.ge [sflag:s28], $0x50  }
0x94: {  	[sflag:s28] =	ssyncset.done $0x0  }
0x95: {  	[sflag:s28] =	ssyncadd.s32 $0xFFFFFFB0  }
0x96: {  	[spmem:s1] =	stream.indirect.scatter.add.f32 [tilespmem:s9], [sflag:$0x5], $0x80, s8, s7, $0xb8;
	[tilespmem:$0x1E100] =	vst v63  }
0x97: {  	_ =	swait.ge [sflag:s29], $0x2800  }
0x98: {  	[sflag:s29] =	ssyncset.done $0x0  }
0x99: {  	s23 =	sadd.s32 s22, s15;
	[sflag:s29] =	ssyncadd.s32 $0xFFFFD800  }
0x9a: {  	[tilespmem:s6], [sflag:$0x7] =	stream.linear.gather [hbm4b:s23+s3], $0x50, $0x38;
	[tilespmem:$0x1E100] =	vst v63  }
0x9b: {  	s23 =	sadd.s32 $0xFFFFFF60, s21  }
0x9c: {  	[tilespmem:s2], [sflag:$0x1] =	stream.indirect.gather [hbm4b:s16+s7], $0x80, s23, s7, $0xb8;
	[tilespmem:$0x1E100] =	vst v63  }
0x9d: {  	_ =	swait.ge [sflag:s30], $0x2800  }
0x9e: {  	[sflag:s30] =	ssyncset.done $0x0  }
0x9f: {  	[sflag:s30] =	ssyncadd.s32 $0xFFFFD800  }
0xa0: {  	_ =	swait.ge [sflag:s4], $0x50  }
0xa1: {  	[sflag:s4] =	ssyncset.done $0x0  }
0xa2: {  	[sflag:s4] =	ssyncadd.s32 $0xFFFFFFB0  }
0xa3: {  	[spmem:s1] =	stream.indirect.scatter.add.f32 [tilespmem:s11], [sflag:$0x6], $0x80, s10, s7, $0xb8;
	[tilespmem:$0x1E100] =	vst v63  }
0xa4: {  	_ =	swait.ge [sflag:s31], $0x2800  }
0xa5: {  	[sflag:s31] =	ssyncset.done $0x0  }
0xa6: {  	s23 =	sadd.s32 s22, s14;
	[sflag:s31] =	ssyncadd.s32 $0xFFFFD800  }
0xa7: {  	[tilespmem:s8], [sflag:$0x8] =	stream.linear.gather [hbm4b:s23+s3], $0x50, $0x38;
	[tilespmem:$0x1E100] =	vst v63  }
0xa8: {  	s23 =	sadd.s32 $0xFFFFFFB0, s21  }
0xa9: {  	[tilespmem:s9], [sflag:$0x2] =	stream.indirect.gather [hbm4b:s16+s7], $0x80, s23, s7, $0xb8;
	[tilespmem:$0x1E100] =	vst v63  }
0xaa: {  	_ =	swait.ge [sflag:s12], $0x2800  }
0xab: {  	[sflag:s12] =	ssyncset.done $0x0  }
0xac: {  	[sflag:s12] =	ssyncadd.s32 $0xFFFFD800  }
0xad: {  	_ =	swait.ge [sflag:s17], $0x50  }
0xae: {  	[sflag:s17] =	ssyncset.done $0x0  }
0xaf: {  	[sflag:s17] =	ssyncadd.s32 $0xFFFFFFB0  }
0xb0: {  	[spmem:s1] =	stream.indirect.scatter.add.f32 [tilespmem:s2], [sflag:$0x4], $0x80, s6, s7, $0xb8;
	[tilespmem:$0x1E100] =	vst v63  }
.Ltmp0:
0xb1: {  	_ =	swait.ge [sflag:s0], $0x2800;
	(pc) =	sbr.rel @p0 .LBB2_2-.Ltmp0, $4  }
0xb2: {  	[sflag:s0] =	ssyncset.done $0x0  }
0xb3: {  	s22 =	sadd.s32 s22, s13;
	[sflag:s0] =	ssyncadd.s32 $0xFFFFD800  }
0xb4: {  	[tilespmem:s10], [sflag:$0x9] =	stream.linear.gather [hbm4b:s22+s3], $0x50, $0x38;
	[tilespmem:$0x1E100] =	vst v63  }
0xb5: {  	s21 =	sadd.s32 $0xF0, s21  }
0xb6: {  	[tilespmem:s11], [sflag:$0x3] =	stream.indirect.gather [hbm4b:s16+s7], $0x80, s19, s7, $0xb8;
	[tilespmem:$0x1E100] =	vst v63  }
0xb7: {  	_ =	swait.ge [sflag:s26], $0x2800  }
0xb8: {  	[sflag:s26] =	ssyncset.done $0x0  }
0xb9: {  	[sflag:s26] =	ssyncadd.s32 $0xFFFFD800  }
0xba: {  	_ =	swait.ge [sflag:s28], $0x50  }
0xbb: {  	[sflag:s28] =	ssyncset.done $0x0  }
0xbc: {  	[sflag:s28] =	ssyncadd.s32 $0xFFFFFFB0  }
0xbd: {  	[spmem:s1] =	stream.indirect.scatter.add.f32 [tilespmem:s9], [sflag:$0x5], $0x80, s8, s7, $0xb8;
	[tilespmem:$0x1E100] =	vst v63  }
0xbe: {  	_ =	swait.ge [sflag:s29], $0x2800  }
0xbf: {  	[sflag:s29] =	ssyncset.done $0x0  }
0xc0: {  	s18 =	rddreg [dreg:$0x17];
	[sflag:s29] =	ssyncadd.s32 $0xFFFFD800  }
0xc1: {  	[tilespmem:s6], [sflag:$0x7] =	stream.linear.gather [hbm4b:s18+s3], $0x50, $0x38;
	[tilespmem:$0x1E100] =	vst v63  }
0xc2: {  	s25 =	simm.s32 $0x2670  }
0xc3: {  	[tilespmem:s2], [sflag:$0x1] =	stream.indirect.gather [hbm4b:s16+s7], $0x80, s25, s7, $0xb8;
	[tilespmem:$0x1E100] =	vst v63  }
0xc4: {  	_ =	swait.ge [sflag:s30], $0x2800  }
0xc5: {  	[sflag:s30] =	ssyncset.done $0x0  }
0xc6: {  	[sflag:s30] =	ssyncadd.s32 $0xFFFFD800  }
0xc7: {  	_ =	swait.ge [sflag:s4], $0x50  }
0xc8: {  	[sflag:s4] =	ssyncset.done $0x0  }
0xc9: {  	[sflag:s4] =	ssyncadd.s32 $0xFFFFFFB0  }
0xca: {  	[spmem:s1] =	stream.indirect.scatter.add.f32 [tilespmem:s11], [sflag:$0x6], $0x80, s10, s7, $0xb8;
	[tilespmem:$0x1E100] =	vst v63  }
0xcb: {  	_ =	swait.ge [sflag:s31], $0x2800  }
0xcc: {  	[sflag:s31] =	ssyncset.done $0x0  }
0xcd: {  	s19 =	rddreg [dreg:$0x18];
	[sflag:s31] =	ssyncadd.s32 $0xFFFFD800  }
0xce: {  	[tilespmem:s8], [sflag:$0x8] =	stream.linear.gather [hbm4b:s19+s3], $0x50, $0x38;
	[tilespmem:$0x1E100] =	vst v63  }
0xcf: {  	s20 =	simm.s32 $0x26C0  }
0xd0: {  	[tilespmem:s9], [sflag:$0x2] =	stream.indirect.gather [hbm4b:s16+s7], $0x80, s20, s7, $0xb8;
	[tilespmem:$0x1E100] =	vst v63  }
0xd1: {  	_ =	swait.ge [sflag:s12], $0x2800  }
0xd2: {  	[sflag:s12] =	ssyncset.done $0x0  }
0xd3: {  	[sflag:s12] =	ssyncadd.s32 $0xFFFFD800  }
0xd4: {  	_ =	swait.ge [sflag:s17], $0x50  }
0xd5: {  	[sflag:s17] =	ssyncset.done $0x0  }
0xd6: {  	[sflag:s17] =	ssyncadd.s32 $0xFFFFFFB0  }
0xd7: {  	[spmem:s1] =	stream.indirect.scatter.add.f32 [tilespmem:s2], [sflag:$0x4], $0x80, s6, s7, $0xb8;
	[tilespmem:$0x1E100] =	vst v63  }
0xd8: {  	_ =	swait.ge [sflag:s0], $0x2800  }
0xd9: {  	[sflag:s0] =	ssyncset.done $0x0  }
0xda: {  	[sflag:s0] =	ssyncadd.s32 $0xFFFFD800  }
0xdb: {  	_ =	swait.ge [sflag:s26], $0x2800  }
0xdc: {  	[sflag:s26] =	ssyncset.done $0x0  }
0xdd: {  	[sflag:s26] =	ssyncadd.s32 $0xFFFFD800  }
0xde: {  	_ =	swait.ge [sflag:s28], $0x50  }
0xdf: {  	[sflag:s28] =	ssyncset.done $0x0  }
0xe0: {  	[sflag:s28] =	ssyncadd.s32 $0xFFFFFFB0  }
0xe1: {  	[spmem:s1] =	stream.indirect.scatter.add.f32 [tilespmem:s9], [sflag:$0x5], $0x80, s8, s7, $0xb8;
	[tilespmem:$0x1E100] =	vst v63  }
0xe2: {  	_ =	swait.ge [sflag:s29], $0x2800  }
0xe3: {  	[sflag:s29] =	ssyncset.done $0x0  }
0xe4: {  	[sflag:s29] =	ssyncadd.s32 $0xFFFFD800  }
0xe5: {  	_ =	swait.ge [sflag:s31], $0x2800  }
0xe6: {  	[sflag:s31] =	ssyncset.done $0x0  }
0xe7: {  	[sflag:s31] =	ssyncadd.s32 $0xFFFFD800  }
0xe8: {  	[bflag:$0x0] =	sbarrier.arrive $0xFFFF  }
0xe9: {  	[tilespmem:s2], [sflag:$0xA] =	stream.linear.gather [spmem:s24], $0x2800, $0x38;
	[tilespmem:$0x1E100] =	vst v63  }
0xea: {  	_ =	swait.ge [sflag:s5], $0x2800  }
0xeb: {  	[sflag:s5] =	ssyncset.done $0x0  }
0xec: {  	s21 =	rddreg [dreg:$0x4];
	[sflag:s5] =	ssyncadd.s32 $0xFFFFD800  }
0xed: {  	[hbm4b:s21+s3] =	stream.linear.scatter [tilespmem:s2], [sflag:$0xA], $0x2800, $0x38;
	[tilespmem:$0x1E100] =	vst v63  }
0xee: {  	_ =	swait.ge [sflag:s5], $0x2800  }
0xef: {  	[sflag:s5] =	ssyncset.done $0x0  }
0xf0: {  	s22 =	rddreg [dreg:$0x1a];
	[sflag:s5] =	ssyncadd.s32 $0xFFFFD800  }
0xf1: {  	[tilespmem:s2], [sflag:$0xA] =	stream.linear.gather [spmem:s22], $0x2800, $0x38;
	[tilespmem:$0x1E100] =	vst v63  }
0xf2: {  	_ =	swait.ge [sflag:s5], $0x2800  }
0xf3: {  	[sflag:s5] =	ssyncset.done $0x0  }
0xf4: {  	s23 =	rddreg [dreg:$0x5];
	[sflag:s5] =	ssyncadd.s32 $0xFFFFD800  }
0xf5: {  	[hbm4b:s23+s3] =	stream.linear.scatter [tilespmem:s2], [sflag:$0xA], $0x2800, $0x38;
	[tilespmem:$0x1E100] =	vst v63  }
0xf6: {  	_ =	swait.ge [sflag:s5], $0x2800  }
0xf7: {  	[sflag:s5] =	ssyncset.done $0x0  }
0xf8: {  	s23 =	rddreg [dreg:$0xd];
	[sflag:s5] =	ssyncadd.s32 $0xFFFFD800  }
0xf9: {  	[tilespmem:s2], [sflag:$0xA] =	stream.linear.gather [spmem:s23], $0x2800, $0x38;
	[tilespmem:$0x1E100] =	vst v63  }
0xfa: {  	_ =	swait.ge [sflag:s5], $0x2800  }
0xfb: {  	[sflag:s5] =	ssyncset.done $0x0  }
0xfc: {  	s24 =	rddreg [dreg:$0x6];
	[sflag:s5] =	ssyncadd.s32 $0xFFFFD800  }
0xfd: {  	[hbm4b:s24+s3] =	stream.linear.scatter [tilespmem:s2], [sflag:$0xA], $0x2800, $0x38;
	[tilespmem:$0x1E100] =	vst v63  }
0xfe: {  	_ =	swait.ge [sflag:s5], $0x2800  }
0xff: {  	[sflag:s5] =	ssyncset.done $0x0  }
0x100: {  	s20 =	rddreg [dreg:$0xe];
	[sflag:s5] =	ssyncadd.s32 $0xFFFFD800  }
0x101: {  	[tilespmem:s2], [sflag:$0xA] =	stream.linear.gather [spmem:s20], $0x2800, $0x38;
	[tilespmem:$0x1E100] =	vst v63  }
0x102: {  	_ =	swait.ge [sflag:s5], $0x2800  }
0x103: {  	[sflag:s5] =	ssyncset.done $0x0  }
0x104: {  	s25 =	rddreg [dreg:$0x7];
	[sflag:s5] =	ssyncadd.s32 $0xFFFFD800  }
0x105: {  	[hbm4b:s25+s3] =	stream.linear.scatter [tilespmem:s2], [sflag:$0xA], $0x2800, $0x38;
	[tilespmem:$0x1E100] =	vst v63  }
0x106: {  	_ =	swait.ge [sflag:s5], $0x2800  }
0x107: {  	[sflag:s5] =	ssyncset.done $0x0  }
0x108: {  	s24 =	rddreg [dreg:$0xf];
	[sflag:s5] =	ssyncadd.s32 $0xFFFFD800  }
0x109: {  	[tilespmem:s2], [sflag:$0xA] =	stream.linear.gather [spmem:s24], $0x2800, $0x38;
	[tilespmem:$0x1E100] =	vst v63  }
0x10a: {  	_ =	swait.ge [sflag:s5], $0x2800  }
0x10b: {  	[sflag:s5] =	ssyncset.done $0x0  }
0x10c: {  	s18 =	rddreg [dreg:$0x8];
	[sflag:s5] =	ssyncadd.s32 $0xFFFFD800  }
0x10d: {  	[hbm4b:s18+s3] =	stream.linear.scatter [tilespmem:s2], [sflag:$0xA], $0x2800, $0x38;
	[tilespmem:$0x1E100] =	vst v63  }
0x10e: {  	_ =	swait.ge [sflag:s5], $0x2800  }
0x10f: {  	[sflag:s5] =	ssyncset.done $0x0  }
0x110: {  	s25 =	rddreg [dreg:$0x10];
	[sflag:s5] =	ssyncadd.s32 $0xFFFFD800  }
0x111: {  	[tilespmem:s2], [sflag:$0xA] =	stream.linear.gather [spmem:s25], $0x2800, $0x38;
	[tilespmem:$0x1E100] =	vst v63  }
0x112: {  	_ =	swait.ge [sflag:s5], $0x2800  }
0x113: {  	[sflag:s5] =	ssyncset.done $0x0  }
0x114: {  	s21 =	rddreg [dreg:$0x9];
	[sflag:s5] =	ssyncadd.s32 $0xFFFFD800  }
0x115: {  	[hbm4b:s21+s3] =	stream.linear.scatter [tilespmem:s2], [sflag:$0xA], $0x2800, $0x38;
	[tilespmem:$0x1E100] =	vst v63  }
0x116: {  	_ =	swait.ge [sflag:s5], $0x2800  }
0x117: {  	[sflag:s5] =	ssyncset.done $0x0  }
0x118: {  	s18 =	rddreg [dreg:$0x11];
	[sflag:s5] =	ssyncadd.s32 $0xFFFFD800  }
0x119: {  	[tilespmem:s2], [sflag:$0xA] =	stream.linear.gather [spmem:s18], $0x2800, $0x38;
	[tilespmem:$0x1E100] =	vst v63  }
0x11a: {  	_ =	swait.ge [sflag:s5], $0x2800  }
0x11b: {  	[sflag:s5] =	ssyncset.done $0x0  }
0x11c: {  	s22 =	rddreg [dreg:$0xa];
	[sflag:s5] =	ssyncadd.s32 $0xFFFFD800  }
0x11d: {  	[hbm4b:s22+s3] =	stream.linear.scatter [tilespmem:s2], [sflag:$0xA], $0x2800, $0x38;
	[tilespmem:$0x1E100] =	vst v63  }
0x11e: {  	_ =	swait.ge [sflag:s5], $0x2800  }
0x11f: {  	[sflag:s5] =	ssyncset.done $0x0  }
0x120: {  	s22 =	rddreg [dreg:$0x12];
	[sflag:s5] =	ssyncadd.s32 $0xFFFFD800  }
0x121: {  	[tilespmem:s2], [sflag:$0xA] =	stream.linear.gather [spmem:s22], $0x2800, $0x38;
	[tilespmem:$0x1E100] =	vst v63  }
0x122: {  	_ =	swait.ge [sflag:s5], $0x2800  }
0x123: {  	[sflag:s5] =	ssyncset.done $0x0  }
0x124: {  	s21 =	rddreg [dreg:$0xb];
	[sflag:s5] =	ssyncadd.s32 $0xFFFFD800  }
0x125: {  	[hbm4b:s21+s3] =	stream.linear.scatter [tilespmem:s2], [sflag:$0xA], $0x2800, $0x38;
	[tilespmem:$0x1E100] =	vst v63  }
0x126: {  	_ =	swait.ge [sflag:s5], $0x2800  }
0x127: {  	s21 =	rddreg [dreg:$0x19]  }
0x128: {  	s19 =	rddreg [dreg:$0x13];
	s21 =	sadd.s32 $0x1, s21  }
0x129: {  	p0 =	sne.s32 s21, s19  }
.Ltmp1:
0x12a: {  	_ = 	snop;
	(pc) =	sbr.rel @p0 .LBB2_1-.Ltmp1, $3  }
0x12b: {  	_ =	sdelay $0x1  }
0x12c: {  	[sflag:s5] =	ssyncset.done $0x0;
	[dreg:$0x19] =	wrdreg s21  }
0x12d: {  	[sflag:s5] =	ssyncadd.s32 $0xFFFFD800;
	s21 =	rddreg [dreg:$0x1b]  }
0x12e: {  	_ =	sfence.sel $0x180000  }
0x12f: {  	[bflag:$0x0] =	sbarrier.arrive $0xFFFF  }
0x130: {  	_ =	strace $0x9000004D  }
0x131: {  	s0 =	stileid.u32;
	[bflag:$0x2] =	sbarrier.arrive $0xFFFF  }
0x132: {  	p0 =	sne.s32 s0, $0x0;
	s0 =	rddreg [dreg:$0x2]  }
0x133: {  	s0 =	sadd.s32 @!p0 $0x100000, s0  }
0x134: {  	[sflag:s0] =	ssyncadd.tile.s32 @!p0 $0x1;
	_ =	shalt  }
.Lfunc_end2:
_tile_overlayer_lowered:
.L_overlay_start_2:
0x135: {  	(tag) =	ssettag $0x2  }
0x136: {  	s0 =	rddreg [dreg:$0x0];
	s2 =	stileid.u32  }
0x137: {  	s1 =	rddreg [dreg:$0x1];
	p0 =	sne.s32 s2, $0x0  }
0x138: {  	s3 =	rddreg [dreg:$0x2];
	[bflag:$0x3] =	sbarrier.arrive $0xFFFF;
	s2 =	simm.s32 @!p0 $0x1C0A  }
0x139: {  	[timem:s3], [sflag:s2] =	dma.local @!p0 [hbm:s0], s1  }
0x13a: {  	s0 =	simm.s32 @!p0 $0xA  }
0x13b: {  	_ =	swait.ge @!p0 [sflag:s0], s1  }
0x13c: {  	s1 =	ssub.s32 @!p0 $0x0, s1;
	[sflag:s0] =	ssyncset.done @!p0 $0x0  }
0x13d: {  	[sflag:s0] =	ssyncadd.s32 @!p0 s1  }
0x13e: {  	[bflag:$0x3] =	sbarrier.arrive $0xFFFF  }
0x13f: {  	_ =	shalt  }

// kernel: kernel.8.cloned.1.call-start
scs
__scs_entry_jumppad:
0x0: {  	(pc) =	sbr.rel $0x88, $3  }
0x1: {  	(tag) =	ssettag $0x0;
	lr =	simm.s32 $0x1  }
0x2: {  	[smem:$0x3F98] =	sst lr;
	_ =	strace $0xD0000000  }
0x3: {  	_ = 	snop  }
0x4: {  	_ = 	snop  }
0x5: {  	_ = 	snop  }
0x6: {  	_ = 	snop  }
0x7: {  	_ = 	snop  }
__scs_overlays_trampoline_lowered:
0x8: {  	[smem:$0x3FA7] =	sst s0  }
0x9: {  	[smem:$0x3FA8] =	sst s1  }
0xa: {  	[smem:$0x3FA9] =	sst s2  }
0xb: {  	[smem:$0x3FAA] =	sst s3  }
0xc: {  	[smem:$0x3FAB] =	sst s4  }
0xd: {  	[smem:$0x3FAC] =	sst s5  }
0xe: {  	[smem:$0x3FAD] =	sst s6  }
0xf: {  	[smem:$0x3FAE] =	sst s7  }
0x10: {  	[smem:$0x3FAF] =	sst s8  }
0x11: {  	[smem:$0x3FB0] =	sst s9;
	s0 =	simm.s32 @!p0 $0x0  }
0x12: {  	s1 =	sld [smem:$0x3F96];
	s0 =	simm.s32 @p0 $0x1  }
0x13: {  	[smem:$0x3FB1] =	sst s0;
	s0 =	simm.s32 @!p1 $0x0  }
0x14: {  	s2 =	sld [smem:$0x3F95];
	s0 =	simm.s32 @p1 $0x1  }
0x15: {  	[smem:$0x3FB2] =	sst s0;
	s0 =	simm.s32 @!p2 $0x0  }
0x16: {  	s3 =	sld [smem:$0x3FDB];
	s0 =	simm.s32 @p2 $0x1  }
0x17: {  	s4 =	simm.s32 $0x1BF5;
	[smem:$0x3FB4] =	sst s0  }
0x18: {  	s0 =	sld [smem:$0x3F97];
	_ =	swait.ge [sflag:s4], $0x0  }
0x19: {  	s7 =	sld [smem:$0x3F98]  }
0x1a: {  	s8 =	sadd.s32 $0xFFFFE003, lr  }
0x1b: {  	s9 =	sadd.s32 $0xFFFFFEF7, lr;
	s5 =	simm.s32 $0xFFFFFFFF;
	p2 =	slt.u32 s8, $0xFFFFF086  }
0x1c: {  	p1 =	slt.u32 s9, $0xF7A;
	s5 =	simm.s32 @!p2 $0x0  }
0x1d: {  	s5 =	simm.s32 @p1 $0x1;
	p0 =	seq.s32 s7, s2  }
0x1e: {  	s7 =	smul.u32 @!p0 $0xF7A, s2;
	p2 =	seq.s32 @!p0 s5, $0x0  }
0x1f: {  	s9 =	smul.u32 $0xF7A, s1;
	s8 =	simm.s32 @!p0 $0x1BF5;
	p2 =	por !p2, p0  }
0x20: {  	[sflag:s8] =	ssyncset.s32 @!p0 $0xFFFFF086;
	s6 =	sadd.s32 @!p0 s3, s7;
	s7 =	simm.s32 @!p0 $0x108  }
0x21: {  	s3 =	sadd.s32 s3, s9;
	s6 =	sadd.s32 @!p0 $0x88, s6;
	s7 =	simm.s32 @p2 $0x1082  }
0x22: {  	[simem:s7], [sflag:s8] =	dma.local @!p0 [hbm:s6], $0xF7A  }
0x23: {  	s9 =	sor.u32 $0xD0000000, s2;
	s6 =	simm.s32 $0x108;
	_ =	swait.ge @!p0 [sflag:s8], $0x0  }
0x24: {  	s3 =	sadd.s32 $0x88, s3;
	s6 =	simm.s32 @!p1 $0x1082;
	[sflag:s4] =	ssyncset.s32 $0xFFFFF086  }
0x25: {  	[simem:s6], [sflag:s4] =	dma.local [hbm:s3], $0xF7A  }
0x26: {  	[smem:$0x3F98] =	sst s1;
	(tag) =	ssettag s2;
	_ =	strace s9  }
0x27: {  	s1 =	sld [smem:$0x3FA8]  }
0x28: {  	s2 =	sld [smem:$0x3FA9]  }
0x29: {  	s4 =	sld [smem:$0x3FAB]  }
0x2a: {  	p0 =	seq.s32 s5, $0x0;
	s5 =	sld [smem:$0x3FAC]  }
0x2b: {  	s6 =	sld [smem:$0x3FAD]  }
0x2c: {  	s7 =	sld [smem:$0x3FAE]  }
0x2d: {  	s3 =	simm.s32 $0x108;
	s8 =	sld [smem:$0x3FAF]  }
0x2e: {  	s3 =	simm.s32 @!p0 $0x1082;
	s9 =	sld [smem:$0x3FB0]  }
0x2f: {  	lr =	sadd.s32 s0, s3;
	s0 =	sld [smem:$0x3FA7]  }
0x30: {  	s3 =	sld [smem:$0x3FAA]  }
0x31: {  	[smem:$0x3FB3] =	sst s10  }
0x32: {  	s10 =	sld [smem:$0x3FB1];
	_ =	sdelay $0x3  }
0x33: {  	p0 =	seq.s32 s10, $0x1;
	s10 =	sld [smem:$0x3FB3];
	_ =	sdelay $0x3  }
0x34: {  	[smem:$0x3FB3] =	sst s10  }
0x35: {  	s10 =	sld [smem:$0x3FB2];
	_ =	sdelay $0x3  }
0x36: {  	p1 =	seq.s32 s10, $0x1;
	s10 =	sld [smem:$0x3FB3];
	_ =	sdelay $0x3  }
0x37: {  	[smem:$0x3FB3] =	sst s10  }
0x38: {  	s10 =	sld [smem:$0x3FB4]  }
0x39: {  	_ = 	snop;
	(pc) =	sbr.ind lr, $3  }
0x3a: {  	_ = 	snop  }
0x3b: {  	_ = 	snop  }
0x3c: {  	p2 =	seq.s32 s10, $0x1;
	s10 =	sld [smem:$0x3FB3]  }
0x3d: {  	_ =	shalt  }
0x3e: {  	_ =	shalt  }
0x3f: {  	_ =	shalt  }
0x40: {  	_ =	shalt  }
0x41: {  	_ =	shalt  }
0x42: {  	_ =	shalt  }
0x43: {  	_ =	shalt  }
0x44: {  	_ =	shalt  }
0x45: {  	_ =	shalt  }
0x46: {  	_ =	shalt  }
0x47: {  	_ =	shalt  }
0x48: {  	_ =	shalt  }
0x49: {  	_ =	shalt  }
0x4a: {  	_ =	shalt  }
0x4b: {  	_ =	shalt  }
0x4c: {  	_ =	shalt  }
0x4d: {  	_ =	shalt  }
0x4e: {  	_ =	shalt  }
0x4f: {  	_ =	shalt  }
0x50: {  	_ =	shalt  }
0x51: {  	_ =	shalt  }
0x52: {  	_ =	shalt  }
0x53: {  	_ =	shalt  }
0x54: {  	_ =	shalt  }
0x55: {  	_ =	shalt  }
0x56: {  	_ =	shalt  }
0x57: {  	_ =	shalt  }
0x58: {  	_ =	shalt  }
0x59: {  	_ =	shalt  }
0x5a: {  	_ =	shalt  }
0x5b: {  	_ =	shalt  }
0x5c: {  	_ =	shalt  }
0x5d: {  	_ =	shalt  }
0x5e: {  	_ =	shalt  }
0x5f: {  	_ =	shalt  }
0x60: {  	_ =	shalt  }
0x61: {  	_ =	shalt  }
0x62: {  	_ =	shalt  }
0x63: {  	_ =	shalt  }
0x64: {  	_ =	shalt  }
0x65: {  	_ =	shalt  }
0x66: {  	_ =	shalt  }
0x67: {  	_ =	shalt  }
0x68: {  	_ =	shalt  }
0x69: {  	_ =	shalt  }
0x6a: {  	_ =	shalt  }
0x6b: {  	_ =	shalt  }
0x6c: {  	_ =	shalt  }
0x6d: {  	_ =	shalt  }
0x6e: {  	_ =	shalt  }
0x6f: {  	_ =	shalt  }
0x70: {  	_ =	shalt  }
0x71: {  	_ =	shalt  }
0x72: {  	_ =	shalt  }
0x73: {  	_ =	shalt  }
0x74: {  	_ =	shalt  }
0x75: {  	_ =	shalt  }
0x76: {  	_ =	shalt  }
0x77: {  	_ =	shalt  }
0x78: {  	_ =	shalt  }
0x79: {  	_ =	shalt  }
0x7a: {  	_ =	shalt  }
0x7b: {  	_ =	shalt  }
0x7c: {  	_ =	shalt  }
0x7d: {  	_ =	shalt  }
0x7e: {  	_ =	shalt  }
0x7f: {  	_ =	shalt  }
0x80: {  	_ =	shalt  }
0x81: {  	_ =	shalt  }
0x82: {  	_ =	shalt  }
0x83: {  	_ =	shalt  }
0x84: {  	_ =	shalt  }
0x85: {  	_ =	shalt  }
0x86: {  	_ =	shalt  }
0x87: {  	_ =	shalt  }
.Lfunc_end0:
.L_simem_size_0:
called_computation_lowered:
.L_overlay_start_0:
0x88: {  	s2 =	sld [smem:$0x3FD9]  }
0x89: {  	s3 =	sld [smem:$0x3FFE];
	_ =	sdelay $0x1  }
0x8a: {  	s1 =	srdreg.scid  }
0x8b: {  	s0 =	sand.u32 $0x1, s1  }
0x8c: {  	s16 =	sshll.u32 s0, $0xA;
	s2 =	sadd.s32 s3, s2  }
0x8d: {  	s2 =	sadd.s32 s2, s16  }
0x8e: {  	[smem:$0x3FBF] =	sst s2  }
0x8f: {  	_ = 	snop  }
0x90: {  	(tm) =	ssettm $0x1  }
0x91: {  	s17 =	sld [smem:$0x3FFB];
	_ =	sdelay $0x3  }
0x92: {  	_ =	strace s17  }
0x93: {  	s2 =	sld [smem:$0x3FFC];
	_ =	sdelay $0x3  }
0x94: {  	_ =	strace s2  }
0x95: {  	s2 =	sld [smem:$0x3FFD];
	_ =	sdelay $0x3  }
0x96: {  	_ =	strace s2  }
0x97: {  	_ =	strace $0x8FFFFFFF  }
0x98: {  	s18 =	sld [smem:$0x3FDB];
	_ =	sdelay $0x1  }
0x99: {  	s19 =	simm.s32 $_scs_section_size  }
0x9a: {  	s4 =	simm.s32 $_size__tile_overlayer_lowered;
	s5 =	simm.s32 $_tile_overlayer_lowered  }
0x9b: {  	s22 =	simm.s32 $0x1BFF;
	s21 =	sshll.u32 s5, $0x1;
	s2 =	sadd.s32 s19, s18  }
0x9c: {  	s6 =	simm.s32 $0x0;
	s20 =	sshll.u32 s4, $0x1;
	s4 =	sadd.s32 s21, s2  }
0x9d: {  	[timem:s6], [sflag:s22] =	dma.local [hbm:s4], s20  }
0x9e: {  	_ =	swait.ge [sflag:s22], s20  }
0x9f: {  	s3 =	ssub.s32 $0x0, s20;
	[sflag:s22] =	ssyncset.done $0x0  }
0xa0: {  	[sflag:s22] =	ssyncadd.s32 s3;
	_ =	sdelay $0x1  }
0xa1: {  	s23 =	simm.s32 $0x1B8B  }
0xa2: {  	_ =	swait.ge [sflag:s23], $0x1  }
0xa3: {  	[sflag:s23] =	ssyncset.done $0x0  }
0xa4: {  	s25 =	simm.s32 $0x1B8E;
	s24 =	sld [smem:$0x3FFE];
	[sflag:s23] =	ssyncadd.s32 $0xFFFFFFFF  }
0xa5: {  	s26 =	simm.s32 $execute0_lowered;
	[smem:$0x3FD2] =	sst s25  }
0xa6: {  	s4 =	sshll.u32 s26, $0x1;
	_ =	strace $0x80000046;
	[dreg:$0x1] =	wrdreg $0xFFFFFFFF  }
0xa7: {  	s28 =	simm.s32 $_size_execute0_lowered;
	s2 =	sadd.s32 s2, s4;
	[dreg:$0x0] =	wrdreg $0x0  }
0xa8: {  	s4 =	sshll.u32 s28, $0x1;
	[dreg:$0x2] =	wrdreg s2  }
0xa9: {  	[dreg:$0x3] =	wrdreg s4  }
0xaa: {  	[dreg:$0x4] =	wrdreg $0xC0  }
0xab: {  	_ =	task [dreg:s6], $0x5FFFF  }
0xac: {  	[dreg:$0x1] =	wrdreg $0xFFFFFFFF  }
0xad: {  	[dreg:$0x0] =	wrdreg $0x60  }
0xae: {  	[dreg:$0x2] =	wrdreg s24  }
0xaf: {  	[dreg:$0x3] =	wrdreg $0x9  }
0xb0: {  	_ =	task.clear_ibuf [dreg:s6], $0x4FFFF;
	_ =	strace $0x90000046  }
0xb1: {  	s29 =	simm.s32 $0x9;
	_ =	strace $0x80000048  }
0xb2: {  	_ =	swait.ge [sflag:s29], $0x1  }
0xb3: {  	[sflag:s29] =	ssyncadd.s32 $0xFFFFFFFF  }
0xb4: {  	_ =	strace $0x90000048  }
0xb5: {  	_ =	sfence  }
0xb6: {  	s30 =	sld [smem:$0x0];
	_ =	sdelay $0x2  }
0xb7: {  	s31 =	sshll.u32 s1, $0xD;
	s1 =	sshrl.u32 s1, $0x2  }
0xb8: {  	s3 =	sand.u32 $0x4000, s31;
	s1 =	sadd.s32 s1, s30  }
0xb9: {  	s0 =	sor.u32 s3, s0;
	s1 =	sshll.u32 s1, $0x11  }
0xba: {  	s0 =	sor.u32 s1, s0  }
0xbb: {  	s0 =	sadd.s32 $0x8F2B, s0  }
0xbc: {  	[sflag:s0] =	ssyncadd.remote.s32 $0x1  }
0xbd: {  	_ =	sfence.sel $0xFFFF  }
0xbe: {  	[dreg:$0x0] =	wrdreg $0xFFFFFFFF;
	(pc) =	sbr.abs _section_cstart, $3  }
0xbf: {  	[dreg:$0x1] =	wrdreg $0xFFFFFFFF  }
0xc0: {  	_ =	task.clear_ibuf [dreg:s6], $0x2FFFF;
	_ =	strace $0x9FFFFFFF  }
0xc1: {  	(tm) =	ssettm $0x7FFFFFFF  }
tec
execute0_lowered:
.L_overlay_start_1:
0x0: {  	(tag) =	ssettag $0x1  }
0x1: {  	s0 =	srdreg.scid;
	s5 =	rddreg [dreg:$0x0]  }
0x2: {  	s2 =	simm.s32 $0x0;
	s9 =	simm.s32 $0x80;
	s4 =	sand.u32 $0x1, s0  }
0x3: {  	s10 =	simm.s32 $0x400;
	s0 =	stileid.u32;
	s1 =	sshll.u32 s4, $0x4  }
0x4: {  	s11 =	simm.s32 $0x0;
	[smem:$0x7FF] =	sst s2;
	s3 =	sor.u32 s0, s1  }
0x5: {  	s7 =	sshll.u32 s0, $0x7;
	s4 =	ssub.s32 $0x2, s4;
	s6 =	sshrl.u32 s3, $0x3  }
0x6: {  	s1 =	rddreg [dreg:$0x1];
	s7 =	sand.u32 $0x380, s7;
	s6 =	smul.u32 $0x14000, s6  }
0x7: {  	_ =	strace $0x80000047;
	s30 =	sshrl.u32 s4, $0x1;
	s8 =	smul.u32 $0x2710, s3  }
0x8: {  	s3 =	sadd.s32 $0x16A00, s5;
	s31 =	ssub.s32 s4, s30;
	s6 =	sor.u32 s7, s6  }
0x9: {  	s29 =	sshrl.u32 s8, $0x3;
	s8 =	simm.s32 $0x2780;
	s6 =	sshrl.u32 s6, $0x3  }
0xa: {  	s7 =	simm.s32 $0x1;
	s6 =	sadd.s32 s6, s5;
	s5 =	sadd.s32 s5, s29  }
0xb: {  	v0 =	vimm.f32 $1.000000000e+00;
	s4 =	sadd.s32 $0xCC40, s5;
	s5 =	sadd.s32 $0x17000, s6;
	s6 =	smax.u32 s31, $0x1  }
.LBB2_1:
0xc: {  	[tilespmem:s2], [sflag:$0x1] =	stream.linear.gather [hbm4b:s4+s2], $0x2710, $0x38;
	[tilespmem:$0x4F80] =	vst v63  }
0xd: {  	_ =	swait.ge [sflag:s7], $0x2710  }
0xe: {  	[sflag:s7] =	ssyncset.done $0x0  }
0xf: {  	[sflag:s7] =	ssyncadd.s32 $0xFFFFD8F0  }
0x10: {  	[tilespmem:s8], [sflag:$0x1] =	stream.linear.gather [hbm4b:s3+s2], $0x2800, $0x38;
	[tilespmem:$0x4F80] =	vst v63  }
0x11: {  	_ =	swait.ge [sflag:s7], $0x2800  }
0x12: {  	[sflag:s7] =	ssyncset.done $0x0  }
0x13: {  	s13 =	simm.s32 $0x0;
	s12 =	simm.s32 $0x40;
	[sflag:s7] =	ssyncadd.s32 $0xFFFFD800  }
.LBB2_2:
0x14: {  	p0 =	sne.s32 s12, $0x9C00;
	v1 =	vld [tilespmem:s13+$0x0];
	_ =	sdelay $0x3  }
.Ltmp0:
0x15: {  	(pc) =	sbr.rel @p0 .LBB2_2-.Ltmp0, $2  }
0x16: {  	_ =	sdelay $0x2  }
0x17: {  	s13 =	sshra.s32 s12, $0x2;
	s12 =	sadd.s32 $0x40, s12;
	[tilespmem:v1+s8+$0x0] =	vst.idx.add.f32.msk $0xffff, v0  }
0x18: {  	v1 =	vld [tilespmem:s13+$0x0];
	_ =	sdelay $0x5  }
0x19: {  	s11 =	sadd.s32 $0x1, s11  }
0x1a: {  	p0 =	sne.s32 s11, s6  }
.Ltmp1:
0x1b: {  	[tilespmem:v1+s8+$0x0] =	vst.idx.add.f32.msk $0xffff, v0;
	(pc) =	sbr.rel @p0 .LBB2_1-.Ltmp1, $4  }
0x1c: {  	[hbm4b:s5+s9] =	stream.strided.scatter [tilespmem:s8], [sflag:$0x1], $0x2800, s10, s9, $0x38;
	[tilespmem:$0x4F80] =	vst v63  }
0x1d: {  	_ =	swait.ge [sflag:s7], $0x2800  }
0x1e: {  	[sflag:s7] =	ssyncset.done $0x0  }
0x1f: {  	[sflag:s7] =	ssyncadd.s32 $0xFFFFD800  }
0x20: {  	_ =	sfence.sel $0x180000  }
0x21: {  	[bflag:$0x0] =	sbarrier.arrive $0xFFFF  }
0x22: {  	p0 =	sne.s32 s0, $0x0;
	_ =	strace $0x90000047  }
0x23: {  	s0 =	sadd.s32 @!p0 $0x100000, s1;
	[bflag:$0x2] =	sbarrier.arrive $0xFFFF  }
0x24: {  	[sflag:s0] =	ssyncadd.tile.s32 @!p0 $0x1;
	_ =	shalt  }
.Lfunc_end2:
_tile_overlayer_lowered:
.L_overlay_start_2:
0x25: {  	(tag) =	ssettag $0x2  }
0x26: {  	s0 =	rddreg [dreg:$0x0];
	s2 =	stileid.u32  }
0x27: {  	s1 =	rddreg [dreg:$0x1];
	p0 =	sne.s32 s2, $0x0  }
0x28: {  	s3 =	rddreg [dreg:$0x2];
	[bflag:$0x3] =	sbarrier.arrive $0xFFFF;
	s2 =	simm.s32 @!p0 $0x1C01  }
0x29: {  	[timem:s3], [sflag:s2] =	dma.local @!p0 [hbm:s0], s1  }
0x2a: {  	s0 =	simm.s32 @!p0 $0x1  }
0x2b: {  	_ =	swait.ge @!p0 [sflag:s0], s1  }
0x2c: {  	s1 =	ssub.s32 @!p0 $0x0, s1;
	[sflag:s0] =	ssyncset.done @!p0 $0x0  }
0x2d: {  	[sflag:s0] =	ssyncadd.s32 @!p0 s1  }
0x2e: {  	[bflag:$0x3] =	sbarrier.arrive $0xFFFF  }
0x2f: {  	_ =	shalt  }

</sc_bundles>
